<compile_context>
chip_gen: v7x
topology: tpu7x:2x2x1
jax: 0.10.2.dev20260603
libtpu: 0.0.44.dev20260713+nightly
codegen_flags: <defaults>
</compile_context>

<pallas_src>
import functools

import jax
import jax.numpy as jnp
from jax import lax
from jax.experimental import pallas as pl
from jax.experimental.pallas import tpu as pltpu
from jax.experimental.pallas import tpu_sc as plsc

VOCAB = 8192
NPOS = 16 * 512
NC = 2
NS = 16
NW = NC * NS
PERW = NPOS // NW
K = 8
NCH = PERW // K
LANES = 16
CV = VOCAB // LANES
UNROLL = 16


def _sc_body(table_hbm, idx_hbm, tgt_hbm,
             logits_hbm, sacc_hbm, pacc_hbm,
             idx_v, tgt_v, rows_v, sacc_v, pacc_v, sem):
    c = lax.axis_index("c")
    s = lax.axis_index("s")
    wid = s * NC + c
    base = wid * PERW

    pltpu.sync_copy(idx_hbm.at[pl.ds(base, PERW)], idx_v)
    pltpu.sync_copy(tgt_hbm.at[pl.ds(base, PERW)], tgt_v.at[pl.ds(0, PERW)])

    def chunk(g, pacc):
        off = g * K
        pltpu.async_copy(table_hbm.at[idx_v.at[pl.ds(off, K)]], rows_v,
                         sem).wait()
        for r in range(K):
            def inner(ci, accs):
                base16 = ci * (LANES * UNROLL)
                accs = list(accs)
                for u in range(UNROLL):
                    v = rows_v[r, pl.ds(base16 + u * LANES, LANES)]
                    accs[u % 4] = accs[u % 4] + jnp.exp(v)
                return tuple(accs)
            zero = jnp.zeros((LANES,), jnp.float32)
            a0, a1, a2, a3 = lax.fori_loop(0, CV // UNROLL, inner,
                                           (zero, zero, zero, zero))
            sacc_v[off + r, :] = (a0 + a1) + (a2 + a3)
            t = tgt_v[pl.ds(off + r, LANES)][0]
            v = rows_v[r, pl.ds((t // LANES) * LANES, LANES)]
            tm = jnp.zeros((LANES,), jnp.int32) + (t % LANES)
            lane = lax.iota(jnp.int32, LANES)
            pacc = pacc + jnp.where(lane == tm, v, 0.0)
        pltpu.sync_copy(rows_v, logits_hbm.at[pl.ds(base + off, K)])
        return pacc

    pacc = lax.fori_loop(0, NCH, chunk, jnp.zeros((LANES,), jnp.float32))
    pacc_v[...] = pacc
    pltpu.sync_copy(sacc_v, sacc_hbm.at[pl.ds(base, PERW)])
    pltpu.sync_copy(pacc_v, pacc_hbm.at[wid])


_sc_gather = functools.partial(
    pl.kernel,
    out_type=[
        jax.ShapeDtypeStruct((NPOS, VOCAB), jnp.float32),
        jax.ShapeDtypeStruct((NPOS, LANES), jnp.float32),
        jax.ShapeDtypeStruct((NW, LANES), jnp.float32),
    ],
    mesh=plsc.VectorSubcoreMesh(core_axis_name="c", subcore_axis_name="s"),
    scratch_types=[
        pltpu.VMEM((PERW,), jnp.int32),
        pltpu.VMEM((PERW + LANES,), jnp.int32),
        pltpu.VMEM((K, VOCAB), jnp.float32),
        pltpu.VMEM((PERW, LANES), jnp.float32),
        pltpu.VMEM((LANES,), jnp.float32),
        pltpu.SemaphoreType.DMA,
    ],
)(_sc_body)


def _loss_body(sacc_ref, pacc_ref, o_ref):
    srow = jnp.sum(sacc_ref[...], axis=1)
    lse = jnp.log(srow)
    picked_sum = jnp.sum(pacc_ref[...])
    o_ref[0, 0] = (jnp.sum(lse) - picked_sum) / NPOS


def kernel(table, input_idx_arr, tgt_labels_arr):
    b, t = input_idx_arr.shape
    idx = input_idx_arr.reshape(NPOS).astype(jnp.int32)
    tgt = tgt_labels_arr.reshape(NPOS).astype(jnp.int32)

    logits_flat, sacc, pacc = _sc_gather(table, idx, tgt)

    loss = pl.pallas_call(
        _loss_body,
        out_shape=jax.ShapeDtypeStruct((1, 1), jnp.float32),
        out_specs=pl.BlockSpec(memory_space=pltpu.SMEM),
    )(sacc, pacc)[0, 0]

    return logits_flat.reshape(b, t, VOCAB), loss

# --- scband reference (transcript-rebuilt; emitter-appended) ---
"""Pipeline reference for scband-bigram-language-model-35313221108309 (READ-ONLY COPY).

The authoritative reference and input builder live on the scoring server;
editing this copy changes nothing except your own understanding.
"""

import jax, jax.numpy as jnp
import numpy as np

VOCAB = 8192
B = 16
T = 512

def setup_inputs(seed: int = 0) -> dict:
    key = jax.random.key(seed)
    k1, k2, k3 = jax.random.split(key, 3)
    # nn.Embedding default init: N(0, 1)
    table = jax.random.normal(k1, (VOCAB, VOCAB), dtype=jnp.float32)
    input_idx_arr = jax.random.randint(k2, (B, T), 0, VOCAB)
    tgt_labels_arr = jax.random.randint(k3, (B, T), 0, VOCAB)
    return {"table": table, "input_idx_arr": input_idx_arr, "tgt_labels_arr": tgt_labels_arr}

def reference(table, input_idx_arr, tgt_labels_arr):
    # embedding lookup: [B, T] -> [B, T, VOCAB]
    logits1 = jnp.take(table, input_idx_arr, axis=0)
    b, t, ch = logits1.shape
    logits1_flatten = logits1.reshape(b * t, ch)
    tgt = tgt_labels_arr.reshape(b * t)
    # F.cross_entropy: mean of -log_softmax picked at target index
    logp = jax.nn.log_softmax(logits1_flatten, axis=-1)
    picked = jnp.take_along_axis(logp, tgt[:, None], axis=1)[:, 0]
    loss1 = -jnp.mean(picked)
    return (logits1, loss1)

if __name__ == "__main__":
    import jax
    _d = setup_inputs()
    print(jax.jit(kernel)(*tuple(_d.values())))

</pallas_src>

<mosaic_0001>
#map = affine_map<(d0, d1) -> (0, 0)>
#map1 = affine_map<(d0, d1) -> (0)>
module attributes {stable_mosaic.version = 14 : i64} {
  func.func @_sc_body(%arg0: i32, %arg1: i32, %arg2: memref<8192x8192xf32, #tpu.memory_space<hbm>>, %arg3: memref<8192xi32, #tpu.memory_space<hbm>>, %arg4: memref<8192xi32, #tpu.memory_space<hbm>>, %arg5: memref<8192x8192xf32, #tpu.memory_space<hbm>>, %arg6: memref<8192x16xf32, #tpu.memory_space<hbm>>, %arg7: memref<32x16xf32, #tpu.memory_space<hbm>>, %arg8: memref<256xi32, #tpu.memory_space<vmem>>, %arg9: memref<272xi32, #tpu.memory_space<vmem>>, %arg10: memref<8x8192xf32, #tpu.memory_space<vmem>>, %arg11: memref<256x16xf32, #tpu.memory_space<vmem>>, %arg12: memref<16xf32, #tpu.memory_space<vmem>>, %arg13: memref<!tpu.dma_semaphore, #tpu.memory_space<semaphore_mem>>) attributes {dimension_semantics = [#tpu.dimension_semantics<core_parallel>, #tpu.dimension_semantics<subcore_parallel>], iteration_bounds = array<i64: 2, 16>, scalar_prefetch = 0 : i64, scratch_operands = 6 : i64, tpu.core_type = #tpu.core_type<sc_vector_subcore>, window_params = [{transform_indices = #map}, {transform_indices = #map1}, {transform_indices = #map1}, {transform_indices = #map}, {transform_indices = #map}, {transform_indices = #map}]} {
    %mul3A = arith.constant 2 : i32
    %mul3A_0 = arith.muli %arg1, %mul3A : i32
    %add3A = arith.addi %mul3A_0, %arg0 : i32
    %mul3A_1 = arith.constant 256 : i32
    %mul3A_2 = arith.muli %add3A, %mul3A_1 : i32
    "tpu.region"() ({
      %run_scoped3A = tpu.sem_alloc : memref<!tpu.dma_semaphore, #tpu.memory_space<semaphore_mem>>
      %dma_start3A = tpu.memref_slice %arg3[%mul3A_2] : memref<8192xi32, #tpu.memory_space<hbm>> -> memref<256xi32, #tpu.memory_space<hbm>>
      %dma_start3A_12 = tpu.memref_slice %arg3[%mul3A_2] : memref<8192xi32, #tpu.memory_space<hbm>> -> memref<256xi32, #tpu.memory_space<hbm>>
      tpu.enqueue_dma source(%dma_start3A_12 : memref<256xi32, #tpu.memory_space<hbm>>) target(%arg8 : memref<256xi32, #tpu.memory_space<vmem>>) target_semaphore(%run_scoped3A : memref<!tpu.dma_semaphore, #tpu.memory_space<semaphore_mem>>)
      %dma_wait3A = tpu.memref_slice %arg3[%mul3A_2] : memref<8192xi32, #tpu.memory_space<hbm>> -> memref<256xi32, #tpu.memory_space<hbm>>
      %dma_wait3A_13 = tpu.memref_slice %arg3[%mul3A_2] : memref<8192xi32, #tpu.memory_space<hbm>> -> memref<256xi32, #tpu.memory_space<hbm>>
      tpu.wait_dma2 semaphore(%run_scoped3A : memref<!tpu.dma_semaphore, #tpu.memory_space<semaphore_mem>>) src(%dma_wait3A_13 : memref<256xi32, #tpu.memory_space<hbm>>) dst(%arg8 : memref<256xi32, #tpu.memory_space<vmem>>)
      tpu.yield
    }) : () -> ()
    "tpu.region"() ({
      %run_scoped3A = tpu.sem_alloc : memref<!tpu.dma_semaphore, #tpu.memory_space<semaphore_mem>>
      %dma_start3A = arith.constant 0 : i32
      %dma_start3A_12 = tpu.memref_slice %arg9[%dma_start3A] : memref<272xi32, #tpu.memory_space<vmem>> -> memref<256xi32, #tpu.memory_space<vmem>>
      %dma_start3A_13 = tpu.memref_slice %arg4[%mul3A_2] : memref<8192xi32, #tpu.memory_space<hbm>> -> memref<256xi32, #tpu.memory_space<hbm>>
      %dma_start3A_14 = arith.constant 0 : i32
      %dma_start3A_15 = tpu.memref_slice %arg9[%dma_start3A_14] : memref<272xi32, #tpu.memory_space<vmem>> -> memref<256xi32, #tpu.memory_space<vmem>>
      %dma_start3A_16 = tpu.memref_slice %arg4[%mul3A_2] : memref<8192xi32, #tpu.memory_space<hbm>> -> memref<256xi32, #tpu.memory_space<hbm>>
      tpu.enqueue_dma source(%dma_start3A_16 : memref<256xi32, #tpu.memory_space<hbm>>) target(%dma_start3A_15 : memref<256xi32, #tpu.memory_space<vmem>>) target_semaphore(%run_scoped3A : memref<!tpu.dma_semaphore, #tpu.memory_space<semaphore_mem>>)
      %dma_wait3A = arith.constant 0 : i32
      %dma_wait3A_17 = tpu.memref_slice %arg9[%dma_wait3A] : memref<272xi32, #tpu.memory_space<vmem>> -> memref<256xi32, #tpu.memory_space<vmem>>
      %dma_wait3A_18 = tpu.memref_slice %arg4[%mul3A_2] : memref<8192xi32, #tpu.memory_space<hbm>> -> memref<256xi32, #tpu.memory_space<hbm>>
      %dma_wait3A_19 = arith.constant 0 : i32
      %dma_wait3A_20 = tpu.memref_slice %arg9[%dma_wait3A_19] : memref<272xi32, #tpu.memory_space<vmem>> -> memref<256xi32, #tpu.memory_space<vmem>>
      %dma_wait3A_21 = tpu.memref_slice %arg4[%mul3A_2] : memref<8192xi32, #tpu.memory_space<hbm>> -> memref<256xi32, #tpu.memory_space<hbm>>
      tpu.wait_dma2 semaphore(%run_scoped3A : memref<!tpu.dma_semaphore, #tpu.memory_space<semaphore_mem>>) src(%dma_wait3A_21 : memref<256xi32, #tpu.memory_space<hbm>>) dst(%dma_wait3A_20 : memref<256xi32, #tpu.memory_space<vmem>>)
      tpu.yield
    }) : () -> ()
    %broadcast_in_dim3A = arith.constant 0.000000e+00 : f32
    %broadcast_in_dim3A_3 = vector.broadcast %broadcast_in_dim3A : f32 to vector<16xf32>
    %scan3A = arith.constant 0 : i32
    %scan3A_4 = arith.constant 32 : i32
    %scan3A_5 = arith.addi %scan3A, %scan3A_4 : i32
    %scan3A_6 = arith.constant 1 : i32
    %scan3A_7 = scf.for %scan3A_12 = %scan3A to %scan3A_5 step %scan3A_6 iter_args(%scan3A_13 = %broadcast_in_dim3A_3) -> (vector<16xf32>)  : i32 {
      %mul3A_14 = arith.constant 8 : i32
      %mul3A_15 = arith.muli %scan3A_12, %mul3A_14 : i32
      %dma_start3A = tpu.memref_slice %arg8[%mul3A_15] : memref<256xi32, #tpu.memory_space<vmem>> -> memref<8xi32, #tpu.memory_space<vmem>>
      %dma_start3A_16 = arith.constant 0 : i32
      %dma_start3A_17 = arith.constant 0 : i32
      %dma_start3A_18 = tpu.memref_slice %arg2[%dma_start3A_16, %dma_start3A_17] : memref<8192x8192xf32, #tpu.memory_space<hbm>> -> memref<8192x8192xf32, #tpu.memory_space<hbm>>
      tpu.enqueue_indirect_dma source(%dma_start3A_18 : memref<8192x8192xf32, #tpu.memory_space<hbm>>) target(%arg10 : memref<8x8192xf32, #tpu.memory_space<vmem>>) offsets(%dma_start3A : memref<8xi32, #tpu.memory_space<vmem>>) semaphore(%arg13 : memref<!tpu.dma_semaphore, #tpu.memory_space<semaphore_mem>>)
      %dma_wait3A = tpu.memref_slice %arg8[%mul3A_15] : memref<256xi32, #tpu.memory_space<vmem>> -> memref<8xi32, #tpu.memory_space<vmem>>
      %dma_wait3A_19 = arith.constant 0 : i32
      %dma_wait3A_20 = arith.constant 0 : i32
      %dma_wait3A_21 = tpu.memref_slice %arg2[%dma_wait3A_19, %dma_wait3A_20] : memref<8192x8192xf32, #tpu.memory_space<hbm>> -> memref<8192x8192xf32, #tpu.memory_space<hbm>>
      tpu.wait_indirect_dma semaphore(%arg13 : memref<!tpu.dma_semaphore, #tpu.memory_space<semaphore_mem>>) src(%dma_wait3A_21 : memref<8192x8192xf32, #tpu.memory_space<hbm>>) dst(%arg10 : memref<8x8192xf32, #tpu.memory_space<vmem>>)
      %broadcast_in_dim3A_22 = arith.constant 0.000000e+00 : f32
      %broadcast_in_dim3A_23 = vector.broadcast %broadcast_in_dim3A_22 : f32 to vector<16xf32>
      %scan3A_24 = arith.constant 0 : i32
      %scan3A_25 = arith.constant 32 : i32
      %scan3A_26 = arith.addi %scan3A_24, %scan3A_25 : i32
      %scan3A_27 = arith.constant 1 : i32
      %scan3A_28:4 = scf.for %scan3A_665 = %scan3A_24 to %scan3A_26 step %scan3A_27 iter_args(%scan3A_666 = %broadcast_in_dim3A_23, %scan3A_667 = %broadcast_in_dim3A_23, %scan3A_668 = %broadcast_in_dim3A_23, %scan3A_669 = %broadcast_in_dim3A_23) -> (vector<16xf32>, vector<16xf32>, vector<16xf32>, vector<16xf32>)  : i32 {
        %mul3A_670 = arith.constant 256 : i32
        %mul3A_671 = arith.muli %scan3A_665, %mul3A_670 : i32
        %add3A_672 = arith.constant 0 : i32
        %add3A_673 = arith.addi %mul3A_671, %add3A_672 : i32
        %get3A_674 = arith.constant 0 : i32
        %get3A_675 = arith.index_cast %get3A_674 : i32 to index
        %get3A_676 = arith.index_cast %add3A_673 : i32 to index
        %get3A_677 = tpu.vector_load %arg10[%get3A_675, %get3A_676] {strides = array<i32>} : memref<8x8192xf32, #tpu.memory_space<vmem>>, vector<1x16xf32>,
        %get3A_678 = vector.shape_cast %get3A_677 : vector<1x16xf32> to vector<16xf32>
        %exp3A = math.exp %get3A_678 : vector<16xf32>
        %add3A_679 = arith.addf %scan3A_666, %exp3A : vector<16xf32>
        %add3A_680 = arith.constant 16 : i32
        %add3A_681 = arith.addi %mul3A_671, %add3A_680 : i32
        %get3A_682 = arith.constant 0 : i32
        %get3A_683 = arith.index_cast %get3A_682 : i32 to index
        %get3A_684 = arith.index_cast %add3A_681 : i32 to index
        %get3A_685 = tpu.vector_load %arg10[%get3A_683, %get3A_684] {strides = array<i32>} : memref<8x8192xf32, #tpu.memory_space<vmem>>, vector<1x16xf32>,
        %get3A_686 = vector.shape_cast %get3A_685 : vector<1x16xf32> to vector<16xf32>
        %exp3A_687 = math.exp %get3A_686 : vector<16xf32>
        %add3A_688 = arith.addf %scan3A_667, %exp3A_687 : vector<16xf32>
        %add3A_689 = arith.constant 32 : i32
        %add3A_690 = arith.addi %mul3A_671, %add3A_689 : i32
        %get3A_691 = arith.constant 0 : i32
        %get3A_692 = arith.index_cast %get3A_691 : i32 to index
        %get3A_693 = arith.index_cast %add3A_690 : i32 to index
        %get3A_694 = tpu.vector_load %arg10[%get3A_692, %get3A_693] {strides = array<i32>} : memref<8x8192xf32, #tpu.memory_space<vmem>>, vector<1x16xf32>,
        %get3A_695 = vector.shape_cast %get3A_694 : vector<1x16xf32> to vector<16xf32>
        %exp3A_696 = math.exp %get3A_695 : vector<16xf32>
        %add3A_697 = arith.addf %scan3A_668, %exp3A_696 : vector<16xf32>
        %add3A_698 = arith.constant 48 : i32
        %add3A_699 = arith.addi %mul3A_671, %add3A_698 : i32
        %get3A_700 = arith.constant 0 : i32
        %get3A_701 = arith.index_cast %get3A_700 : i32 to index
        %get3A_702 = arith.index_cast %add3A_699 : i32 to index
        %get3A_703 = tpu.vector_load %arg10[%get3A_701, %get3A_702] {strides = array<i32>} : memref<8x8192xf32, #tpu.memory_space<vmem>>, vector<1x16xf32>,
        %get3A_704 = vector.shape_cast %get3A_703 : vector<1x16xf32> to vector<16xf32>
        %exp3A_705 = math.exp %get3A_704 : vector<16xf32>
        %add3A_706 = arith.addf %scan3A_669, %exp3A_705 : vector<16xf32>
        %add3A_707 = arith.constant 64 : i32
        %add3A_708 = arith.addi %mul3A_671, %add3A_707 : i32
        %get3A_709 = arith.constant 0 : i32
        %get3A_710 = arith.index_cast %get3A_709 : i32 to index
        %get3A_711 = arith.index_cast %add3A_708 : i32 to index
        %get3A_712 = tpu.vector_load %arg10[%get3A_710, %get3A_711] {strides = array<i32>} : memref<8x8192xf32, #tpu.memory_space<vmem>>, vector<1x16xf32>,
        %get3A_713 = vector.shape_cast %get3A_712 : vector<1x16xf32> to vector<16xf32>
        %exp3A_714 = math.exp %get3A_713 : vector<16xf32>
        %add3A_715 = arith.addf %add3A_679, %exp3A_714 : vector<16xf32>
        %add3A_716 = arith.constant 80 : i32
        %add3A_717 = arith.addi %mul3A_671, %add3A_716 : i32
        %get3A_718 = arith.constant 0 : i32
        %get3A_719 = arith.index_cast %get3A_718 : i32 to index
        %get3A_720 = arith.index_cast %add3A_717 : i32 to index
        %get3A_721 = tpu.vector_load %arg10[%get3A_719, %get3A_720] {strides = array<i32>} : memref<8x8192xf32, #tpu.memory_space<vmem>>, vector<1x16xf32>,
        %get3A_722 = vector.shape_cast %get3A_721 : vector<1x16xf32> to vector<16xf32>
        %exp3A_723 = math.exp %get3A_722 : vector<16xf32>
        %add3A_724 = arith.addf %add3A_688, %exp3A_723 : vector<16xf32>
        %add3A_725 = arith.constant 96 : i32
        %add3A_726 = arith.addi %mul3A_671, %add3A_725 : i32
        %get3A_727 = arith.constant 0 : i32
        %get3A_728 = arith.index_cast %get3A_727 : i32 to index
        %get3A_729 = arith.index_cast %add3A_726 : i32 to index
        %get3A_730 = tpu.vector_load %arg10[%get3A_728, %get3A_729] {strides = array<i32>} : memref<8x8192xf32, #tpu.memory_space<vmem>>, vector<1x16xf32>,
        %get3A_731 = vector.shape_cast %get3A_730 : vector<1x16xf32> to vector<16xf32>
        %exp3A_732 = math.exp %get3A_731 : vector<16xf32>
        %add3A_733 = arith.addf %add3A_697, %exp3A_732 : vector<16xf32>
        %add3A_734 = arith.constant 112 : i32
        %add3A_735 = arith.addi %mul3A_671, %add3A_734 : i32
        %get3A_736 = arith.constant 0 : i32
        %get3A_737 = arith.index_cast %get3A_736 : i32 to index
        %get3A_738 = arith.index_cast %add3A_735 : i32 to index
        %get3A_739 = tpu.vector_load %arg10[%get3A_737, %get3A_738] {strides = array<i32>} : memref<8x8192xf32, #tpu.memory_space<vmem>>, vector<1x16xf32>,
        %get3A_740 = vector.shape_cast %get3A_739 : vector<1x16xf32> to vector<16xf32>
        %exp3A_741 = math.exp %get3A_740 : vector<16xf32>
        %add3A_742 = arith.addf %add3A_706, %exp3A_741 : vector<16xf32>
        %add3A_743 = arith.constant 128 : i32
        %add3A_744 = arith.addi %mul3A_671, %add3A_743 : i32
        %get3A_745 = arith.constant 0 : i32
        %get3A_746 = arith.index_cast %get3A_745 : i32 to index
        %get3A_747 = arith.index_cast %add3A_744 : i32 to index
        %get3A_748 = tpu.vector_load %arg10[%get3A_746, %get3A_747] {strides = array<i32>} : memref<8x8192xf32, #tpu.memory_space<vmem>>, vector<1x16xf32>,
        %get3A_749 = vector.shape_cast %get3A_748 : vector<1x16xf32> to vector<16xf32>
        %exp3A_750 = math.exp %get3A_749 : vector<16xf32>
        %add3A_751 = arith.addf %add3A_715, %exp3A_750 : vector<16xf32>
        %add3A_752 = arith.constant 144 : i32
        %add3A_753 = arith.addi %mul3A_671, %add3A_752 : i32
        %get3A_754 = arith.constant 0 : i32
        %get3A_755 = arith.index_cast %get3A_754 : i32 to index
        %get3A_756 = arith.index_cast %add3A_753 : i32 to index
        %get3A_757 = tpu.vector_load %arg10[%get3A_755, %get3A_756] {strides = array<i32>} : memref<8x8192xf32, #tpu.memory_space<vmem>>, vector<1x16xf32>,
        %get3A_758 = vector.shape_cast %get3A_757 : vector<1x16xf32> to vector<16xf32>
        %exp3A_759 = math.exp %get3A_758 : vector<16xf32>
        %add3A_760 = arith.addf %add3A_724, %exp3A_759 : vector<16xf32>
        %add3A_761 = arith.constant 160 : i32
        %add3A_762 = arith.addi %mul3A_671, %add3A_761 : i32
        %get3A_763 = arith.constant 0 : i32
        %get3A_764 = arith.index_cast %get3A_763 : i32 to index
        %get3A_765 = arith.index_cast %add3A_762 : i32 to index
        %get3A_766 = tpu.vector_load %arg10[%get3A_764, %get3A_765] {strides = array<i32>} : memref<8x8192xf32, #tpu.memory_space<vmem>>, vector<1x16xf32>,
        %get3A_767 = vector.shape_cast %get3A_766 : vector<1x16xf32> to vector<16xf32>
        %exp3A_768 = math.exp %get3A_767 : vector<16xf32>
        %add3A_769 = arith.addf %add3A_733, %exp3A_768 : vector<16xf32>
        %add3A_770 = arith.constant 176 : i32
        %add3A_771 = arith.addi %mul3A_671, %add3A_770 : i32
        %get3A_772 = arith.constant 0 : i32
        %get3A_773 = arith.index_cast %get3A_772 : i32 to index
        %get3A_774 = arith.index_cast %add3A_771 : i32 to index
        %get3A_775 = tpu.vector_load %arg10[%get3A_773, %get3A_774] {strides = array<i32>} : memref<8x8192xf32, #tpu.memory_space<vmem>>, vector<1x16xf32>,
        %get3A_776 = vector.shape_cast %get3A_775 : vector<1x16xf32> to vector<16xf32>
        %exp3A_777 = math.exp %get3A_776 : vector<16xf32>
        %add3A_778 = arith.addf %add3A_742, %exp3A_777 : vector<16xf32>
        %add3A_779 = arith.constant 192 : i32
        %add3A_780 = arith.addi %mul3A_671, %add3A_779 : i32
        %get3A_781 = arith.constant 0 : i32
        %get3A_782 = arith.index_cast %get3A_781 : i32 to index
        %get3A_783 = arith.index_cast %add3A_780 : i32 to index
        %get3A_784 = tpu.vector_load %arg10[%get3A_782, %get3A_783] {strides = array<i32>} : memref<8x8192xf32, #tpu.memory_space<vmem>>, vector<1x16xf32>,
        %get3A_785 = vector.shape_cast %get3A_784 : vector<1x16xf32> to vector<16xf32>
        %exp3A_786 = math.exp %get3A_785 : vector<16xf32>
        %add3A_787 = arith.addf %add3A_751, %exp3A_786 : vector<16xf32>
        %add3A_788 = arith.constant 208 : i32
        %add3A_789 = arith.addi %mul3A_671, %add3A_788 : i32
        %get3A_790 = arith.constant 0 : i32
        %get3A_791 = arith.index_cast %get3A_790 : i32 to index
        %get3A_792 = arith.index_cast %add3A_789 : i32 to index
        %get3A_793 = tpu.vector_load %arg10[%get3A_791, %get3A_792] {strides = array<i32>} : memref<8x8192xf32, #tpu.memory_space<vmem>>, vector<1x16xf32>,
        %get3A_794 = vector.shape_cast %get3A_793 : vector<1x16xf32> to vector<16xf32>
        %exp3A_795 = math.exp %get3A_794 : vector<16xf32>
        %add3A_796 = arith.addf %add3A_760, %exp3A_795 : vector<16xf32>
        %add3A_797 = arith.constant 224 : i32
        %add3A_798 = arith.addi %mul3A_671, %add3A_797 : i32
        %get3A_799 = arith.constant 0 : i32
        %get3A_800 = arith.index_cast %get3A_799 : i32 to index
        %get3A_801 = arith.index_cast %add3A_798 : i32 to index
        %get3A_802 = tpu.vector_load %arg10[%get3A_800, %get3A_801] {strides = array<i32>} : memref<8x8192xf32, #tpu.memory_space<vmem>>, vector<1x16xf32>,
        %get3A_803 = vector.shape_cast %get3A_802 : vector<1x16xf32> to vector<16xf32>
        %exp3A_804 = math.exp %get3A_803 : vector<16xf32>
        %add3A_805 = arith.addf %add3A_769, %exp3A_804 : vector<16xf32>
        %add3A_806 = arith.constant 240 : i32
        %add3A_807 = arith.addi %mul3A_671, %add3A_806 : i32
        %get3A_808 = arith.constant 0 : i32
        %get3A_809 = arith.index_cast %get3A_808 : i32 to index
        %get3A_810 = arith.index_cast %add3A_807 : i32 to index
        %get3A_811 = tpu.vector_load %arg10[%get3A_809, %get3A_810] {strides = array<i32>} : memref<8x8192xf32, #tpu.memory_space<vmem>>, vector<1x16xf32>,
        %get3A_812 = vector.shape_cast %get3A_811 : vector<1x16xf32> to vector<16xf32>
        %exp3A_813 = math.exp %get3A_812 : vector<16xf32>
        %add3A_814 = arith.addf %add3A_778, %exp3A_813 : vector<16xf32>
        scf.yield %add3A_787, %add3A_796, %add3A_805, %add3A_814 : vector<16xf32>, vector<16xf32>, vector<16xf32>, vector<16xf32>
      }
      %scan3A_29 = arith.constant 32 : i32
      %add3A_30 = arith.addf %scan3A_28#0, %scan3A_28#1 : vector<16xf32>
      %add3A_31 = arith.addf %scan3A_28#2, %scan3A_28#3 : vector<16xf32>
      %add3A_32 = arith.addf %add3A_30, %add3A_31 : vector<16xf32>
      %add3A_33 = arith.constant 0 : i32
      %add3A_34 = arith.addi %mul3A_15, %add3A_33 : i32
      %swap3A_35 = arith.index_cast %add3A_34 : i32 to index
      %swap3A_36 = arith.constant 0 : index
      %swap3A_37 = tpu.vector_load %arg11[%swap3A_35, %swap3A_36] {strides = array<i32>} : memref<256x16xf32, #tpu.memory_space<vmem>>, vector<1x16xf32>,
      %swap3A_38 = vector.shape_cast %swap3A_37 : vector<1x16xf32> to vector<16xf32>
      %swap3A_39 = vector.shape_cast %add3A_32 : vector<16xf32> to vector<1x16xf32>
      tpu.vector_store %arg11[%swap3A_35, %swap3A_36], %swap3A_39 {strides = array<i32>} : memref<256x16xf32, #tpu.memory_space<vmem>>, vector<1x16xf32>,
      %add3A_40 = arith.constant 0 : i32
      %add3A_41 = arith.addi %mul3A_15, %add3A_40 : i32
      %get3A = arith.index_cast %add3A_41 : i32 to index
      %get3A_42 = tpu.vector_load %arg9[%get3A] {strides = array<i32>} : memref<272xi32, #tpu.memory_space<vmem>>, vector<16xi32>,
      %get3A_43 = vector.shape_cast %get3A_42 : vector<16xi32> to vector<16xi32>
      %slice3A = vector.extract_strided_slice %get3A_43 {offsets = [0], sizes = [1], strides = [1]} : vector<16xi32> to vector<1xi32>
      %squeeze3A = vector.extract %slice3A[0] : i32 from vector<1xi32>
      %jit3A = arith.constant 16 : i32
      %div3A = arith.divsi %squeeze3A, %jit3A : i32
      %sign3A = arith.constant 0 : i32
      %sign3A_44 = arith.cmpi sgt, %squeeze3A, %sign3A : i32
      %sign3A_45 = arith.extui %sign3A_44 : i1 to i32
      %sign3A_46 = arith.constant 0 : i32
      %sign3A_47 = arith.cmpi slt, %squeeze3A, %sign3A_46 : i32
      %sign3A_48 = arith.extui %sign3A_47 : i1 to i32
      %sign3A_49 = arith.subi %sign3A_45, %sign3A_48 : i32
      %sign3A_50 = arith.constant 0 : i32
      %sign3A_51 = arith.cmpi sgt, %jit3A, %sign3A_50 : i32
      %sign3A_52 = arith.extui %sign3A_51 : i1 to i32
      %sign3A_53 = arith.constant 0 : i32
      %sign3A_54 = arith.cmpi slt, %jit3A, %sign3A_53 : i32
      %sign3A_55 = arith.extui %sign3A_54 : i1 to i32
      %sign3A_56 = arith.subi %sign3A_52, %sign3A_55 : i32
      %ne3A = arith.cmpi ne, %sign3A_49, %sign3A_56 : i32
      %rem3A = arith.remsi %squeeze3A, %jit3A : i32
      %ne3A_57 = arith.constant 0 : i32
      %ne3A_58 = arith.cmpi ne, %rem3A, %ne3A_57 : i32
      %and3A = arith.andi %ne3A, %ne3A_58 : i1
      %sub3A = arith.constant 1 : i32
      %sub3A_59 = arith.subi %div3A, %sub3A : i32
      %select_n3A = arith.select %and3A, %sub3A_59, %div3A : i32
      %mul3A_60 = arith.constant 16 : i32
      %mul3A_61 = arith.muli %select_n3A, %mul3A_60 : i32
      %get3A_62 = arith.constant 0 : i32
      %get3A_63 = arith.index_cast %get3A_62 : i32 to index
      %get3A_64 = arith.index_cast %mul3A_61 : i32 to index
      %get3A_65 = tpu.vector_load %arg10[%get3A_63, %get3A_64] {strides = array<i32>} : memref<8x8192xf32, #tpu.memory_space<vmem>>, vector<1x16xf32>,
      %get3A_66 = vector.shape_cast %get3A_65 : vector<1x16xf32> to vector<16xf32>
      %broadcast_in_dim3A_67 = arith.constant 0 : i32
      %broadcast_in_dim3A_68 = vector.broadcast %broadcast_in_dim3A_67 : i32 to vector<16xi32>
      %jit3A_69 = arith.constant 16 : i32
      %eq3A = arith.constant 0 : i32
      %eq3A_70 = arith.cmpi eq, %jit3A_69, %eq3A : i32
      %jit3A_71 = arith.constant 1 : i32
      %select_n3A_72 = arith.select %eq3A_70, %jit3A_71, %jit3A_69 : i32
      %rem3A_73 = arith.remsi %squeeze3A, %select_n3A_72 : i32
      %ne3A_74 = arith.constant 0 : i32
      %ne3A_75 = arith.cmpi ne, %rem3A_73, %ne3A_74 : i32
      %lt3A = arith.constant 0 : i32
      %lt3A_76 = arith.cmpi slt, %rem3A_73, %lt3A : i32
      %lt3A_77 = arith.constant 0 : i32
      %lt3A_78 = arith.cmpi slt, %select_n3A_72, %lt3A_77 : i32
      %ne3A_79 = arith.xori %lt3A_76, %lt3A_78 : i1
      %and3A_80 = arith.andi %ne3A_79, %ne3A_75 : i1
      %add3A_81 = arith.addi %rem3A_73, %select_n3A_72 : i32
      %select_n3A_82 = arith.select %and3A_80, %add3A_81, %rem3A_73 : i32
      %add3A_83 = vector.broadcast %select_n3A_82 : i32 to vector<16xi32>
      %add3A_84 = arith.addi %broadcast_in_dim3A_68, %add3A_83 : vector<16xi32>
      %iota3A = tpu.iota {dimensions = array<i32: 0>} : vector<16xi32>
      %eq3A_85 = arith.cmpi eq, %iota3A, %add3A_84 : vector<16xi32>
      %jit3A_86 = arith.constant 0.000000e+00 : f32
      %broadcast_in_dim3A_87 = vector.broadcast %jit3A_86 : f32 to vector<16xf32>
      %select_n3A_88 = arith.select %eq3A_85, %get3A_66, %broadcast_in_dim3A_87 : vector<16xi1>, vector<16xf32>
      %add3A_89 = arith.addf %scan3A_13, %select_n3A_88 : vector<16xf32>
      %broadcast_in_dim3A_90 = arith.constant 0.000000e+00 : f32
      %broadcast_in_dim3A_91 = vector.broadcast %broadcast_in_dim3A_90 : f32 to vector<16xf32>
      %scan3A_92 = arith.constant 0 : i32
      %scan3A_93 = arith.constant 32 : i32
      %scan3A_94 = arith.addi %scan3A_92, %scan3A_93 : i32
      %scan3A_95 = arith.constant 1 : i32
      %scan3A_96:4 = scf.for %scan3A_665 = %scan3A_92 to %scan3A_94 step %scan3A_95 iter_args(%scan3A_666 = %broadcast_in_dim3A_91, %scan3A_667 = %broadcast_in_dim3A_91, %scan3A_668 = %broadcast_in_dim3A_91, %scan3A_669 = %broadcast_in_dim3A_91) -> (vector<16xf32>, vector<16xf32>, vector<16xf32>, vector<16xf32>)  : i32 {
        %mul3A_670 = arith.constant 256 : i32
        %mul3A_671 = arith.muli %scan3A_665, %mul3A_670 : i32
        %add3A_672 = arith.constant 0 : i32
        %add3A_673 = arith.addi %mul3A_671, %add3A_672 : i32
        %get3A_674 = arith.constant 1 : i32
        %get3A_675 = arith.index_cast %get3A_674 : i32 to index
        %get3A_676 = arith.index_cast %add3A_673 : i32 to index
        %get3A_677 = tpu.vector_load %arg10[%get3A_675, %get3A_676] {strides = array<i32>} : memref<8x8192xf32, #tpu.memory_space<vmem>>, vector<1x16xf32>,
        %get3A_678 = vector.shape_cast %get3A_677 : vector<1x16xf32> to vector<16xf32>
        %exp3A = math.exp %get3A_678 : vector<16xf32>
        %add3A_679 = arith.addf %scan3A_666, %exp3A : vector<16xf32>
        %add3A_680 = arith.constant 16 : i32
        %add3A_681 = arith.addi %mul3A_671, %add3A_680 : i32
        %get3A_682 = arith.constant 1 : i32
        %get3A_683 = arith.index_cast %get3A_682 : i32 to index
        %get3A_684 = arith.index_cast %add3A_681 : i32 to index
        %get3A_685 = tpu.vector_load %arg10[%get3A_683, %get3A_684] {strides = array<i32>} : memref<8x8192xf32, #tpu.memory_space<vmem>>, vector<1x16xf32>,
        %get3A_686 = vector.shape_cast %get3A_685 : vector<1x16xf32> to vector<16xf32>
        %exp3A_687 = math.exp %get3A_686 : vector<16xf32>
        %add3A_688 = arith.addf %scan3A_667, %exp3A_687 : vector<16xf32>
        %add3A_689 = arith.constant 32 : i32
        %add3A_690 = arith.addi %mul3A_671, %add3A_689 : i32
        %get3A_691 = arith.constant 1 : i32
        %get3A_692 = arith.index_cast %get3A_691 : i32 to index
        %get3A_693 = arith.index_cast %add3A_690 : i32 to index
        %get3A_694 = tpu.vector_load %arg10[%get3A_692, %get3A_693] {strides = array<i32>} : memref<8x8192xf32, #tpu.memory_space<vmem>>, vector<1x16xf32>,
        %get3A_695 = vector.shape_cast %get3A_694 : vector<1x16xf32> to vector<16xf32>
        %exp3A_696 = math.exp %get3A_695 : vector<16xf32>
        %add3A_697 = arith.addf %scan3A_668, %exp3A_696 : vector<16xf32>
        %add3A_698 = arith.constant 48 : i32
        %add3A_699 = arith.addi %mul3A_671, %add3A_698 : i32
        %get3A_700 = arith.constant 1 : i32
        %get3A_701 = arith.index_cast %get3A_700 : i32 to index
        %get3A_702 = arith.index_cast %add3A_699 : i32 to index
        %get3A_703 = tpu.vector_load %arg10[%get3A_701, %get3A_702] {strides = array<i32>} : memref<8x8192xf32, #tpu.memory_space<vmem>>, vector<1x16xf32>,
        %get3A_704 = vector.shape_cast %get3A_703 : vector<1x16xf32> to vector<16xf32>
        %exp3A_705 = math.exp %get3A_704 : vector<16xf32>
        %add3A_706 = arith.addf %scan3A_669, %exp3A_705 : vector<16xf32>
        %add3A_707 = arith.constant 64 : i32
        %add3A_708 = arith.addi %mul3A_671, %add3A_707 : i32
        %get3A_709 = arith.constant 1 : i32
        %get3A_710 = arith.index_cast %get3A_709 : i32 to index
        %get3A_711 = arith.index_cast %add3A_708 : i32 to index
        %get3A_712 = tpu.vector_load %arg10[%get3A_710, %get3A_711] {strides = array<i32>} : memref<8x8192xf32, #tpu.memory_space<vmem>>, vector<1x16xf32>,
        %get3A_713 = vector.shape_cast %get3A_712 : vector<1x16xf32> to vector<16xf32>
        %exp3A_714 = math.exp %get3A_713 : vector<16xf32>
        %add3A_715 = arith.addf %add3A_679, %exp3A_714 : vector<16xf32>
        %add3A_716 = arith.constant 80 : i32
        %add3A_717 = arith.addi %mul3A_671, %add3A_716 : i32
        %get3A_718 = arith.constant 1 : i32
        %get3A_719 = arith.index_cast %get3A_718 : i32 to index
        %get3A_720 = arith.index_cast %add3A_717 : i32 to index
        %get3A_721 = tpu.vector_load %arg10[%get3A_719, %get3A_720] {strides = array<i32>} : memref<8x8192xf32, #tpu.memory_space<vmem>>, vector<1x16xf32>,
        %get3A_722 = vector.shape_cast %get3A_721 : vector<1x16xf32> to vector<16xf32>
        %exp3A_723 = math.exp %get3A_722 : vector<16xf32>
        %add3A_724 = arith.addf %add3A_688, %exp3A_723 : vector<16xf32>
        %add3A_725 = arith.constant 96 : i32
        %add3A_726 = arith.addi %mul3A_671, %add3A_725 : i32
        %get3A_727 = arith.constant 1 : i32
        %get3A_728 = arith.index_cast %get3A_727 : i32 to index
        %get3A_729 = arith.index_cast %add3A_726 : i32 to index
        %get3A_730 = tpu.vector_load %arg10[%get3A_728, %get3A_729] {strides = array<i32>} : memref<8x8192xf32, #tpu.memory_space<vmem>>, vector<1x16xf32>,
        %get3A_731 = vector.shape_cast %get3A_730 : vector<1x16xf32> to vector<16xf32>
        %exp3A_732 = math.exp %get3A_731 : vector<16xf32>
        %add3A_733 = arith.addf %add3A_697, %exp3A_732 : vector<16xf32>
        %add3A_734 = arith.constant 112 : i32
        %add3A_735 = arith.addi %mul3A_671, %add3A_734 : i32
        %get3A_736 = arith.constant 1 : i32
        %get3A_737 = arith.index_cast %get3A_736 : i32 to index
        %get3A_738 = arith.index_cast %add3A_735 : i32 to index
        %get3A_739 = tpu.vector_load %arg10[%get3A_737, %get3A_738] {strides = array<i32>} : memref<8x8192xf32, #tpu.memory_space<vmem>>, vector<1x16xf32>,
        %get3A_740 = vector.shape_cast %get3A_739 : vector<1x16xf32> to vector<16xf32>
        %exp3A_741 = math.exp %get3A_740 : vector<16xf32>
        %add3A_742 = arith.addf %add3A_706, %exp3A_741 : vector<16xf32>
        %add3A_743 = arith.constant 128 : i32
        %add3A_744 = arith.addi %mul3A_671, %add3A_743 : i32
        %get3A_745 = arith.constant 1 : i32
        %get3A_746 = arith.index_cast %get3A_745 : i32 to index
        %get3A_747 = arith.index_cast %add3A_744 : i32 to index
        %get3A_748 = tpu.vector_load %arg10[%get3A_746, %get3A_747] {strides = array<i32>} : memref<8x8192xf32, #tpu.memory_space<vmem>>, vector<1x16xf32>,
        %get3A_749 = vector.shape_cast %get3A_748 : vector<1x16xf32> to vector<16xf32>
        %exp3A_750 = math.exp %get3A_749 : vector<16xf32>
        %add3A_751 = arith.addf %add3A_715, %exp3A_750 : vector<16xf32>
        %add3A_752 = arith.constant 144 : i32
        %add3A_753 = arith.addi %mul3A_671, %add3A_752 : i32
        %get3A_754 = arith.constant 1 : i32
        %get3A_755 = arith.index_cast %get3A_754 : i32 to index
        %get3A_756 = arith.index_cast %add3A_753 : i32 to index
        %get3A_757 = tpu.vector_load %arg10[%get3A_755, %get3A_756] {strides = array<i32>} : memref<8x8192xf32, #tpu.memory_space<vmem>>, vector<1x16xf32>,
        %get3A_758 = vector.shape_cast %get3A_757 : vector<1x16xf32> to vector<16xf32>
        %exp3A_759 = math.exp %get3A_758 : vector<16xf32>
        %add3A_760 = arith.addf %add3A_724, %exp3A_759 : vector<16xf32>
        %add3A_761 = arith.constant 160 : i32
        %add3A_762 = arith.addi %mul3A_671, %add3A_761 : i32
        %get3A_763 = arith.constant 1 : i32
        %get3A_764 = arith.index_cast %get3A_763 : i32 to index
        %get3A_765 = arith.index_cast %add3A_762 : i32 to index
        %get3A_766 = tpu.vector_load %arg10[%get3A_764, %get3A_765] {strides = array<i32>} : memref<8x8192xf32, #tpu.memory_space<vmem>>, vector<1x16xf32>,
        %get3A_767 = vector.shape_cast %get3A_766 : vector<1x16xf32> to vector<16xf32>
        %exp3A_768 = math.exp %get3A_767 : vector<16xf32>
        %add3A_769 = arith.addf %add3A_733, %exp3A_768 : vector<16xf32>
        %add3A_770 = arith.constant 176 : i32
        %add3A_771 = arith.addi %mul3A_671, %add3A_770 : i32
        %get3A_772 = arith.constant 1 : i32
        %get3A_773 = arith.index_cast %get3A_772 : i32 to index
        %get3A_774 = arith.index_cast %add3A_771 : i32 to index
        %get3A_775 = tpu.vector_load %arg10[%get3A_773, %get3A_774] {strides = array<i32>} : memref<8x8192xf32, #tpu.memory_space<vmem>>, vector<1x16xf32>,
        %get3A_776 = vector.shape_cast %get3A_775 : vector<1x16xf32> to vector<16xf32>
        %exp3A_777 = math.exp %get3A_776 : vector<16xf32>
        %add3A_778 = arith.addf %add3A_742, %exp3A_777 : vector<16xf32>
        %add3A_779 = arith.constant 192 : i32
        %add3A_780 = arith.addi %mul3A_671, %add3A_779 : i32
        %get3A_781 = arith.constant 1 : i32
        %get3A_782 = arith.index_cast %get3A_781 : i32 to index
        %get3A_783 = arith.index_cast %add3A_780 : i32 to index
        %get3A_784 = tpu.vector_load %arg10[%get3A_782, %get3A_783] {strides = array<i32>} : memref<8x8192xf32, #tpu.memory_space<vmem>>, vector<1x16xf32>,
        %get3A_785 = vector.shape_cast %get3A_784 : vector<1x16xf32> to vector<16xf32>
        %exp3A_786 = math.exp %get3A_785 : vector<16xf32>
        %add3A_787 = arith.addf %add3A_751, %exp3A_786 : vector<16xf32>
        %add3A_788 = arith.constant 208 : i32
        %add3A_789 = arith.addi %mul3A_671, %add3A_788 : i32
        %get3A_790 = arith.constant 1 : i32
        %get3A_791 = arith.index_cast %get3A_790 : i32 to index
        %get3A_792 = arith.index_cast %add3A_789 : i32 to index
        %get3A_793 = tpu.vector_load %arg10[%get3A_791, %get3A_792] {strides = array<i32>} : memref<8x8192xf32, #tpu.memory_space<vmem>>, vector<1x16xf32>,
        %get3A_794 = vector.shape_cast %get3A_793 : vector<1x16xf32> to vector<16xf32>
        %exp3A_795 = math.exp %get3A_794 : vector<16xf32>
        %add3A_796 = arith.addf %add3A_760, %exp3A_795 : vector<16xf32>
        %add3A_797 = arith.constant 224 : i32
        %add3A_798 = arith.addi %mul3A_671, %add3A_797 : i32
        %get3A_799 = arith.constant 1 : i32
        %get3A_800 = arith.index_cast %get3A_799 : i32 to index
        %get3A_801 = arith.index_cast %add3A_798 : i32 to index
        %get3A_802 = tpu.vector_load %arg10[%get3A_800, %get3A_801] {strides = array<i32>} : memref<8x8192xf32, #tpu.memory_space<vmem>>, vector<1x16xf32>,
        %get3A_803 = vector.shape_cast %get3A_802 : vector<1x16xf32> to vector<16xf32>
        %exp3A_804 = math.exp %get3A_803 : vector<16xf32>
        %add3A_805 = arith.addf %add3A_769, %exp3A_804 : vector<16xf32>
        %add3A_806 = arith.constant 240 : i32
        %add3A_807 = arith.addi %mul3A_671, %add3A_806 : i32
        %get3A_808 = arith.constant 1 : i32
        %get3A_809 = arith.index_cast %get3A_808 : i32 to index
        %get3A_810 = arith.index_cast %add3A_807 : i32 to index
        %get3A_811 = tpu.vector_load %arg10[%get3A_809, %get3A_810] {strides = array<i32>} : memref<8x8192xf32, #tpu.memory_space<vmem>>, vector<1x16xf32>,
        %get3A_812 = vector.shape_cast %get3A_811 : vector<1x16xf32> to vector<16xf32>
        %exp3A_813 = math.exp %get3A_812 : vector<16xf32>
        %add3A_814 = arith.addf %add3A_778, %exp3A_813 : vector<16xf32>
        scf.yield %add3A_787, %add3A_796, %add3A_805, %add3A_814 : vector<16xf32>, vector<16xf32>, vector<16xf32>, vector<16xf32>
      }
      %scan3A_97 = arith.constant 32 : i32
      %add3A_98 = arith.addf %scan3A_96#0, %scan3A_96#1 : vector<16xf32>
      %add3A_99 = arith.addf %scan3A_96#2, %scan3A_96#3 : vector<16xf32>
      %add3A_100 = arith.addf %add3A_98, %add3A_99 : vector<16xf32>
      %add3A_101 = arith.constant 1 : i32
      %add3A_102 = arith.addi %mul3A_15, %add3A_101 : i32
      %swap3A_103 = arith.index_cast %add3A_102 : i32 to index
      %swap3A_104 = arith.constant 0 : index
      %swap3A_105 = tpu.vector_load %arg11[%swap3A_103, %swap3A_104] {strides = array<i32>} : memref<256x16xf32, #tpu.memory_space<vmem>>, vector<1x16xf32>,
      %swap3A_106 = vector.shape_cast %swap3A_105 : vector<1x16xf32> to vector<16xf32>
      %swap3A_107 = vector.shape_cast %add3A_100 : vector<16xf32> to vector<1x16xf32>
      tpu.vector_store %arg11[%swap3A_103, %swap3A_104], %swap3A_107 {strides = array<i32>} : memref<256x16xf32, #tpu.memory_space<vmem>>, vector<1x16xf32>,
      %add3A_108 = arith.constant 1 : i32
      %add3A_109 = arith.addi %mul3A_15, %add3A_108 : i32
      %get3A_110 = arith.index_cast %add3A_109 : i32 to index
      %get3A_111 = tpu.vector_load %arg9[%get3A_110] {strides = array<i32>} : memref<272xi32, #tpu.memory_space<vmem>>, vector<16xi32>,
      %get3A_112 = vector.shape_cast %get3A_111 : vector<16xi32> to vector<16xi32>
      %slice3A_113 = vector.extract_strided_slice %get3A_112 {offsets = [0], sizes = [1], strides = [1]} : vector<16xi32> to vector<1xi32>
      %squeeze3A_114 = vector.extract %slice3A_113[0] : i32 from vector<1xi32>
      %jit3A_115 = arith.constant 16 : i32
      %div3A_116 = arith.divsi %squeeze3A_114, %jit3A_115 : i32
      %sign3A_117 = arith.constant 0 : i32
      %sign3A_118 = arith.cmpi sgt, %squeeze3A_114, %sign3A_117 : i32
      %sign3A_119 = arith.extui %sign3A_118 : i1 to i32
      %sign3A_120 = arith.constant 0 : i32
      %sign3A_121 = arith.cmpi slt, %squeeze3A_114, %sign3A_120 : i32
      %sign3A_122 = arith.extui %sign3A_121 : i1 to i32
      %sign3A_123 = arith.subi %sign3A_119, %sign3A_122 : i32
      %sign3A_124 = arith.constant 0 : i32
      %sign3A_125 = arith.cmpi sgt, %jit3A_115, %sign3A_124 : i32
      %sign3A_126 = arith.extui %sign3A_125 : i1 to i32
      %sign3A_127 = arith.constant 0 : i32
      %sign3A_128 = arith.cmpi slt, %jit3A_115, %sign3A_127 : i32
      %sign3A_129 = arith.extui %sign3A_128 : i1 to i32
      %sign3A_130 = arith.subi %sign3A_126, %sign3A_129 : i32
      %ne3A_131 = arith.cmpi ne, %sign3A_123, %sign3A_130 : i32
      %rem3A_132 = arith.remsi %squeeze3A_114, %jit3A_115 : i32
      %ne3A_133 = arith.constant 0 : i32
      %ne3A_134 = arith.cmpi ne, %rem3A_132, %ne3A_133 : i32
      %and3A_135 = arith.andi %ne3A_131, %ne3A_134 : i1
      %sub3A_136 = arith.constant 1 : i32
      %sub3A_137 = arith.subi %div3A_116, %sub3A_136 : i32
      %select_n3A_138 = arith.select %and3A_135, %sub3A_137, %div3A_116 : i32
      %mul3A_139 = arith.constant 16 : i32
      %mul3A_140 = arith.muli %select_n3A_138, %mul3A_139 : i32
      %get3A_141 = arith.constant 1 : i32
      %get3A_142 = arith.index_cast %get3A_141 : i32 to index
      %get3A_143 = arith.index_cast %mul3A_140 : i32 to index
      %get3A_144 = tpu.vector_load %arg10[%get3A_142, %get3A_143] {strides = array<i32>} : memref<8x8192xf32, #tpu.memory_space<vmem>>, vector<1x16xf32>,
      %get3A_145 = vector.shape_cast %get3A_144 : vector<1x16xf32> to vector<16xf32>
      %broadcast_in_dim3A_146 = arith.constant 0 : i32
      %broadcast_in_dim3A_147 = vector.broadcast %broadcast_in_dim3A_146 : i32 to vector<16xi32>
      %jit3A_148 = arith.constant 16 : i32
      %eq3A_149 = arith.constant 0 : i32
      %eq3A_150 = arith.cmpi eq, %jit3A_148, %eq3A_149 : i32
      %jit3A_151 = arith.constant 1 : i32
      %select_n3A_152 = arith.select %eq3A_150, %jit3A_151, %jit3A_148 : i32
      %rem3A_153 = arith.remsi %squeeze3A_114, %select_n3A_152 : i32
      %ne3A_154 = arith.constant 0 : i32
      %ne3A_155 = arith.cmpi ne, %rem3A_153, %ne3A_154 : i32
      %lt3A_156 = arith.constant 0 : i32
      %lt3A_157 = arith.cmpi slt, %rem3A_153, %lt3A_156 : i32
      %lt3A_158 = arith.constant 0 : i32
      %lt3A_159 = arith.cmpi slt, %select_n3A_152, %lt3A_158 : i32
      %ne3A_160 = arith.xori %lt3A_157, %lt3A_159 : i1
      %and3A_161 = arith.andi %ne3A_160, %ne3A_155 : i1
      %add3A_162 = arith.addi %rem3A_153, %select_n3A_152 : i32
      %select_n3A_163 = arith.select %and3A_161, %add3A_162, %rem3A_153 : i32
      %add3A_164 = vector.broadcast %select_n3A_163 : i32 to vector<16xi32>
      %add3A_165 = arith.addi %broadcast_in_dim3A_147, %add3A_164 : vector<16xi32>
      %iota3A_166 = tpu.iota {dimensions = array<i32: 0>} : vector<16xi32>
      %eq3A_167 = arith.cmpi eq, %iota3A_166, %add3A_165 : vector<16xi32>
      %jit3A_168 = arith.constant 0.000000e+00 : f32
      %broadcast_in_dim3A_169 = vector.broadcast %jit3A_168 : f32 to vector<16xf32>
      %select_n3A_170 = arith.select %eq3A_167, %get3A_145, %broadcast_in_dim3A_169 : vector<16xi1>, vector<16xf32>
      %add3A_171 = arith.addf %add3A_89, %select_n3A_170 : vector<16xf32>
      %broadcast_in_dim3A_172 = arith.constant 0.000000e+00 : f32
      %broadcast_in_dim3A_173 = vector.broadcast %broadcast_in_dim3A_172 : f32 to vector<16xf32>
      %scan3A_174 = arith.constant 0 : i32
      %scan3A_175 = arith.constant 32 : i32
      %scan3A_176 = arith.addi %scan3A_174, %scan3A_175 : i32
      %scan3A_177 = arith.constant 1 : i32
      %scan3A_178:4 = scf.for %scan3A_665 = %scan3A_174 to %scan3A_176 step %scan3A_177 iter_args(%scan3A_666 = %broadcast_in_dim3A_173, %scan3A_667 = %broadcast_in_dim3A_173, %scan3A_668 = %broadcast_in_dim3A_173, %scan3A_669 = %broadcast_in_dim3A_173) -> (vector<16xf32>, vector<16xf32>, vector<16xf32>, vector<16xf32>)  : i32 {
        %mul3A_670 = arith.constant 256 : i32
        %mul3A_671 = arith.muli %scan3A_665, %mul3A_670 : i32
        %add3A_672 = arith.constant 0 : i32
        %add3A_673 = arith.addi %mul3A_671, %add3A_672 : i32
        %get3A_674 = arith.constant 2 : i32
        %get3A_675 = arith.index_cast %get3A_674 : i32 to index
        %get3A_676 = arith.index_cast %add3A_673 : i32 to index
        %get3A_677 = tpu.vector_load %arg10[%get3A_675, %get3A_676] {strides = array<i32>} : memref<8x8192xf32, #tpu.memory_space<vmem>>, vector<1x16xf32>,
        %get3A_678 = vector.shape_cast %get3A_677 : vector<1x16xf32> to vector<16xf32>
        %exp3A = math.exp %get3A_678 : vector<16xf32>
        %add3A_679 = arith.addf %scan3A_666, %exp3A : vector<16xf32>
        %add3A_680 = arith.constant 16 : i32
        %add3A_681 = arith.addi %mul3A_671, %add3A_680 : i32
        %get3A_682 = arith.constant 2 : i32
        %get3A_683 = arith.index_cast %get3A_682 : i32 to index
        %get3A_684 = arith.index_cast %add3A_681 : i32 to index
        %get3A_685 = tpu.vector_load %arg10[%get3A_683, %get3A_684] {strides = array<i32>} : memref<8x8192xf32, #tpu.memory_space<vmem>>, vector<1x16xf32>,
        %get3A_686 = vector.shape_cast %get3A_685 : vector<1x16xf32> to vector<16xf32>
        %exp3A_687 = math.exp %get3A_686 : vector<16xf32>
        %add3A_688 = arith.addf %scan3A_667, %exp3A_687 : vector<16xf32>
        %add3A_689 = arith.constant 32 : i32
        %add3A_690 = arith.addi %mul3A_671, %add3A_689 : i32
        %get3A_691 = arith.constant 2 : i32
        %get3A_692 = arith.index_cast %get3A_691 : i32 to index
        %get3A_693 = arith.index_cast %add3A_690 : i32 to index
        %get3A_694 = tpu.vector_load %arg10[%get3A_692, %get3A_693] {strides = array<i32>} : memref<8x8192xf32, #tpu.memory_space<vmem>>, vector<1x16xf32>,
        %get3A_695 = vector.shape_cast %get3A_694 : vector<1x16xf32> to vector<16xf32>
        %exp3A_696 = math.exp %get3A_695 : vector<16xf32>
        %add3A_697 = arith.addf %scan3A_668, %exp3A_696 : vector<16xf32>
        %add3A_698 = arith.constant 48 : i32
        %add3A_699 = arith.addi %mul3A_671, %add3A_698 : i32
        %get3A_700 = arith.constant 2 : i32
        %get3A_701 = arith.index_cast %get3A_700 : i32 to index
        %get3A_702 = arith.index_cast %add3A_699 : i32 to index
        %get3A_703 = tpu.vector_load %arg10[%get3A_701, %get3A_702] {strides = array<i32>} : memref<8x8192xf32, #tpu.memory_space<vmem>>, vector<1x16xf32>,
        %get3A_704 = vector.shape_cast %get3A_703 : vector<1x16xf32> to vector<16xf32>
        %exp3A_705 = math.exp %get3A_704 : vector<16xf32>
        %add3A_706 = arith.addf %scan3A_669, %exp3A_705 : vector<16xf32>
        %add3A_707 = arith.constant 64 : i32
        %add3A_708 = arith.addi %mul3A_671, %add3A_707 : i32
        %get3A_709 = arith.constant 2 : i32
        %get3A_710 = arith.index_cast %get3A_709 : i32 to index
        %get3A_711 = arith.index_cast %add3A_708 : i32 to index
        %get3A_712 = tpu.vector_load %arg10[%get3A_710, %get3A_711] {strides = array<i32>} : memref<8x8192xf32, #tpu.memory_space<vmem>>, vector<1x16xf32>,
        %get3A_713 = vector.shape_cast %get3A_712 : vector<1x16xf32> to vector<16xf32>
        %exp3A_714 = math.exp %get3A_713 : vector<16xf32>
        %add3A_715 = arith.addf %add3A_679, %exp3A_714 : vector<16xf32>
        %add3A_716 = arith.constant 80 : i32
        %add3A_717 = arith.addi %mul3A_671, %add3A_716 : i32
        %get3A_718 = arith.constant 2 : i32
        %get3A_719 = arith.index_cast %get3A_718 : i32 to index
        %get3A_720 = arith.index_cast %add3A_717 : i32 to index
        %get3A_721 = tpu.vector_load %arg10[%get3A_719, %get3A_720] {strides = array<i32>} : memref<8x8192xf32, #tpu.memory_space<vmem>>, vector<1x16xf32>,
        %get3A_722 = vector.shape_cast %get3A_721 : vector<1x16xf32> to vector<16xf32>
        %exp3A_723 = math.exp %get3A_722 : vector<16xf32>
        %add3A_724 = arith.addf %add3A_688, %exp3A_723 : vector<16xf32>
        %add3A_725 = arith.constant 96 : i32
        %add3A_726 = arith.addi %mul3A_671, %add3A_725 : i32
        %get3A_727 = arith.constant 2 : i32
        %get3A_728 = arith.index_cast %get3A_727 : i32 to index
        %get3A_729 = arith.index_cast %add3A_726 : i32 to index
        %get3A_730 = tpu.vector_load %arg10[%get3A_728, %get3A_729] {strides = array<i32>} : memref<8x8192xf32, #tpu.memory_space<vmem>>, vector<1x16xf32>,
        %get3A_731 = vector.shape_cast %get3A_730 : vector<1x16xf32> to vector<16xf32>
        %exp3A_732 = math.exp %get3A_731 : vector<16xf32>
        %add3A_733 = arith.addf %add3A_697, %exp3A_732 : vector<16xf32>
        %add3A_734 = arith.constant 112 : i32
        %add3A_735 = arith.addi %mul3A_671, %add3A_734 : i32
        %get3A_736 = arith.constant 2 : i32
        %get3A_737 = arith.index_cast %get3A_736 : i32 to index
        %get3A_738 = arith.index_cast %add3A_735 : i32 to index
        %get3A_739 = tpu.vector_load %arg10[%get3A_737, %get3A_738] {strides = array<i32>} : memref<8x8192xf32, #tpu.memory_space<vmem>>, vector<1x16xf32>,
        %get3A_740 = vector.shape_cast %get3A_739 : vector<1x16xf32> to vector<16xf32>
        %exp3A_741 = math.exp %get3A_740 : vector<16xf32>
        %add3A_742 = arith.addf %add3A_706, %exp3A_741 : vector<16xf32>
        %add3A_743 = arith.constant 128 : i32
        %add3A_744 = arith.addi %mul3A_671, %add3A_743 : i32
        %get3A_745 = arith.constant 2 : i32
        %get3A_746 = arith.index_cast %get3A_745 : i32 to index
        %get3A_747 = arith.index_cast %add3A_744 : i32 to index
        %get3A_748 = tpu.vector_load %arg10[%get3A_746, %get3A_747] {strides = array<i32>} : memref<8x8192xf32, #tpu.memory_space<vmem>>, vector<1x16xf32>,
        %get3A_749 = vector.shape_cast %get3A_748 : vector<1x16xf32> to vector<16xf32>
        %exp3A_750 = math.exp %get3A_749 : vector<16xf32>
        %add3A_751 = arith.addf %add3A_715, %exp3A_750 : vector<16xf32>
        %add3A_752 = arith.constant 144 : i32
        %add3A_753 = arith.addi %mul3A_671, %add3A_752 : i32
        %get3A_754 = arith.constant 2 : i32
        %get3A_755 = arith.index_cast %get3A_754 : i32 to index
        %get3A_756 = arith.index_cast %add3A_753 : i32 to index
        %get3A_757 = tpu.vector_load %arg10[%get3A_755, %get3A_756] {strides = array<i32>} : memref<8x8192xf32, #tpu.memory_space<vmem>>, vector<1x16xf32>,
        %get3A_758 = vector.shape_cast %get3A_757 : vector<1x16xf32> to vector<16xf32>
        %exp3A_759 = math.exp %get3A_758 : vector<16xf32>
        %add3A_760 = arith.addf %add3A_724, %exp3A_759 : vector<16xf32>
        %add3A_761 = arith.constant 160 : i32
        %add3A_762 = arith.addi %mul3A_671, %add3A_761 : i32
        %get3A_763 = arith.constant 2 : i32
        %get3A_764 = arith.index_cast %get3A_763 : i32 to index
        %get3A_765 = arith.index_cast %add3A_762 : i32 to index
        %get3A_766 = tpu.vector_load %arg10[%get3A_764, %get3A_765] {strides = array<i32>} : memref<8x8192xf32, #tpu.memory_space<vmem>>, vector<1x16xf32>,
        %get3A_767 = vector.shape_cast %get3A_766 : vector<1x16xf32> to vector<16xf32>
        %exp3A_768 = math.exp %get3A_767 : vector<16xf32>
        %add3A_769 = arith.addf %add3A_733, %exp3A_768 : vector<16xf32>
        %add3A_770 = arith.constant 176 : i32
        %add3A_771 = arith.addi %mul3A_671, %add3A_770 : i32
        %get3A_772 = arith.constant 2 : i32
        %get3A_773 = arith.index_cast %get3A_772 : i32 to index
        %get3A_774 = arith.index_cast %add3A_771 : i32 to index
        %get3A_775 = tpu.vector_load %arg10[%get3A_773, %get3A_774] {strides = array<i32>} : memref<8x8192xf32, #tpu.memory_space<vmem>>, vector<1x16xf32>,
        %get3A_776 = vector.shape_cast %get3A_775 : vector<1x16xf32> to vector<16xf32>
        %exp3A_777 = math.exp %get3A_776 : vector<16xf32>
        %add3A_778 = arith.addf %add3A_742, %exp3A_777 : vector<16xf32>
        %add3A_779 = arith.constant 192 : i32
        %add3A_780 = arith.addi %mul3A_671, %add3A_779 : i32
        %get3A_781 = arith.constant 2 : i32
        %get3A_782 = arith.index_cast %get3A_781 : i32 to index
        %get3A_783 = arith.index_cast %add3A_780 : i32 to index
        %get3A_784 = tpu.vector_load %arg10[%get3A_782, %get3A_783] {strides = array<i32>} : memref<8x8192xf32, #tpu.memory_space<vmem>>, vector<1x16xf32>,
        %get3A_785 = vector.shape_cast %get3A_784 : vector<1x16xf32> to vector<16xf32>
        %exp3A_786 = math.exp %get3A_785 : vector<16xf32>
        %add3A_787 = arith.addf %add3A_751, %exp3A_786 : vector<16xf32>
        %add3A_788 = arith.constant 208 : i32
        %add3A_789 = arith.addi %mul3A_671, %add3A_788 : i32
        %get3A_790 = arith.constant 2 : i32
        %get3A_791 = arith.index_cast %get3A_790 : i32 to index
        %get3A_792 = arith.index_cast %add3A_789 : i32 to index
        %get3A_793 = tpu.vector_load %arg10[%get3A_791, %get3A_792] {strides = array<i32>} : memref<8x8192xf32, #tpu.memory_space<vmem>>, vector<1x16xf32>,
        %get3A_794 = vector.shape_cast %get3A_793 : vector<1x16xf32> to vector<16xf32>
        %exp3A_795 = math.exp %get3A_794 : vector<16xf32>
        %add3A_796 = arith.addf %add3A_760, %exp3A_795 : vector<16xf32>
        %add3A_797 = arith.constant 224 : i32
        %add3A_798 = arith.addi %mul3A_671, %add3A_797 : i32
        %get3A_799 = arith.constant 2 : i32
        %get3A_800 = arith.index_cast %get3A_799 : i32 to index
        %get3A_801 = arith.index_cast %add3A_798 : i32 to index
        %get3A_802 = tpu.vector_load %arg10[%get3A_800, %get3A_801] {strides = array<i32>} : memref<8x8192xf32, #tpu.memory_space<vmem>>, vector<1x16xf32>,
        %get3A_803 = vector.shape_cast %get3A_802 : vector<1x16xf32> to vector<16xf32>
        %exp3A_804 = math.exp %get3A_803 : vector<16xf32>
        %add3A_805 = arith.addf %add3A_769, %exp3A_804 : vector<16xf32>
        %add3A_806 = arith.constant 240 : i32
        %add3A_807 = arith.addi %mul3A_671, %add3A_806 : i32
        %get3A_808 = arith.constant 2 : i32
        %get3A_809 = arith.index_cast %get3A_808 : i32 to index
        %get3A_810 = arith.index_cast %add3A_807 : i32 to index
        %get3A_811 = tpu.vector_load %arg10[%get3A_809, %get3A_810] {strides = array<i32>} : memref<8x8192xf32, #tpu.memory_space<vmem>>, vector<1x16xf32>,
        %get3A_812 = vector.shape_cast %get3A_811 : vector<1x16xf32> to vector<16xf32>
        %exp3A_813 = math.exp %get3A_812 : vector<16xf32>
        %add3A_814 = arith.addf %add3A_778, %exp3A_813 : vector<16xf32>
        scf.yield %add3A_787, %add3A_796, %add3A_805, %add3A_814 : vector<16xf32>, vector<16xf32>, vector<16xf32>, vector<16xf32>
      }
      %scan3A_179 = arith.constant 32 : i32
      %add3A_180 = arith.addf %scan3A_178#0, %scan3A_178#1 : vector<16xf32>
      %add3A_181 = arith.addf %scan3A_178#2, %scan3A_178#3 : vector<16xf32>
      %add3A_182 = arith.addf %add3A_180, %add3A_181 : vector<16xf32>
      %add3A_183 = arith.constant 2 : i32
      %add3A_184 = arith.addi %mul3A_15, %add3A_183 : i32
      %swap3A_185 = arith.index_cast %add3A_184 : i32 to index
      %swap3A_186 = arith.constant 0 : index
      %swap3A_187 = tpu.vector_load %arg11[%swap3A_185, %swap3A_186] {strides = array<i32>} : memref<256x16xf32, #tpu.memory_space<vmem>>, vector<1x16xf32>,
      %swap3A_188 = vector.shape_cast %swap3A_187 : vector<1x16xf32> to vector<16xf32>
      %swap3A_189 = vector.shape_cast %add3A_182 : vector<16xf32> to vector<1x16xf32>
      tpu.vector_store %arg11[%swap3A_185, %swap3A_186], %swap3A_189 {strides = array<i32>} : memref<256x16xf32, #tpu.memory_space<vmem>>, vector<1x16xf32>,
      %add3A_190 = arith.constant 2 : i32
      %add3A_191 = arith.addi %mul3A_15, %add3A_190 : i32
      %get3A_192 = arith.index_cast %add3A_191 : i32 to index
      %get3A_193 = tpu.vector_load %arg9[%get3A_192] {strides = array<i32>} : memref<272xi32, #tpu.memory_space<vmem>>, vector<16xi32>,
      %get3A_194 = vector.shape_cast %get3A_193 : vector<16xi32> to vector<16xi32>
      %slice3A_195 = vector.extract_strided_slice %get3A_194 {offsets = [0], sizes = [1], strides = [1]} : vector<16xi32> to vector<1xi32>
      %squeeze3A_196 = vector.extract %slice3A_195[0] : i32 from vector<1xi32>
      %jit3A_197 = arith.constant 16 : i32
      %div3A_198 = arith.divsi %squeeze3A_196, %jit3A_197 : i32
      %sign3A_199 = arith.constant 0 : i32
      %sign3A_200 = arith.cmpi sgt, %squeeze3A_196, %sign3A_199 : i32
      %sign3A_201 = arith.extui %sign3A_200 : i1 to i32
      %sign3A_202 = arith.constant 0 : i32
      %sign3A_203 = arith.cmpi slt, %squeeze3A_196, %sign3A_202 : i32
      %sign3A_204 = arith.extui %sign3A_203 : i1 to i32
      %sign3A_205 = arith.subi %sign3A_201, %sign3A_204 : i32
      %sign3A_206 = arith.constant 0 : i32
      %sign3A_207 = arith.cmpi sgt, %jit3A_197, %sign3A_206 : i32
      %sign3A_208 = arith.extui %sign3A_207 : i1 to i32
      %sign3A_209 = arith.constant 0 : i32
      %sign3A_210 = arith.cmpi slt, %jit3A_197, %sign3A_209 : i32
      %sign3A_211 = arith.extui %sign3A_210 : i1 to i32
      %sign3A_212 = arith.subi %sign3A_208, %sign3A_211 : i32
      %ne3A_213 = arith.cmpi ne, %sign3A_205, %sign3A_212 : i32
      %rem3A_214 = arith.remsi %squeeze3A_196, %jit3A_197 : i32
      %ne3A_215 = arith.constant 0 : i32
      %ne3A_216 = arith.cmpi ne, %rem3A_214, %ne3A_215 : i32
      %and3A_217 = arith.andi %ne3A_213, %ne3A_216 : i1
      %sub3A_218 = arith.constant 1 : i32
      %sub3A_219 = arith.subi %div3A_198, %sub3A_218 : i32
      %select_n3A_220 = arith.select %and3A_217, %sub3A_219, %div3A_198 : i32
      %mul3A_221 = arith.constant 16 : i32
      %mul3A_222 = arith.muli %select_n3A_220, %mul3A_221 : i32
      %get3A_223 = arith.constant 2 : i32
      %get3A_224 = arith.index_cast %get3A_223 : i32 to index
      %get3A_225 = arith.index_cast %mul3A_222 : i32 to index
      %get3A_226 = tpu.vector_load %arg10[%get3A_224, %get3A_225] {strides = array<i32>} : memref<8x8192xf32, #tpu.memory_space<vmem>>, vector<1x16xf32>,
      %get3A_227 = vector.shape_cast %get3A_226 : vector<1x16xf32> to vector<16xf32>
      %broadcast_in_dim3A_228 = arith.constant 0 : i32
      %broadcast_in_dim3A_229 = vector.broadcast %broadcast_in_dim3A_228 : i32 to vector<16xi32>
      %jit3A_230 = arith.constant 16 : i32
      %eq3A_231 = arith.constant 0 : i32
      %eq3A_232 = arith.cmpi eq, %jit3A_230, %eq3A_231 : i32
      %jit3A_233 = arith.constant 1 : i32
      %select_n3A_234 = arith.select %eq3A_232, %jit3A_233, %jit3A_230 : i32
      %rem3A_235 = arith.remsi %squeeze3A_196, %select_n3A_234 : i32
      %ne3A_236 = arith.constant 0 : i32
      %ne3A_237 = arith.cmpi ne, %rem3A_235, %ne3A_236 : i32
      %lt3A_238 = arith.constant 0 : i32
      %lt3A_239 = arith.cmpi slt, %rem3A_235, %lt3A_238 : i32
      %lt3A_240 = arith.constant 0 : i32
      %lt3A_241 = arith.cmpi slt, %select_n3A_234, %lt3A_240 : i32
      %ne3A_242 = arith.xori %lt3A_239, %lt3A_241 : i1
      %and3A_243 = arith.andi %ne3A_242, %ne3A_237 : i1
      %add3A_244 = arith.addi %rem3A_235, %select_n3A_234 : i32
      %select_n3A_245 = arith.select %and3A_243, %add3A_244, %rem3A_235 : i32
      %add3A_246 = vector.broadcast %select_n3A_245 : i32 to vector<16xi32>
      %add3A_247 = arith.addi %broadcast_in_dim3A_229, %add3A_246 : vector<16xi32>
      %iota3A_248 = tpu.iota {dimensions = array<i32: 0>} : vector<16xi32>
      %eq3A_249 = arith.cmpi eq, %iota3A_248, %add3A_247 : vector<16xi32>
      %jit3A_250 = arith.constant 0.000000e+00 : f32
      %broadcast_in_dim3A_251 = vector.broadcast %jit3A_250 : f32 to vector<16xf32>
      %select_n3A_252 = arith.select %eq3A_249, %get3A_227, %broadcast_in_dim3A_251 : vector<16xi1>, vector<16xf32>
      %add3A_253 = arith.addf %add3A_171, %select_n3A_252 : vector<16xf32>
      %broadcast_in_dim3A_254 = arith.constant 0.000000e+00 : f32
      %broadcast_in_dim3A_255 = vector.broadcast %broadcast_in_dim3A_254 : f32 to vector<16xf32>
      %scan3A_256 = arith.constant 0 : i32
      %scan3A_257 = arith.constant 32 : i32
      %scan3A_258 = arith.addi %scan3A_256, %scan3A_257 : i32
      %scan3A_259 = arith.constant 1 : i32
      %scan3A_260:4 = scf.for %scan3A_665 = %scan3A_256 to %scan3A_258 step %scan3A_259 iter_args(%scan3A_666 = %broadcast_in_dim3A_255, %scan3A_667 = %broadcast_in_dim3A_255, %scan3A_668 = %broadcast_in_dim3A_255, %scan3A_669 = %broadcast_in_dim3A_255) -> (vector<16xf32>, vector<16xf32>, vector<16xf32>, vector<16xf32>)  : i32 {
        %mul3A_670 = arith.constant 256 : i32
        %mul3A_671 = arith.muli %scan3A_665, %mul3A_670 : i32
        %add3A_672 = arith.constant 0 : i32
        %add3A_673 = arith.addi %mul3A_671, %add3A_672 : i32
        %get3A_674 = arith.constant 3 : i32
        %get3A_675 = arith.index_cast %get3A_674 : i32 to index
        %get3A_676 = arith.index_cast %add3A_673 : i32 to index
        %get3A_677 = tpu.vector_load %arg10[%get3A_675, %get3A_676] {strides = array<i32>} : memref<8x8192xf32, #tpu.memory_space<vmem>>, vector<1x16xf32>,
        %get3A_678 = vector.shape_cast %get3A_677 : vector<1x16xf32> to vector<16xf32>
        %exp3A = math.exp %get3A_678 : vector<16xf32>
        %add3A_679 = arith.addf %scan3A_666, %exp3A : vector<16xf32>
        %add3A_680 = arith.constant 16 : i32
        %add3A_681 = arith.addi %mul3A_671, %add3A_680 : i32
        %get3A_682 = arith.constant 3 : i32
        %get3A_683 = arith.index_cast %get3A_682 : i32 to index
        %get3A_684 = arith.index_cast %add3A_681 : i32 to index
        %get3A_685 = tpu.vector_load %arg10[%get3A_683, %get3A_684] {strides = array<i32>} : memref<8x8192xf32, #tpu.memory_space<vmem>>, vector<1x16xf32>,
        %get3A_686 = vector.shape_cast %get3A_685 : vector<1x16xf32> to vector<16xf32>
        %exp3A_687 = math.exp %get3A_686 : vector<16xf32>
        %add3A_688 = arith.addf %scan3A_667, %exp3A_687 : vector<16xf32>
        %add3A_689 = arith.constant 32 : i32
        %add3A_690 = arith.addi %mul3A_671, %add3A_689 : i32
        %get3A_691 = arith.constant 3 : i32
        %get3A_692 = arith.index_cast %get3A_691 : i32 to index
        %get3A_693 = arith.index_cast %add3A_690 : i32 to index
        %get3A_694 = tpu.vector_load %arg10[%get3A_692, %get3A_693] {strides = array<i32>} : memref<8x8192xf32, #tpu.memory_space<vmem>>, vector<1x16xf32>,
        %get3A_695 = vector.shape_cast %get3A_694 : vector<1x16xf32> to vector<16xf32>
        %exp3A_696 = math.exp %get3A_695 : vector<16xf32>
        %add3A_697 = arith.addf %scan3A_668, %exp3A_696 : vector<16xf32>
        %add3A_698 = arith.constant 48 : i32
        %add3A_699 = arith.addi %mul3A_671, %add3A_698 : i32
        %get3A_700 = arith.constant 3 : i32
        %get3A_701 = arith.index_cast %get3A_700 : i32 to index
        %get3A_702 = arith.index_cast %add3A_699 : i32 to index
        %get3A_703 = tpu.vector_load %arg10[%get3A_701, %get3A_702] {strides = array<i32>} : memref<8x8192xf32, #tpu.memory_space<vmem>>, vector<1x16xf32>,
        %get3A_704 = vector.shape_cast %get3A_703 : vector<1x16xf32> to vector<16xf32>
        %exp3A_705 = math.exp %get3A_704 : vector<16xf32>
        %add3A_706 = arith.addf %scan3A_669, %exp3A_705 : vector<16xf32>
        %add3A_707 = arith.constant 64 : i32
        %add3A_708 = arith.addi %mul3A_671, %add3A_707 : i32
        %get3A_709 = arith.constant 3 : i32
        %get3A_710 = arith.index_cast %get3A_709 : i32 to index
        %get3A_711 = arith.index_cast %add3A_708 : i32 to index
        %get3A_712 = tpu.vector_load %arg10[%get3A_710, %get3A_711] {strides = array<i32>} : memref<8x8192xf32, #tpu.memory_space<vmem>>, vector<1x16xf32>,
        %get3A_713 = vector.shape_cast %get3A_712 : vector<1x16xf32> to vector<16xf32>
        %exp3A_714 = math.exp %get3A_713 : vector<16xf32>
        %add3A_715 = arith.addf %add3A_679, %exp3A_714 : vector<16xf32>
        %add3A_716 = arith.constant 80 : i32
        %add3A_717 = arith.addi %mul3A_671, %add3A_716 : i32
        %get3A_718 = arith.constant 3 : i32
        %get3A_719 = arith.index_cast %get3A_718 : i32 to index
        %get3A_720 = arith.index_cast %add3A_717 : i32 to index
        %get3A_721 = tpu.vector_load %arg10[%get3A_719, %get3A_720] {strides = array<i32>} : memref<8x8192xf32, #tpu.memory_space<vmem>>, vector<1x16xf32>,
        %get3A_722 = vector.shape_cast %get3A_721 : vector<1x16xf32> to vector<16xf32>
        %exp3A_723 = math.exp %get3A_722 : vector<16xf32>
        %add3A_724 = arith.addf %add3A_688, %exp3A_723 : vector<16xf32>
        %add3A_725 = arith.constant 96 : i32
        %add3A_726 = arith.addi %mul3A_671, %add3A_725 : i32
        %get3A_727 = arith.constant 3 : i32
        %get3A_728 = arith.index_cast %get3A_727 : i32 to index
        %get3A_729 = arith.index_cast %add3A_726 : i32 to index
        %get3A_730 = tpu.vector_load %arg10[%get3A_728, %get3A_729] {strides = array<i32>} : memref<8x8192xf32, #tpu.memory_space<vmem>>, vector<1x16xf32>,
        %get3A_731 = vector.shape_cast %get3A_730 : vector<1x16xf32> to vector<16xf32>
        %exp3A_732 = math.exp %get3A_731 : vector<16xf32>
        %add3A_733 = arith.addf %add3A_697, %exp3A_732 : vector<16xf32>
        %add3A_734 = arith.constant 112 : i32
        %add3A_735 = arith.addi %mul3A_671, %add3A_734 : i32
        %get3A_736 = arith.constant 3 : i32
        %get3A_737 = arith.index_cast %get3A_736 : i32 to index
        %get3A_738 = arith.index_cast %add3A_735 : i32 to index
        %get3A_739 = tpu.vector_load %arg10[%get3A_737, %get3A_738] {strides = array<i32>} : memref<8x8192xf32, #tpu.memory_space<vmem>>, vector<1x16xf32>,
        %get3A_740 = vector.shape_cast %get3A_739 : vector<1x16xf32> to vector<16xf32>
        %exp3A_741 = math.exp %get3A_740 : vector<16xf32>
        %add3A_742 = arith.addf %add3A_706, %exp3A_741 : vector<16xf32>
        %add3A_743 = arith.constant 128 : i32
        %add3A_744 = arith.addi %mul3A_671, %add3A_743 : i32
        %get3A_745 = arith.constant 3 : i32
        %get3A_746 = arith.index_cast %get3A_745 : i32 to index
        %get3A_747 = arith.index_cast %add3A_744 : i32 to index
        %get3A_748 = tpu.vector_load %arg10[%get3A_746, %get3A_747] {strides = array<i32>} : memref<8x8192xf32, #tpu.memory_space<vmem>>, vector<1x16xf32>,
        %get3A_749 = vector.shape_cast %get3A_748 : vector<1x16xf32> to vector<16xf32>
        %exp3A_750 = math.exp %get3A_749 : vector<16xf32>
        %add3A_751 = arith.addf %add3A_715, %exp3A_750 : vector<16xf32>
        %add3A_752 = arith.constant 144 : i32
        %add3A_753 = arith.addi %mul3A_671, %add3A_752 : i32
        %get3A_754 = arith.constant 3 : i32
        %get3A_755 = arith.index_cast %get3A_754 : i32 to index
        %get3A_756 = arith.index_cast %add3A_753 : i32 to index
        %get3A_757 = tpu.vector_load %arg10[%get3A_755, %get3A_756] {strides = array<i32>} : memref<8x8192xf32, #tpu.memory_space<vmem>>, vector<1x16xf32>,
        %get3A_758 = vector.shape_cast %get3A_757 : vector<1x16xf32> to vector<16xf32>
        %exp3A_759 = math.exp %get3A_758 : vector<16xf32>
        %add3A_760 = arith.addf %add3A_724, %exp3A_759 : vector<16xf32>
        %add3A_761 = arith.constant 160 : i32
        %add3A_762 = arith.addi %mul3A_671, %add3A_761 : i32
        %get3A_763 = arith.constant 3 : i32
        %get3A_764 = arith.index_cast %get3A_763 : i32 to index
        %get3A_765 = arith.index_cast %add3A_762 : i32 to index
        %get3A_766 = tpu.vector_load %arg10[%get3A_764, %get3A_765] {strides = array<i32>} : memref<8x8192xf32, #tpu.memory_space<vmem>>, vector<1x16xf32>,
        %get3A_767 = vector.shape_cast %get3A_766 : vector<1x16xf32> to vector<16xf32>
        %exp3A_768 = math.exp %get3A_767 : vector<16xf32>
        %add3A_769 = arith.addf %add3A_733, %exp3A_768 : vector<16xf32>
        %add3A_770 = arith.constant 176 : i32
        %add3A_771 = arith.addi %mul3A_671, %add3A_770 : i32
        %get3A_772 = arith.constant 3 : i32
        %get3A_773 = arith.index_cast %get3A_772 : i32 to index
        %get3A_774 = arith.index_cast %add3A_771 : i32 to index
        %get3A_775 = tpu.vector_load %arg10[%get3A_773, %get3A_774] {strides = array<i32>} : memref<8x8192xf32, #tpu.memory_space<vmem>>, vector<1x16xf32>,
        %get3A_776 = vector.shape_cast %get3A_775 : vector<1x16xf32> to vector<16xf32>
        %exp3A_777 = math.exp %get3A_776 : vector<16xf32>
        %add3A_778 = arith.addf %add3A_742, %exp3A_777 : vector<16xf32>
        %add3A_779 = arith.constant 192 : i32
        %add3A_780 = arith.addi %mul3A_671, %add3A_779 : i32
        %get3A_781 = arith.constant 3 : i32
        %get3A_782 = arith.index_cast %get3A_781 : i32 to index
        %get3A_783 = arith.index_cast %add3A_780 : i32 to index
        %get3A_784 = tpu.vector_load %arg10[%get3A_782, %get3A_783] {strides = array<i32>} : memref<8x8192xf32, #tpu.memory_space<vmem>>, vector<1x16xf32>,
        %get3A_785 = vector.shape_cast %get3A_784 : vector<1x16xf32> to vector<16xf32>
        %exp3A_786 = math.exp %get3A_785 : vector<16xf32>
        %add3A_787 = arith.addf %add3A_751, %exp3A_786 : vector<16xf32>
        %add3A_788 = arith.constant 208 : i32
        %add3A_789 = arith.addi %mul3A_671, %add3A_788 : i32
        %get3A_790 = arith.constant 3 : i32
        %get3A_791 = arith.index_cast %get3A_790 : i32 to index
        %get3A_792 = arith.index_cast %add3A_789 : i32 to index
        %get3A_793 = tpu.vector_load %arg10[%get3A_791, %get3A_792] {strides = array<i32>} : memref<8x8192xf32, #tpu.memory_space<vmem>>, vector<1x16xf32>,
        %get3A_794 = vector.shape_cast %get3A_793 : vector<1x16xf32> to vector<16xf32>
        %exp3A_795 = math.exp %get3A_794 : vector<16xf32>
        %add3A_796 = arith.addf %add3A_760, %exp3A_795 : vector<16xf32>
        %add3A_797 = arith.constant 224 : i32
        %add3A_798 = arith.addi %mul3A_671, %add3A_797 : i32
        %get3A_799 = arith.constant 3 : i32
        %get3A_800 = arith.index_cast %get3A_799 : i32 to index
        %get3A_801 = arith.index_cast %add3A_798 : i32 to index
        %get3A_802 = tpu.vector_load %arg10[%get3A_800, %get3A_801] {strides = array<i32>} : memref<8x8192xf32, #tpu.memory_space<vmem>>, vector<1x16xf32>,
        %get3A_803 = vector.shape_cast %get3A_802 : vector<1x16xf32> to vector<16xf32>
        %exp3A_804 = math.exp %get3A_803 : vector<16xf32>
        %add3A_805 = arith.addf %add3A_769, %exp3A_804 : vector<16xf32>
        %add3A_806 = arith.constant 240 : i32
        %add3A_807 = arith.addi %mul3A_671, %add3A_806 : i32
        %get3A_808 = arith.constant 3 : i32
        %get3A_809 = arith.index_cast %get3A_808 : i32 to index
        %get3A_810 = arith.index_cast %add3A_807 : i32 to index
        %get3A_811 = tpu.vector_load %arg10[%get3A_809, %get3A_810] {strides = array<i32>} : memref<8x8192xf32, #tpu.memory_space<vmem>>, vector<1x16xf32>,
        %get3A_812 = vector.shape_cast %get3A_811 : vector<1x16xf32> to vector<16xf32>
        %exp3A_813 = math.exp %get3A_812 : vector<16xf32>
        %add3A_814 = arith.addf %add3A_778, %exp3A_813 : vector<16xf32>
        scf.yield %add3A_787, %add3A_796, %add3A_805, %add3A_814 : vector<16xf32>, vector<16xf32>, vector<16xf32>, vector<16xf32>
      }
      %scan3A_261 = arith.constant 32 : i32
      %add3A_262 = arith.addf %scan3A_260#0, %scan3A_260#1 : vector<16xf32>
      %add3A_263 = arith.addf %scan3A_260#2, %scan3A_260#3 : vector<16xf32>
      %add3A_264 = arith.addf %add3A_262, %add3A_263 : vector<16xf32>
      %add3A_265 = arith.constant 3 : i32
      %add3A_266 = arith.addi %mul3A_15, %add3A_265 : i32
      %swap3A_267 = arith.index_cast %add3A_266 : i32 to index
      %swap3A_268 = arith.constant 0 : index
      %swap3A_269 = tpu.vector_load %arg11[%swap3A_267, %swap3A_268] {strides = array<i32>} : memref<256x16xf32, #tpu.memory_space<vmem>>, vector<1x16xf32>,
      %swap3A_270 = vector.shape_cast %swap3A_269 : vector<1x16xf32> to vector<16xf32>
      %swap3A_271 = vector.shape_cast %add3A_264 : vector<16xf32> to vector<1x16xf32>
      tpu.vector_store %arg11[%swap3A_267, %swap3A_268], %swap3A_271 {strides = array<i32>} : memref<256x16xf32, #tpu.memory_space<vmem>>, vector<1x16xf32>,
      %add3A_272 = arith.constant 3 : i32
      %add3A_273 = arith.addi %mul3A_15, %add3A_272 : i32
      %get3A_274 = arith.index_cast %add3A_273 : i32 to index
      %get3A_275 = tpu.vector_load %arg9[%get3A_274] {strides = array<i32>} : memref<272xi32, #tpu.memory_space<vmem>>, vector<16xi32>,
      %get3A_276 = vector.shape_cast %get3A_275 : vector<16xi32> to vector<16xi32>
      %slice3A_277 = vector.extract_strided_slice %get3A_276 {offsets = [0], sizes = [1], strides = [1]} : vector<16xi32> to vector<1xi32>
      %squeeze3A_278 = vector.extract %slice3A_277[0] : i32 from vector<1xi32>
      %jit3A_279 = arith.constant 16 : i32
      %div3A_280 = arith.divsi %squeeze3A_278, %jit3A_279 : i32
      %sign3A_281 = arith.constant 0 : i32
      %sign3A_282 = arith.cmpi sgt, %squeeze3A_278, %sign3A_281 : i32
      %sign3A_283 = arith.extui %sign3A_282 : i1 to i32
      %sign3A_284 = arith.constant 0 : i32
      %sign3A_285 = arith.cmpi slt, %squeeze3A_278, %sign3A_284 : i32
      %sign3A_286 = arith.extui %sign3A_285 : i1 to i32
      %sign3A_287 = arith.subi %sign3A_283, %sign3A_286 : i32
      %sign3A_288 = arith.constant 0 : i32
      %sign3A_289 = arith.cmpi sgt, %jit3A_279, %sign3A_288 : i32
      %sign3A_290 = arith.extui %sign3A_289 : i1 to i32
      %sign3A_291 = arith.constant 0 : i32
      %sign3A_292 = arith.cmpi slt, %jit3A_279, %sign3A_291 : i32
      %sign3A_293 = arith.extui %sign3A_292 : i1 to i32
      %sign3A_294 = arith.subi %sign3A_290, %sign3A_293 : i32
      %ne3A_295 = arith.cmpi ne, %sign3A_287, %sign3A_294 : i32
      %rem3A_296 = arith.remsi %squeeze3A_278, %jit3A_279 : i32
      %ne3A_297 = arith.constant 0 : i32
      %ne3A_298 = arith.cmpi ne, %rem3A_296, %ne3A_297 : i32
      %and3A_299 = arith.andi %ne3A_295, %ne3A_298 : i1
      %sub3A_300 = arith.constant 1 : i32
      %sub3A_301 = arith.subi %div3A_280, %sub3A_300 : i32
      %select_n3A_302 = arith.select %and3A_299, %sub3A_301, %div3A_280 : i32
      %mul3A_303 = arith.constant 16 : i32
      %mul3A_304 = arith.muli %select_n3A_302, %mul3A_303 : i32
      %get3A_305 = arith.constant 3 : i32
      %get3A_306 = arith.index_cast %get3A_305 : i32 to index
      %get3A_307 = arith.index_cast %mul3A_304 : i32 to index
      %get3A_308 = tpu.vector_load %arg10[%get3A_306, %get3A_307] {strides = array<i32>} : memref<8x8192xf32, #tpu.memory_space<vmem>>, vector<1x16xf32>,
      %get3A_309 = vector.shape_cast %get3A_308 : vector<1x16xf32> to vector<16xf32>
      %broadcast_in_dim3A_310 = arith.constant 0 : i32
      %broadcast_in_dim3A_311 = vector.broadcast %broadcast_in_dim3A_310 : i32 to vector<16xi32>
      %jit3A_312 = arith.constant 16 : i32
      %eq3A_313 = arith.constant 0 : i32
      %eq3A_314 = arith.cmpi eq, %jit3A_312, %eq3A_313 : i32
      %jit3A_315 = arith.constant 1 : i32
      %select_n3A_316 = arith.select %eq3A_314, %jit3A_315, %jit3A_312 : i32
      %rem3A_317 = arith.remsi %squeeze3A_278, %select_n3A_316 : i32
      %ne3A_318 = arith.constant 0 : i32
      %ne3A_319 = arith.cmpi ne, %rem3A_317, %ne3A_318 : i32
      %lt3A_320 = arith.constant 0 : i32
      %lt3A_321 = arith.cmpi slt, %rem3A_317, %lt3A_320 : i32
      %lt3A_322 = arith.constant 0 : i32
      %lt3A_323 = arith.cmpi slt, %select_n3A_316, %lt3A_322 : i32
      %ne3A_324 = arith.xori %lt3A_321, %lt3A_323 : i1
      %and3A_325 = arith.andi %ne3A_324, %ne3A_319 : i1
      %add3A_326 = arith.addi %rem3A_317, %select_n3A_316 : i32
      %select_n3A_327 = arith.select %and3A_325, %add3A_326, %rem3A_317 : i32
      %add3A_328 = vector.broadcast %select_n3A_327 : i32 to vector<16xi32>
      %add3A_329 = arith.addi %broadcast_in_dim3A_311, %add3A_328 : vector<16xi32>
      %iota3A_330 = tpu.iota {dimensions = array<i32: 0>} : vector<16xi32>
      %eq3A_331 = arith.cmpi eq, %iota3A_330, %add3A_329 : vector<16xi32>
      %jit3A_332 = arith.constant 0.000000e+00 : f32
      %broadcast_in_dim3A_333 = vector.broadcast %jit3A_332 : f32 to vector<16xf32>
      %select_n3A_334 = arith.select %eq3A_331, %get3A_309, %broadcast_in_dim3A_333 : vector<16xi1>, vector<16xf32>
      %add3A_335 = arith.addf %add3A_253, %select_n3A_334 : vector<16xf32>
      %broadcast_in_dim3A_336 = arith.constant 0.000000e+00 : f32
      %broadcast_in_dim3A_337 = vector.broadcast %broadcast_in_dim3A_336 : f32 to vector<16xf32>
      %scan3A_338 = arith.constant 0 : i32
      %scan3A_339 = arith.constant 32 : i32
      %scan3A_340 = arith.addi %scan3A_338, %scan3A_339 : i32
      %scan3A_341 = arith.constant 1 : i32
      %scan3A_342:4 = scf.for %scan3A_665 = %scan3A_338 to %scan3A_340 step %scan3A_341 iter_args(%scan3A_666 = %broadcast_in_dim3A_337, %scan3A_667 = %broadcast_in_dim3A_337, %scan3A_668 = %broadcast_in_dim3A_337, %scan3A_669 = %broadcast_in_dim3A_337) -> (vector<16xf32>, vector<16xf32>, vector<16xf32>, vector<16xf32>)  : i32 {
        %mul3A_670 = arith.constant 256 : i32
        %mul3A_671 = arith.muli %scan3A_665, %mul3A_670 : i32
        %add3A_672 = arith.constant 0 : i32
        %add3A_673 = arith.addi %mul3A_671, %add3A_672 : i32
        %get3A_674 = arith.constant 4 : i32
        %get3A_675 = arith.index_cast %get3A_674 : i32 to index
        %get3A_676 = arith.index_cast %add3A_673 : i32 to index
        %get3A_677 = tpu.vector_load %arg10[%get3A_675, %get3A_676] {strides = array<i32>} : memref<8x8192xf32, #tpu.memory_space<vmem>>, vector<1x16xf32>,
        %get3A_678 = vector.shape_cast %get3A_677 : vector<1x16xf32> to vector<16xf32>
        %exp3A = math.exp %get3A_678 : vector<16xf32>
        %add3A_679 = arith.addf %scan3A_666, %exp3A : vector<16xf32>
        %add3A_680 = arith.constant 16 : i32
        %add3A_681 = arith.addi %mul3A_671, %add3A_680 : i32
        %get3A_682 = arith.constant 4 : i32
        %get3A_683 = arith.index_cast %get3A_682 : i32 to index
        %get3A_684 = arith.index_cast %add3A_681 : i32 to index
        %get3A_685 = tpu.vector_load %arg10[%get3A_683, %get3A_684] {strides = array<i32>} : memref<8x8192xf32, #tpu.memory_space<vmem>>, vector<1x16xf32>,
        %get3A_686 = vector.shape_cast %get3A_685 : vector<1x16xf32> to vector<16xf32>
        %exp3A_687 = math.exp %get3A_686 : vector<16xf32>
        %add3A_688 = arith.addf %scan3A_667, %exp3A_687 : vector<16xf32>
        %add3A_689 = arith.constant 32 : i32
        %add3A_690 = arith.addi %mul3A_671, %add3A_689 : i32
        %get3A_691 = arith.constant 4 : i32
        %get3A_692 = arith.index_cast %get3A_691 : i32 to index
        %get3A_693 = arith.index_cast %add3A_690 : i32 to index
        %get3A_694 = tpu.vector_load %arg10[%get3A_692, %get3A_693] {strides = array<i32>} : memref<8x8192xf32, #tpu.memory_space<vmem>>, vector<1x16xf32>,
        %get3A_695 = vector.shape_cast %get3A_694 : vector<1x16xf32> to vector<16xf32>
        %exp3A_696 = math.exp %get3A_695 : vector<16xf32>
        %add3A_697 = arith.addf %scan3A_668, %exp3A_696 : vector<16xf32>
        %add3A_698 = arith.constant 48 : i32
        %add3A_699 = arith.addi %mul3A_671, %add3A_698 : i32
        %get3A_700 = arith.constant 4 : i32
        %get3A_701 = arith.index_cast %get3A_700 : i32 to index
        %get3A_702 = arith.index_cast %add3A_699 : i32 to index
        %get3A_703 = tpu.vector_load %arg10[%get3A_701, %get3A_702] {strides = array<i32>} : memref<8x8192xf32, #tpu.memory_space<vmem>>, vector<1x16xf32>,
        %get3A_704 = vector.shape_cast %get3A_703 : vector<1x16xf32> to vector<16xf32>
        %exp3A_705 = math.exp %get3A_704 : vector<16xf32>
        %add3A_706 = arith.addf %scan3A_669, %exp3A_705 : vector<16xf32>
        %add3A_707 = arith.constant 64 : i32
        %add3A_708 = arith.addi %mul3A_671, %add3A_707 : i32
        %get3A_709 = arith.constant 4 : i32
        %get3A_710 = arith.index_cast %get3A_709 : i32 to index
        %get3A_711 = arith.index_cast %add3A_708 : i32 to index
        %get3A_712 = tpu.vector_load %arg10[%get3A_710, %get3A_711] {strides = array<i32>} : memref<8x8192xf32, #tpu.memory_space<vmem>>, vector<1x16xf32>,
        %get3A_713 = vector.shape_cast %get3A_712 : vector<1x16xf32> to vector<16xf32>
        %exp3A_714 = math.exp %get3A_713 : vector<16xf32>
        %add3A_715 = arith.addf %add3A_679, %exp3A_714 : vector<16xf32>
        %add3A_716 = arith.constant 80 : i32
        %add3A_717 = arith.addi %mul3A_671, %add3A_716 : i32
        %get3A_718 = arith.constant 4 : i32
        %get3A_719 = arith.index_cast %get3A_718 : i32 to index
        %get3A_720 = arith.index_cast %add3A_717 : i32 to index
        %get3A_721 = tpu.vector_load %arg10[%get3A_719, %get3A_720] {strides = array<i32>} : memref<8x8192xf32, #tpu.memory_space<vmem>>, vector<1x16xf32>,
        %get3A_722 = vector.shape_cast %get3A_721 : vector<1x16xf32> to vector<16xf32>
        %exp3A_723 = math.exp %get3A_722 : vector<16xf32>
        %add3A_724 = arith.addf %add3A_688, %exp3A_723 : vector<16xf32>
        %add3A_725 = arith.constant 96 : i32
        %add3A_726 = arith.addi %mul3A_671, %add3A_725 : i32
        %get3A_727 = arith.constant 4 : i32
        %get3A_728 = arith.index_cast %get3A_727 : i32 to index
        %get3A_729 = arith.index_cast %add3A_726 : i32 to index
        %get3A_730 = tpu.vector_load %arg10[%get3A_728, %get3A_729] {strides = array<i32>} : memref<8x8192xf32, #tpu.memory_space<vmem>>, vector<1x16xf32>,
        %get3A_731 = vector.shape_cast %get3A_730 : vector<1x16xf32> to vector<16xf32>
        %exp3A_732 = math.exp %get3A_731 : vector<16xf32>
        %add3A_733 = arith.addf %add3A_697, %exp3A_732 : vector<16xf32>
        %add3A_734 = arith.constant 112 : i32
        %add3A_735 = arith.addi %mul3A_671, %add3A_734 : i32
        %get3A_736 = arith.constant 4 : i32
        %get3A_737 = arith.index_cast %get3A_736 : i32 to index
        %get3A_738 = arith.index_cast %add3A_735 : i32 to index
        %get3A_739 = tpu.vector_load %arg10[%get3A_737, %get3A_738] {strides = array<i32>} : memref<8x8192xf32, #tpu.memory_space<vmem>>, vector<1x16xf32>,
        %get3A_740 = vector.shape_cast %get3A_739 : vector<1x16xf32> to vector<16xf32>
        %exp3A_741 = math.exp %get3A_740 : vector<16xf32>
        %add3A_742 = arith.addf %add3A_706, %exp3A_741 : vector<16xf32>
        %add3A_743 = arith.constant 128 : i32
        %add3A_744 = arith.addi %mul3A_671, %add3A_743 : i32
        %get3A_745 = arith.constant 4 : i32
        %get3A_746 = arith.index_cast %get3A_745 : i32 to index
        %get3A_747 = arith.index_cast %add3A_744 : i32 to index
        %get3A_748 = tpu.vector_load %arg10[%get3A_746, %get3A_747] {strides = array<i32>} : memref<8x8192xf32, #tpu.memory_space<vmem>>, vector<1x16xf32>,
        %get3A_749 = vector.shape_cast %get3A_748 : vector<1x16xf32> to vector<16xf32>
        %exp3A_750 = math.exp %get3A_749 : vector<16xf32>
        %add3A_751 = arith.addf %add3A_715, %exp3A_750 : vector<16xf32>
        %add3A_752 = arith.constant 144 : i32
        %add3A_753 = arith.addi %mul3A_671, %add3A_752 : i32
        %get3A_754 = arith.constant 4 : i32
        %get3A_755 = arith.index_cast %get3A_754 : i32 to index
        %get3A_756 = arith.index_cast %add3A_753 : i32 to index
        %get3A_757 = tpu.vector_load %arg10[%get3A_755, %get3A_756] {strides = array<i32>} : memref<8x8192xf32, #tpu.memory_space<vmem>>, vector<1x16xf32>,
        %get3A_758 = vector.shape_cast %get3A_757 : vector<1x16xf32> to vector<16xf32>
        %exp3A_759 = math.exp %get3A_758 : vector<16xf32>
        %add3A_760 = arith.addf %add3A_724, %exp3A_759 : vector<16xf32>
        %add3A_761 = arith.constant 160 : i32
        %add3A_762 = arith.addi %mul3A_671, %add3A_761 : i32
        %get3A_763 = arith.constant 4 : i32
        %get3A_764 = arith.index_cast %get3A_763 : i32 to index
        %get3A_765 = arith.index_cast %add3A_762 : i32 to index
        %get3A_766 = tpu.vector_load %arg10[%get3A_764, %get3A_765] {strides = array<i32>} : memref<8x8192xf32, #tpu.memory_space<vmem>>, vector<1x16xf32>,
        %get3A_767 = vector.shape_cast %get3A_766 : vector<1x16xf32> to vector<16xf32>
        %exp3A_768 = math.exp %get3A_767 : vector<16xf32>
        %add3A_769 = arith.addf %add3A_733, %exp3A_768 : vector<16xf32>
        %add3A_770 = arith.constant 176 : i32
        %add3A_771 = arith.addi %mul3A_671, %add3A_770 : i32
        %get3A_772 = arith.constant 4 : i32
        %get3A_773 = arith.index_cast %get3A_772 : i32 to index
        %get3A_774 = arith.index_cast %add3A_771 : i32 to index
        %get3A_775 = tpu.vector_load %arg10[%get3A_773, %get3A_774] {strides = array<i32>} : memref<8x8192xf32, #tpu.memory_space<vmem>>, vector<1x16xf32>,
        %get3A_776 = vector.shape_cast %get3A_775 : vector<1x16xf32> to vector<16xf32>
        %exp3A_777 = math.exp %get3A_776 : vector<16xf32>
        %add3A_778 = arith.addf %add3A_742, %exp3A_777 : vector<16xf32>
        %add3A_779 = arith.constant 192 : i32
        %add3A_780 = arith.addi %mul3A_671, %add3A_779 : i32
        %get3A_781 = arith.constant 4 : i32
        %get3A_782 = arith.index_cast %get3A_781 : i32 to index
        %get3A_783 = arith.index_cast %add3A_780 : i32 to index
        %get3A_784 = tpu.vector_load %arg10[%get3A_782, %get3A_783] {strides = array<i32>} : memref<8x8192xf32, #tpu.memory_space<vmem>>, vector<1x16xf32>,
        %get3A_785 = vector.shape_cast %get3A_784 : vector<1x16xf32> to vector<16xf32>
        %exp3A_786 = math.exp %get3A_785 : vector<16xf32>
        %add3A_787 = arith.addf %add3A_751, %exp3A_786 : vector<16xf32>
        %add3A_788 = arith.constant 208 : i32
        %add3A_789 = arith.addi %mul3A_671, %add3A_788 : i32
        %get3A_790 = arith.constant 4 : i32
        %get3A_791 = arith.index_cast %get3A_790 : i32 to index
        %get3A_792 = arith.index_cast %add3A_789 : i32 to index
        %get3A_793 = tpu.vector_load %arg10[%get3A_791, %get3A_792] {strides = array<i32>} : memref<8x8192xf32, #tpu.memory_space<vmem>>, vector<1x16xf32>,
        %get3A_794 = vector.shape_cast %get3A_793 : vector<1x16xf32> to vector<16xf32>
        %exp3A_795 = math.exp %get3A_794 : vector<16xf32>
        %add3A_796 = arith.addf %add3A_760, %exp3A_795 : vector<16xf32>
        %add3A_797 = arith.constant 224 : i32
        %add3A_798 = arith.addi %mul3A_671, %add3A_797 : i32
        %get3A_799 = arith.constant 4 : i32
        %get3A_800 = arith.index_cast %get3A_799 : i32 to index
        %get3A_801 = arith.index_cast %add3A_798 : i32 to index
        %get3A_802 = tpu.vector_load %arg10[%get3A_800, %get3A_801] {strides = array<i32>} : memref<8x8192xf32, #tpu.memory_space<vmem>>, vector<1x16xf32>,
        %get3A_803 = vector.shape_cast %get3A_802 : vector<1x16xf32> to vector<16xf32>
        %exp3A_804 = math.exp %get3A_803 : vector<16xf32>
        %add3A_805 = arith.addf %add3A_769, %exp3A_804 : vector<16xf32>
        %add3A_806 = arith.constant 240 : i32
        %add3A_807 = arith.addi %mul3A_671, %add3A_806 : i32
        %get3A_808 = arith.constant 4 : i32
        %get3A_809 = arith.index_cast %get3A_808 : i32 to index
        %get3A_810 = arith.index_cast %add3A_807 : i32 to index
        %get3A_811 = tpu.vector_load %arg10[%get3A_809, %get3A_810] {strides = array<i32>} : memref<8x8192xf32, #tpu.memory_space<vmem>>, vector<1x16xf32>,
        %get3A_812 = vector.shape_cast %get3A_811 : vector<1x16xf32> to vector<16xf32>
        %exp3A_813 = math.exp %get3A_812 : vector<16xf32>
        %add3A_814 = arith.addf %add3A_778, %exp3A_813 : vector<16xf32>
        scf.yield %add3A_787, %add3A_796, %add3A_805, %add3A_814 : vector<16xf32>, vector<16xf32>, vector<16xf32>, vector<16xf32>
      }
      %scan3A_343 = arith.constant 32 : i32
      %add3A_344 = arith.addf %scan3A_342#0, %scan3A_342#1 : vector<16xf32>
      %add3A_345 = arith.addf %scan3A_342#2, %scan3A_342#3 : vector<16xf32>
      %add3A_346 = arith.addf %add3A_344, %add3A_345 : vector<16xf32>
      %add3A_347 = arith.constant 4 : i32
      %add3A_348 = arith.addi %mul3A_15, %add3A_347 : i32
      %swap3A_349 = arith.index_cast %add3A_348 : i32 to index
      %swap3A_350 = arith.constant 0 : index
      %swap3A_351 = tpu.vector_load %arg11[%swap3A_349, %swap3A_350] {strides = array<i32>} : memref<256x16xf32, #tpu.memory_space<vmem>>, vector<1x16xf32>,
      %swap3A_352 = vector.shape_cast %swap3A_351 : vector<1x16xf32> to vector<16xf32>
      %swap3A_353 = vector.shape_cast %add3A_346 : vector<16xf32> to vector<1x16xf32>
      tpu.vector_store %arg11[%swap3A_349, %swap3A_350], %swap3A_353 {strides = array<i32>} : memref<256x16xf32, #tpu.memory_space<vmem>>, vector<1x16xf32>,
      %add3A_354 = arith.constant 4 : i32
      %add3A_355 = arith.addi %mul3A_15, %add3A_354 : i32
      %get3A_356 = arith.index_cast %add3A_355 : i32 to index
      %get3A_357 = tpu.vector_load %arg9[%get3A_356] {strides = array<i32>} : memref<272xi32, #tpu.memory_space<vmem>>, vector<16xi32>,
      %get3A_358 = vector.shape_cast %get3A_357 : vector<16xi32> to vector<16xi32>
      %slice3A_359 = vector.extract_strided_slice %get3A_358 {offsets = [0], sizes = [1], strides = [1]} : vector<16xi32> to vector<1xi32>
      %squeeze3A_360 = vector.extract %slice3A_359[0] : i32 from vector<1xi32>
      %jit3A_361 = arith.constant 16 : i32
      %div3A_362 = arith.divsi %squeeze3A_360, %jit3A_361 : i32
      %sign3A_363 = arith.constant 0 : i32
      %sign3A_364 = arith.cmpi sgt, %squeeze3A_360, %sign3A_363 : i32
      %sign3A_365 = arith.extui %sign3A_364 : i1 to i32
      %sign3A_366 = arith.constant 0 : i32
      %sign3A_367 = arith.cmpi slt, %squeeze3A_360, %sign3A_366 : i32
      %sign3A_368 = arith.extui %sign3A_367 : i1 to i32
      %sign3A_369 = arith.subi %sign3A_365, %sign3A_368 : i32
      %sign3A_370 = arith.constant 0 : i32
      %sign3A_371 = arith.cmpi sgt, %jit3A_361, %sign3A_370 : i32
      %sign3A_372 = arith.extui %sign3A_371 : i1 to i32
      %sign3A_373 = arith.constant 0 : i32
      %sign3A_374 = arith.cmpi slt, %jit3A_361, %sign3A_373 : i32
      %sign3A_375 = arith.extui %sign3A_374 : i1 to i32
      %sign3A_376 = arith.subi %sign3A_372, %sign3A_375 : i32
      %ne3A_377 = arith.cmpi ne, %sign3A_369, %sign3A_376 : i32
      %rem3A_378 = arith.remsi %squeeze3A_360, %jit3A_361 : i32
      %ne3A_379 = arith.constant 0 : i32
      %ne3A_380 = arith.cmpi ne, %rem3A_378, %ne3A_379 : i32
      %and3A_381 = arith.andi %ne3A_377, %ne3A_380 : i1
      %sub3A_382 = arith.constant 1 : i32
      %sub3A_383 = arith.subi %div3A_362, %sub3A_382 : i32
      %select_n3A_384 = arith.select %and3A_381, %sub3A_383, %div3A_362 : i32
      %mul3A_385 = arith.constant 16 : i32
      %mul3A_386 = arith.muli %select_n3A_384, %mul3A_385 : i32
      %get3A_387 = arith.constant 4 : i32
      %get3A_388 = arith.index_cast %get3A_387 : i32 to index
      %get3A_389 = arith.index_cast %mul3A_386 : i32 to index
      %get3A_390 = tpu.vector_load %arg10[%get3A_388, %get3A_389] {strides = array<i32>} : memref<8x8192xf32, #tpu.memory_space<vmem>>, vector<1x16xf32>,
      %get3A_391 = vector.shape_cast %get3A_390 : vector<1x16xf32> to vector<16xf32>
      %broadcast_in_dim3A_392 = arith.constant 0 : i32
      %broadcast_in_dim3A_393 = vector.broadcast %broadcast_in_dim3A_392 : i32 to vector<16xi32>
      %jit3A_394 = arith.constant 16 : i32
      %eq3A_395 = arith.constant 0 : i32
      %eq3A_396 = arith.cmpi eq, %jit3A_394, %eq3A_395 : i32
      %jit3A_397 = arith.constant 1 : i32
      %select_n3A_398 = arith.select %eq3A_396, %jit3A_397, %jit3A_394 : i32
      %rem3A_399 = arith.remsi %squeeze3A_360, %select_n3A_398 : i32
      %ne3A_400 = arith.constant 0 : i32
      %ne3A_401 = arith.cmpi ne, %rem3A_399, %ne3A_400 : i32
      %lt3A_402 = arith.constant 0 : i32
      %lt3A_403 = arith.cmpi slt, %rem3A_399, %lt3A_402 : i32
      %lt3A_404 = arith.constant 0 : i32
      %lt3A_405 = arith.cmpi slt, %select_n3A_398, %lt3A_404 : i32
      %ne3A_406 = arith.xori %lt3A_403, %lt3A_405 : i1
      %and3A_407 = arith.andi %ne3A_406, %ne3A_401 : i1
      %add3A_408 = arith.addi %rem3A_399, %select_n3A_398 : i32
      %select_n3A_409 = arith.select %and3A_407, %add3A_408, %rem3A_399 : i32
      %add3A_410 = vector.broadcast %select_n3A_409 : i32 to vector<16xi32>
      %add3A_411 = arith.addi %broadcast_in_dim3A_393, %add3A_410 : vector<16xi32>
      %iota3A_412 = tpu.iota {dimensions = array<i32: 0>} : vector<16xi32>
      %eq3A_413 = arith.cmpi eq, %iota3A_412, %add3A_411 : vector<16xi32>
      %jit3A_414 = arith.constant 0.000000e+00 : f32
      %broadcast_in_dim3A_415 = vector.broadcast %jit3A_414 : f32 to vector<16xf32>
      %select_n3A_416 = arith.select %eq3A_413, %get3A_391, %broadcast_in_dim3A_415 : vector<16xi1>, vector<16xf32>
      %add3A_417 = arith.addf %add3A_335, %select_n3A_416 : vector<16xf32>
      %broadcast_in_dim3A_418 = arith.constant 0.000000e+00 : f32
      %broadcast_in_dim3A_419 = vector.broadcast %broadcast_in_dim3A_418 : f32 to vector<16xf32>
      %scan3A_420 = arith.constant 0 : i32
      %scan3A_421 = arith.constant 32 : i32
      %scan3A_422 = arith.addi %scan3A_420, %scan3A_421 : i32
      %scan3A_423 = arith.constant 1 : i32
      %scan3A_424:4 = scf.for %scan3A_665 = %scan3A_420 to %scan3A_422 step %scan3A_423 iter_args(%scan3A_666 = %broadcast_in_dim3A_419, %scan3A_667 = %broadcast_in_dim3A_419, %scan3A_668 = %broadcast_in_dim3A_419, %scan3A_669 = %broadcast_in_dim3A_419) -> (vector<16xf32>, vector<16xf32>, vector<16xf32>, vector<16xf32>)  : i32 {
        %mul3A_670 = arith.constant 256 : i32
        %mul3A_671 = arith.muli %scan3A_665, %mul3A_670 : i32
        %add3A_672 = arith.constant 0 : i32
        %add3A_673 = arith.addi %mul3A_671, %add3A_672 : i32
        %get3A_674 = arith.constant 5 : i32
        %get3A_675 = arith.index_cast %get3A_674 : i32 to index
        %get3A_676 = arith.index_cast %add3A_673 : i32 to index
        %get3A_677 = tpu.vector_load %arg10[%get3A_675, %get3A_676] {strides = array<i32>} : memref<8x8192xf32, #tpu.memory_space<vmem>>, vector<1x16xf32>,
        %get3A_678 = vector.shape_cast %get3A_677 : vector<1x16xf32> to vector<16xf32>
        %exp3A = math.exp %get3A_678 : vector<16xf32>
        %add3A_679 = arith.addf %scan3A_666, %exp3A : vector<16xf32>
        %add3A_680 = arith.constant 16 : i32
        %add3A_681 = arith.addi %mul3A_671, %add3A_680 : i32
        %get3A_682 = arith.constant 5 : i32
        %get3A_683 = arith.index_cast %get3A_682 : i32 to index
        %get3A_684 = arith.index_cast %add3A_681 : i32 to index
        %get3A_685 = tpu.vector_load %arg10[%get3A_683, %get3A_684] {strides = array<i32>} : memref<8x8192xf32, #tpu.memory_space<vmem>>, vector<1x16xf32>,
        %get3A_686 = vector.shape_cast %get3A_685 : vector<1x16xf32> to vector<16xf32>
        %exp3A_687 = math.exp %get3A_686 : vector<16xf32>
        %add3A_688 = arith.addf %scan3A_667, %exp3A_687 : vector<16xf32>
        %add3A_689 = arith.constant 32 : i32
        %add3A_690 = arith.addi %mul3A_671, %add3A_689 : i32
        %get3A_691 = arith.constant 5 : i32
        %get3A_692 = arith.index_cast %get3A_691 : i32 to index
        %get3A_693 = arith.index_cast %add3A_690 : i32 to index
        %get3A_694 = tpu.vector_load %arg10[%get3A_692, %get3A_693] {strides = array<i32>} : memref<8x8192xf32, #tpu.memory_space<vmem>>, vector<1x16xf32>,
        %get3A_695 = vector.shape_cast %get3A_694 : vector<1x16xf32> to vector<16xf32>
        %exp3A_696 = math.exp %get3A_695 : vector<16xf32>
        %add3A_697 = arith.addf %scan3A_668, %exp3A_696 : vector<16xf32>
        %add3A_698 = arith.constant 48 : i32
        %add3A_699 = arith.addi %mul3A_671, %add3A_698 : i32
        %get3A_700 = arith.constant 5 : i32
        %get3A_701 = arith.index_cast %get3A_700 : i32 to index
        %get3A_702 = arith.index_cast %add3A_699 : i32 to index
        %get3A_703 = tpu.vector_load %arg10[%get3A_701, %get3A_702] {strides = array<i32>} : memref<8x8192xf32, #tpu.memory_space<vmem>>, vector<1x16xf32>,
        %get3A_704 = vector.shape_cast %get3A_703 : vector<1x16xf32> to vector<16xf32>
        %exp3A_705 = math.exp %get3A_704 : vector<16xf32>
        %add3A_706 = arith.addf %scan3A_669, %exp3A_705 : vector<16xf32>
        %add3A_707 = arith.constant 64 : i32
        %add3A_708 = arith.addi %mul3A_671, %add3A_707 : i32
        %get3A_709 = arith.constant 5 : i32
        %get3A_710 = arith.index_cast %get3A_709 : i32 to index
        %get3A_711 = arith.index_cast %add3A_708 : i32 to index
        %get3A_712 = tpu.vector_load %arg10[%get3A_710, %get3A_711] {strides = array<i32>} : memref<8x8192xf32, #tpu.memory_space<vmem>>, vector<1x16xf32>,
        %get3A_713 = vector.shape_cast %get3A_712 : vector<1x16xf32> to vector<16xf32>
        %exp3A_714 = math.exp %get3A_713 : vector<16xf32>
        %add3A_715 = arith.addf %add3A_679, %exp3A_714 : vector<16xf32>
        %add3A_716 = arith.constant 80 : i32
        %add3A_717 = arith.addi %mul3A_671, %add3A_716 : i32
        %get3A_718 = arith.constant 5 : i32
        %get3A_719 = arith.index_cast %get3A_718 : i32 to index
        %get3A_720 = arith.index_cast %add3A_717 : i32 to index
        %get3A_721 = tpu.vector_load %arg10[%get3A_719, %get3A_720] {strides = array<i32>} : memref<8x8192xf32, #tpu.memory_space<vmem>>, vector<1x16xf32>,
        %get3A_722 = vector.shape_cast %get3A_721 : vector<1x16xf32> to vector<16xf32>
        %exp3A_723 = math.exp %get3A_722 : vector<16xf32>
        %add3A_724 = arith.addf %add3A_688, %exp3A_723 : vector<16xf32>
        %add3A_725 = arith.constant 96 : i32
        %add3A_726 = arith.addi %mul3A_671, %add3A_725 : i32
        %get3A_727 = arith.constant 5 : i32
        %get3A_728 = arith.index_cast %get3A_727 : i32 to index
        %get3A_729 = arith.index_cast %add3A_726 : i32 to index
        %get3A_730 = tpu.vector_load %arg10[%get3A_728, %get3A_729] {strides = array<i32>} : memref<8x8192xf32, #tpu.memory_space<vmem>>, vector<1x16xf32>,
        %get3A_731 = vector.shape_cast %get3A_730 : vector<1x16xf32> to vector<16xf32>
        %exp3A_732 = math.exp %get3A_731 : vector<16xf32>
        %add3A_733 = arith.addf %add3A_697, %exp3A_732 : vector<16xf32>
        %add3A_734 = arith.constant 112 : i32
        %add3A_735 = arith.addi %mul3A_671, %add3A_734 : i32
        %get3A_736 = arith.constant 5 : i32
        %get3A_737 = arith.index_cast %get3A_736 : i32 to index
        %get3A_738 = arith.index_cast %add3A_735 : i32 to index
        %get3A_739 = tpu.vector_load %arg10[%get3A_737, %get3A_738] {strides = array<i32>} : memref<8x8192xf32, #tpu.memory_space<vmem>>, vector<1x16xf32>,
        %get3A_740 = vector.shape_cast %get3A_739 : vector<1x16xf32> to vector<16xf32>
        %exp3A_741 = math.exp %get3A_740 : vector<16xf32>
        %add3A_742 = arith.addf %add3A_706, %exp3A_741 : vector<16xf32>
        %add3A_743 = arith.constant 128 : i32
        %add3A_744 = arith.addi %mul3A_671, %add3A_743 : i32
        %get3A_745 = arith.constant 5 : i32
        %get3A_746 = arith.index_cast %get3A_745 : i32 to index
        %get3A_747 = arith.index_cast %add3A_744 : i32 to index
        %get3A_748 = tpu.vector_load %arg10[%get3A_746, %get3A_747] {strides = array<i32>} : memref<8x8192xf32, #tpu.memory_space<vmem>>, vector<1x16xf32>,
        %get3A_749 = vector.shape_cast %get3A_748 : vector<1x16xf32> to vector<16xf32>
        %exp3A_750 = math.exp %get3A_749 : vector<16xf32>
        %add3A_751 = arith.addf %add3A_715, %exp3A_750 : vector<16xf32>
        %add3A_752 = arith.constant 144 : i32
        %add3A_753 = arith.addi %mul3A_671, %add3A_752 : i32
        %get3A_754 = arith.constant 5 : i32
        %get3A_755 = arith.index_cast %get3A_754 : i32 to index
        %get3A_756 = arith.index_cast %add3A_753 : i32 to index
        %get3A_757 = tpu.vector_load %arg10[%get3A_755, %get3A_756] {strides = array<i32>} : memref<8x8192xf32, #tpu.memory_space<vmem>>, vector<1x16xf32>,
        %get3A_758 = vector.shape_cast %get3A_757 : vector<1x16xf32> to vector<16xf32>
        %exp3A_759 = math.exp %get3A_758 : vector<16xf32>
        %add3A_760 = arith.addf %add3A_724, %exp3A_759 : vector<16xf32>
        %add3A_761 = arith.constant 160 : i32
        %add3A_762 = arith.addi %mul3A_671, %add3A_761 : i32
        %get3A_763 = arith.constant 5 : i32
        %get3A_764 = arith.index_cast %get3A_763 : i32 to index
        %get3A_765 = arith.index_cast %add3A_762 : i32 to index
        %get3A_766 = tpu.vector_load %arg10[%get3A_764, %get3A_765] {strides = array<i32>} : memref<8x8192xf32, #tpu.memory_space<vmem>>, vector<1x16xf32>,
        %get3A_767 = vector.shape_cast %get3A_766 : vector<1x16xf32> to vector<16xf32>
        %exp3A_768 = math.exp %get3A_767 : vector<16xf32>
        %add3A_769 = arith.addf %add3A_733, %exp3A_768 : vector<16xf32>
        %add3A_770 = arith.constant 176 : i32
        %add3A_771 = arith.addi %mul3A_671, %add3A_770 : i32
        %get3A_772 = arith.constant 5 : i32
        %get3A_773 = arith.index_cast %get3A_772 : i32 to index
        %get3A_774 = arith.index_cast %add3A_771 : i32 to index
        %get3A_775 = tpu.vector_load %arg10[%get3A_773, %get3A_774] {strides = array<i32>} : memref<8x8192xf32, #tpu.memory_space<vmem>>, vector<1x16xf32>,
        %get3A_776 = vector.shape_cast %get3A_775 : vector<1x16xf32> to vector<16xf32>
        %exp3A_777 = math.exp %get3A_776 : vector<16xf32>
        %add3A_778 = arith.addf %add3A_742, %exp3A_777 : vector<16xf32>
        %add3A_779 = arith.constant 192 : i32
        %add3A_780 = arith.addi %mul3A_671, %add3A_779 : i32
        %get3A_781 = arith.constant 5 : i32
        %get3A_782 = arith.index_cast %get3A_781 : i32 to index
        %get3A_783 = arith.index_cast %add3A_780 : i32 to index
        %get3A_784 = tpu.vector_load %arg10[%get3A_782, %get3A_783] {strides = array<i32>} : memref<8x8192xf32, #tpu.memory_space<vmem>>, vector<1x16xf32>,
        %get3A_785 = vector.shape_cast %get3A_784 : vector<1x16xf32> to vector<16xf32>
        %exp3A_786 = math.exp %get3A_785 : vector<16xf32>
        %add3A_787 = arith.addf %add3A_751, %exp3A_786 : vector<16xf32>
        %add3A_788 = arith.constant 208 : i32
        %add3A_789 = arith.addi %mul3A_671, %add3A_788 : i32
        %get3A_790 = arith.constant 5 : i32
        %get3A_791 = arith.index_cast %get3A_790 : i32 to index
        %get3A_792 = arith.index_cast %add3A_789 : i32 to index
        %get3A_793 = tpu.vector_load %arg10[%get3A_791, %get3A_792] {strides = array<i32>} : memref<8x8192xf32, #tpu.memory_space<vmem>>, vector<1x16xf32>,
        %get3A_794 = vector.shape_cast %get3A_793 : vector<1x16xf32> to vector<16xf32>
        %exp3A_795 = math.exp %get3A_794 : vector<16xf32>
        %add3A_796 = arith.addf %add3A_760, %exp3A_795 : vector<16xf32>
        %add3A_797 = arith.constant 224 : i32
        %add3A_798 = arith.addi %mul3A_671, %add3A_797 : i32
        %get3A_799 = arith.constant 5 : i32
        %get3A_800 = arith.index_cast %get3A_799 : i32 to index
        %get3A_801 = arith.index_cast %add3A_798 : i32 to index
        %get3A_802 = tpu.vector_load %arg10[%get3A_800, %get3A_801] {strides = array<i32>} : memref<8x8192xf32, #tpu.memory_space<vmem>>, vector<1x16xf32>,
        %get3A_803 = vector.shape_cast %get3A_802 : vector<1x16xf32> to vector<16xf32>
        %exp3A_804 = math.exp %get3A_803 : vector<16xf32>
        %add3A_805 = arith.addf %add3A_769, %exp3A_804 : vector<16xf32>
        %add3A_806 = arith.constant 240 : i32
        %add3A_807 = arith.addi %mul3A_671, %add3A_806 : i32
        %get3A_808 = arith.constant 5 : i32
        %get3A_809 = arith.index_cast %get3A_808 : i32 to index
        %get3A_810 = arith.index_cast %add3A_807 : i32 to index
        %get3A_811 = tpu.vector_load %arg10[%get3A_809, %get3A_810] {strides = array<i32>} : memref<8x8192xf32, #tpu.memory_space<vmem>>, vector<1x16xf32>,
        %get3A_812 = vector.shape_cast %get3A_811 : vector<1x16xf32> to vector<16xf32>
        %exp3A_813 = math.exp %get3A_812 : vector<16xf32>
        %add3A_814 = arith.addf %add3A_778, %exp3A_813 : vector<16xf32>
        scf.yield %add3A_787, %add3A_796, %add3A_805, %add3A_814 : vector<16xf32>, vector<16xf32>, vector<16xf32>, vector<16xf32>
      }
      %scan3A_425 = arith.constant 32 : i32
      %add3A_426 = arith.addf %scan3A_424#0, %scan3A_424#1 : vector<16xf32>
      %add3A_427 = arith.addf %scan3A_424#2, %scan3A_424#3 : vector<16xf32>
      %add3A_428 = arith.addf %add3A_426, %add3A_427 : vector<16xf32>
      %add3A_429 = arith.constant 5 : i32
      %add3A_430 = arith.addi %mul3A_15, %add3A_429 : i32
      %swap3A_431 = arith.index_cast %add3A_430 : i32 to index
      %swap3A_432 = arith.constant 0 : index
      %swap3A_433 = tpu.vector_load %arg11[%swap3A_431, %swap3A_432] {strides = array<i32>} : memref<256x16xf32, #tpu.memory_space<vmem>>, vector<1x16xf32>,
      %swap3A_434 = vector.shape_cast %swap3A_433 : vector<1x16xf32> to vector<16xf32>
      %swap3A_435 = vector.shape_cast %add3A_428 : vector<16xf32> to vector<1x16xf32>
      tpu.vector_store %arg11[%swap3A_431, %swap3A_432], %swap3A_435 {strides = array<i32>} : memref<256x16xf32, #tpu.memory_space<vmem>>, vector<1x16xf32>,
      %add3A_436 = arith.constant 5 : i32
      %add3A_437 = arith.addi %mul3A_15, %add3A_436 : i32
      %get3A_438 = arith.index_cast %add3A_437 : i32 to index
      %get3A_439 = tpu.vector_load %arg9[%get3A_438] {strides = array<i32>} : memref<272xi32, #tpu.memory_space<vmem>>, vector<16xi32>,
      %get3A_440 = vector.shape_cast %get3A_439 : vector<16xi32> to vector<16xi32>
      %slice3A_441 = vector.extract_strided_slice %get3A_440 {offsets = [0], sizes = [1], strides = [1]} : vector<16xi32> to vector<1xi32>
      %squeeze3A_442 = vector.extract %slice3A_441[0] : i32 from vector<1xi32>
      %jit3A_443 = arith.constant 16 : i32
      %div3A_444 = arith.divsi %squeeze3A_442, %jit3A_443 : i32
      %sign3A_445 = arith.constant 0 : i32
      %sign3A_446 = arith.cmpi sgt, %squeeze3A_442, %sign3A_445 : i32
      %sign3A_447 = arith.extui %sign3A_446 : i1 to i32
      %sign3A_448 = arith.constant 0 : i32
      %sign3A_449 = arith.cmpi slt, %squeeze3A_442, %sign3A_448 : i32
      %sign3A_450 = arith.extui %sign3A_449 : i1 to i32
      %sign3A_451 = arith.subi %sign3A_447, %sign3A_450 : i32
      %sign3A_452 = arith.constant 0 : i32
      %sign3A_453 = arith.cmpi sgt, %jit3A_443, %sign3A_452 : i32
      %sign3A_454 = arith.extui %sign3A_453 : i1 to i32
      %sign3A_455 = arith.constant 0 : i32
      %sign3A_456 = arith.cmpi slt, %jit3A_443, %sign3A_455 : i32
      %sign3A_457 = arith.extui %sign3A_456 : i1 to i32
      %sign3A_458 = arith.subi %sign3A_454, %sign3A_457 : i32
      %ne3A_459 = arith.cmpi ne, %sign3A_451, %sign3A_458 : i32
      %rem3A_460 = arith.remsi %squeeze3A_442, %jit3A_443 : i32
      %ne3A_461 = arith.constant 0 : i32
      %ne3A_462 = arith.cmpi ne, %rem3A_460, %ne3A_461 : i32
      %and3A_463 = arith.andi %ne3A_459, %ne3A_462 : i1
      %sub3A_464 = arith.constant 1 : i32
      %sub3A_465 = arith.subi %div3A_444, %sub3A_464 : i32
      %select_n3A_466 = arith.select %and3A_463, %sub3A_465, %div3A_444 : i32
      %mul3A_467 = arith.constant 16 : i32
      %mul3A_468 = arith.muli %select_n3A_466, %mul3A_467 : i32
      %get3A_469 = arith.constant 5 : i32
      %get3A_470 = arith.index_cast %get3A_469 : i32 to index
      %get3A_471 = arith.index_cast %mul3A_468 : i32 to index
      %get3A_472 = tpu.vector_load %arg10[%get3A_470, %get3A_471] {strides = array<i32>} : memref<8x8192xf32, #tpu.memory_space<vmem>>, vector<1x16xf32>,
      %get3A_473 = vector.shape_cast %get3A_472 : vector<1x16xf32> to vector<16xf32>
      %broadcast_in_dim3A_474 = arith.constant 0 : i32
      %broadcast_in_dim3A_475 = vector.broadcast %broadcast_in_dim3A_474 : i32 to vector<16xi32>
      %jit3A_476 = arith.constant 16 : i32
      %eq3A_477 = arith.constant 0 : i32
      %eq3A_478 = arith.cmpi eq, %jit3A_476, %eq3A_477 : i32
      %jit3A_479 = arith.constant 1 : i32
      %select_n3A_480 = arith.select %eq3A_478, %jit3A_479, %jit3A_476 : i32
      %rem3A_481 = arith.remsi %squeeze3A_442, %select_n3A_480 : i32
      %ne3A_482 = arith.constant 0 : i32
      %ne3A_483 = arith.cmpi ne, %rem3A_481, %ne3A_482 : i32
      %lt3A_484 = arith.constant 0 : i32
      %lt3A_485 = arith.cmpi slt, %rem3A_481, %lt3A_484 : i32
      %lt3A_486 = arith.constant 0 : i32
      %lt3A_487 = arith.cmpi slt, %select_n3A_480, %lt3A_486 : i32
      %ne3A_488 = arith.xori %lt3A_485, %lt3A_487 : i1
      %and3A_489 = arith.andi %ne3A_488, %ne3A_483 : i1
      %add3A_490 = arith.addi %rem3A_481, %select_n3A_480 : i32
      %select_n3A_491 = arith.select %and3A_489, %add3A_490, %rem3A_481 : i32
      %add3A_492 = vector.broadcast %select_n3A_491 : i32 to vector<16xi32>
      %add3A_493 = arith.addi %broadcast_in_dim3A_475, %add3A_492 : vector<16xi32>
      %iota3A_494 = tpu.iota {dimensions = array<i32: 0>} : vector<16xi32>
      %eq3A_495 = arith.cmpi eq, %iota3A_494, %add3A_493 : vector<16xi32>
      %jit3A_496 = arith.constant 0.000000e+00 : f32
      %broadcast_in_dim3A_497 = vector.broadcast %jit3A_496 : f32 to vector<16xf32>
      %select_n3A_498 = arith.select %eq3A_495, %get3A_473, %broadcast_in_dim3A_497 : vector<16xi1>, vector<16xf32>
      %add3A_499 = arith.addf %add3A_417, %select_n3A_498 : vector<16xf32>
      %broadcast_in_dim3A_500 = arith.constant 0.000000e+00 : f32
      %broadcast_in_dim3A_501 = vector.broadcast %broadcast_in_dim3A_500 : f32 to vector<16xf32>
      %scan3A_502 = arith.constant 0 : i32
      %scan3A_503 = arith.constant 32 : i32
      %scan3A_504 = arith.addi %scan3A_502, %scan3A_503 : i32
      %scan3A_505 = arith.constant 1 : i32
      %scan3A_506:4 = scf.for %scan3A_665 = %scan3A_502 to %scan3A_504 step %scan3A_505 iter_args(%scan3A_666 = %broadcast_in_dim3A_501, %scan3A_667 = %broadcast_in_dim3A_501, %scan3A_668 = %broadcast_in_dim3A_501, %scan3A_669 = %broadcast_in_dim3A_501) -> (vector<16xf32>, vector<16xf32>, vector<16xf32>, vector<16xf32>)  : i32 {
        %mul3A_670 = arith.constant 256 : i32
        %mul3A_671 = arith.muli %scan3A_665, %mul3A_670 : i32
        %add3A_672 = arith.constant 0 : i32
        %add3A_673 = arith.addi %mul3A_671, %add3A_672 : i32
        %get3A_674 = arith.constant 6 : i32
        %get3A_675 = arith.index_cast %get3A_674 : i32 to index
        %get3A_676 = arith.index_cast %add3A_673 : i32 to index
        %get3A_677 = tpu.vector_load %arg10[%get3A_675, %get3A_676] {strides = array<i32>} : memref<8x8192xf32, #tpu.memory_space<vmem>>, vector<1x16xf32>,
        %get3A_678 = vector.shape_cast %get3A_677 : vector<1x16xf32> to vector<16xf32>
        %exp3A = math.exp %get3A_678 : vector<16xf32>
        %add3A_679 = arith.addf %scan3A_666, %exp3A : vector<16xf32>
        %add3A_680 = arith.constant 16 : i32
        %add3A_681 = arith.addi %mul3A_671, %add3A_680 : i32
        %get3A_682 = arith.constant 6 : i32
        %get3A_683 = arith.index_cast %get3A_682 : i32 to index
        %get3A_684 = arith.index_cast %add3A_681 : i32 to index
        %get3A_685 = tpu.vector_load %arg10[%get3A_683, %get3A_684] {strides = array<i32>} : memref<8x8192xf32, #tpu.memory_space<vmem>>, vector<1x16xf32>,
        %get3A_686 = vector.shape_cast %get3A_685 : vector<1x16xf32> to vector<16xf32>
        %exp3A_687 = math.exp %get3A_686 : vector<16xf32>
        %add3A_688 = arith.addf %scan3A_667, %exp3A_687 : vector<16xf32>
        %add3A_689 = arith.constant 32 : i32
        %add3A_690 = arith.addi %mul3A_671, %add3A_689 : i32
        %get3A_691 = arith.constant 6 : i32
        %get3A_692 = arith.index_cast %get3A_691 : i32 to index
        %get3A_693 = arith.index_cast %add3A_690 : i32 to index
        %get3A_694 = tpu.vector_load %arg10[%get3A_692, %get3A_693] {strides = array<i32>} : memref<8x8192xf32, #tpu.memory_space<vmem>>, vector<1x16xf32>,
        %get3A_695 = vector.shape_cast %get3A_694 : vector<1x16xf32> to vector<16xf32>
        %exp3A_696 = math.exp %get3A_695 : vector<16xf32>
        %add3A_697 = arith.addf %scan3A_668, %exp3A_696 : vector<16xf32>
        %add3A_698 = arith.constant 48 : i32
        %add3A_699 = arith.addi %mul3A_671, %add3A_698 : i32
        %get3A_700 = arith.constant 6 : i32
        %get3A_701 = arith.index_cast %get3A_700 : i32 to index
        %get3A_702 = arith.index_cast %add3A_699 : i32 to index
        %get3A_703 = tpu.vector_load %arg10[%get3A_701, %get3A_702] {strides = array<i32>} : memref<8x8192xf32, #tpu.memory_space<vmem>>, vector<1x16xf32>,
        %get3A_704 = vector.shape_cast %get3A_703 : vector<1x16xf32> to vector<16xf32>
        %exp3A_705 = math.exp %get3A_704 : vector<16xf32>
        %add3A_706 = arith.addf %scan3A_669, %exp3A_705 : vector<16xf32>
        %add3A_707 = arith.constant 64 : i32
        %add3A_708 = arith.addi %mul3A_671, %add3A_707 : i32
        %get3A_709 = arith.constant 6 : i32
        %get3A_710 = arith.index_cast %get3A_709 : i32 to index
        %get3A_711 = arith.index_cast %add3A_708 : i32 to index
        %get3A_712 = tpu.vector_load %arg10[%get3A_710, %get3A_711] {strides = array<i32>} : memref<8x8192xf32, #tpu.memory_space<vmem>>, vector<1x16xf32>,
        %get3A_713 = vector.shape_cast %get3A_712 : vector<1x16xf32> to vector<16xf32>
        %exp3A_714 = math.exp %get3A_713 : vector<16xf32>
        %add3A_715 = arith.addf %add3A_679, %exp3A_714 : vector<16xf32>
        %add3A_716 = arith.constant 80 : i32
        %add3A_717 = arith.addi %mul3A_671, %add3A_716 : i32
        %get3A_718 = arith.constant 6 : i32
        %get3A_719 = arith.index_cast %get3A_718 : i32 to index
        %get3A_720 = arith.index_cast %add3A_717 : i32 to index
        %get3A_721 = tpu.vector_load %arg10[%get3A_719, %get3A_720] {strides = array<i32>} : memref<8x8192xf32, #tpu.memory_space<vmem>>, vector<1x16xf32>,
        %get3A_722 = vector.shape_cast %get3A_721 : vector<1x16xf32> to vector<16xf32>
        %exp3A_723 = math.exp %get3A_722 : vector<16xf32>
        %add3A_724 = arith.addf %add3A_688, %exp3A_723 : vector<16xf32>
        %add3A_725 = arith.constant 96 : i32
        %add3A_726 = arith.addi %mul3A_671, %add3A_725 : i32
        %get3A_727 = arith.constant 6 : i32
        %get3A_728 = arith.index_cast %get3A_727 : i32 to index
        %get3A_729 = arith.index_cast %add3A_726 : i32 to index
        %get3A_730 = tpu.vector_load %arg10[%get3A_728, %get3A_729] {strides = array<i32>} : memref<8x8192xf32, #tpu.memory_space<vmem>>, vector<1x16xf32>,
        %get3A_731 = vector.shape_cast %get3A_730 : vector<1x16xf32> to vector<16xf32>
        %exp3A_732 = math.exp %get3A_731 : vector<16xf32>
        %add3A_733 = arith.addf %add3A_697, %exp3A_732 : vector<16xf32>
        %add3A_734 = arith.constant 112 : i32
        %add3A_735 = arith.addi %mul3A_671, %add3A_734 : i32
        %get3A_736 = arith.constant 6 : i32
        %get3A_737 = arith.index_cast %get3A_736 : i32 to index
        %get3A_738 = arith.index_cast %add3A_735 : i32 to index
        %get3A_739 = tpu.vector_load %arg10[%get3A_737, %get3A_738] {strides = array<i32>} : memref<8x8192xf32, #tpu.memory_space<vmem>>, vector<1x16xf32>,
        %get3A_740 = vector.shape_cast %get3A_739 : vector<1x16xf32> to vector<16xf32>
        %exp3A_741 = math.exp %get3A_740 : vector<16xf32>
        %add3A_742 = arith.addf %add3A_706, %exp3A_741 : vector<16xf32>
        %add3A_743 = arith.constant 128 : i32
        %add3A_744 = arith.addi %mul3A_671, %add3A_743 : i32
        %get3A_745 = arith.constant 6 : i32
        %get3A_746 = arith.index_cast %get3A_745 : i32 to index
        %get3A_747 = arith.index_cast %add3A_744 : i32 to index
        %get3A_748 = tpu.vector_load %arg10[%get3A_746, %get3A_747] {strides = array<i32>} : memref<8x8192xf32, #tpu.memory_space<vmem>>, vector<1x16xf32>,
        %get3A_749 = vector.shape_cast %get3A_748 : vector<1x16xf32> to vector<16xf32>
        %exp3A_750 = math.exp %get3A_749 : vector<16xf32>
        %add3A_751 = arith.addf %add3A_715, %exp3A_750 : vector<16xf32>
        %add3A_752 = arith.constant 144 : i32
        %add3A_753 = arith.addi %mul3A_671, %add3A_752 : i32
        %get3A_754 = arith.constant 6 : i32
        %get3A_755 = arith.index_cast %get3A_754 : i32 to index
        %get3A_756 = arith.index_cast %add3A_753 : i32 to index
        %get3A_757 = tpu.vector_load %arg10[%get3A_755, %get3A_756] {strides = array<i32>} : memref<8x8192xf32, #tpu.memory_space<vmem>>, vector<1x16xf32>,
        %get3A_758 = vector.shape_cast %get3A_757 : vector<1x16xf32> to vector<16xf32>
        %exp3A_759 = math.exp %get3A_758 : vector<16xf32>
        %add3A_760 = arith.addf %add3A_724, %exp3A_759 : vector<16xf32>
        %add3A_761 = arith.constant 160 : i32
        %add3A_762 = arith.addi %mul3A_671, %add3A_761 : i32
        %get3A_763 = arith.constant 6 : i32
        %get3A_764 = arith.index_cast %get3A_763 : i32 to index
        %get3A_765 = arith.index_cast %add3A_762 : i32 to index
        %get3A_766 = tpu.vector_load %arg10[%get3A_764, %get3A_765] {strides = array<i32>} : memref<8x8192xf32, #tpu.memory_space<vmem>>, vector<1x16xf32>,
        %get3A_767 = vector.shape_cast %get3A_766 : vector<1x16xf32> to vector<16xf32>
        %exp3A_768 = math.exp %get3A_767 : vector<16xf32>
        %add3A_769 = arith.addf %add3A_733, %exp3A_768 : vector<16xf32>
        %add3A_770 = arith.constant 176 : i32
        %add3A_771 = arith.addi %mul3A_671, %add3A_770 : i32
        %get3A_772 = arith.constant 6 : i32
        %get3A_773 = arith.index_cast %get3A_772 : i32 to index
        %get3A_774 = arith.index_cast %add3A_771 : i32 to index
        %get3A_775 = tpu.vector_load %arg10[%get3A_773, %get3A_774] {strides = array<i32>} : memref<8x8192xf32, #tpu.memory_space<vmem>>, vector<1x16xf32>,
        %get3A_776 = vector.shape_cast %get3A_775 : vector<1x16xf32> to vector<16xf32>
        %exp3A_777 = math.exp %get3A_776 : vector<16xf32>
        %add3A_778 = arith.addf %add3A_742, %exp3A_777 : vector<16xf32>
        %add3A_779 = arith.constant 192 : i32
        %add3A_780 = arith.addi %mul3A_671, %add3A_779 : i32
        %get3A_781 = arith.constant 6 : i32
        %get3A_782 = arith.index_cast %get3A_781 : i32 to index
        %get3A_783 = arith.index_cast %add3A_780 : i32 to index
        %get3A_784 = tpu.vector_load %arg10[%get3A_782, %get3A_783] {strides = array<i32>} : memref<8x8192xf32, #tpu.memory_space<vmem>>, vector<1x16xf32>,
        %get3A_785 = vector.shape_cast %get3A_784 : vector<1x16xf32> to vector<16xf32>
        %exp3A_786 = math.exp %get3A_785 : vector<16xf32>
        %add3A_787 = arith.addf %add3A_751, %exp3A_786 : vector<16xf32>
        %add3A_788 = arith.constant 208 : i32
        %add3A_789 = arith.addi %mul3A_671, %add3A_788 : i32
        %get3A_790 = arith.constant 6 : i32
        %get3A_791 = arith.index_cast %get3A_790 : i32 to index
        %get3A_792 = arith.index_cast %add3A_789 : i32 to index
        %get3A_793 = tpu.vector_load %arg10[%get3A_791, %get3A_792] {strides = array<i32>} : memref<8x8192xf32, #tpu.memory_space<vmem>>, vector<1x16xf32>,
        %get3A_794 = vector.shape_cast %get3A_793 : vector<1x16xf32> to vector<16xf32>
        %exp3A_795 = math.exp %get3A_794 : vector<16xf32>
        %add3A_796 = arith.addf %add3A_760, %exp3A_795 : vector<16xf32>
        %add3A_797 = arith.constant 224 : i32
        %add3A_798 = arith.addi %mul3A_671, %add3A_797 : i32
        %get3A_799 = arith.constant 6 : i32
        %get3A_800 = arith.index_cast %get3A_799 : i32 to index
        %get3A_801 = arith.index_cast %add3A_798 : i32 to index
        %get3A_802 = tpu.vector_load %arg10[%get3A_800, %get3A_801] {strides = array<i32>} : memref<8x8192xf32, #tpu.memory_space<vmem>>, vector<1x16xf32>,
        %get3A_803 = vector.shape_cast %get3A_802 : vector<1x16xf32> to vector<16xf32>
        %exp3A_804 = math.exp %get3A_803 : vector<16xf32>
        %add3A_805 = arith.addf %add3A_769, %exp3A_804 : vector<16xf32>
        %add3A_806 = arith.constant 240 : i32
        %add3A_807 = arith.addi %mul3A_671, %add3A_806 : i32
        %get3A_808 = arith.constant 6 : i32
        %get3A_809 = arith.index_cast %get3A_808 : i32 to index
        %get3A_810 = arith.index_cast %add3A_807 : i32 to index
        %get3A_811 = tpu.vector_load %arg10[%get3A_809, %get3A_810] {strides = array<i32>} : memref<8x8192xf32, #tpu.memory_space<vmem>>, vector<1x16xf32>,
        %get3A_812 = vector.shape_cast %get3A_811 : vector<1x16xf32> to vector<16xf32>
        %exp3A_813 = math.exp %get3A_812 : vector<16xf32>
        %add3A_814 = arith.addf %add3A_778, %exp3A_813 : vector<16xf32>
        scf.yield %add3A_787, %add3A_796, %add3A_805, %add3A_814 : vector<16xf32>, vector<16xf32>, vector<16xf32>, vector<16xf32>
      }
      %scan3A_507 = arith.constant 32 : i32
      %add3A_508 = arith.addf %scan3A_506#0, %scan3A_506#1 : vector<16xf32>
      %add3A_509 = arith.addf %scan3A_506#2, %scan3A_506#3 : vector<16xf32>
      %add3A_510 = arith.addf %add3A_508, %add3A_509 : vector<16xf32>
      %add3A_511 = arith.constant 6 : i32
      %add3A_512 = arith.addi %mul3A_15, %add3A_511 : i32
      %swap3A_513 = arith.index_cast %add3A_512 : i32 to index
      %swap3A_514 = arith.constant 0 : index
      %swap3A_515 = tpu.vector_load %arg11[%swap3A_513, %swap3A_514] {strides = array<i32>} : memref<256x16xf32, #tpu.memory_space<vmem>>, vector<1x16xf32>,
      %swap3A_516 = vector.shape_cast %swap3A_515 : vector<1x16xf32> to vector<16xf32>
      %swap3A_517 = vector.shape_cast %add3A_510 : vector<16xf32> to vector<1x16xf32>
      tpu.vector_store %arg11[%swap3A_513, %swap3A_514], %swap3A_517 {strides = array<i32>} : memref<256x16xf32, #tpu.memory_space<vmem>>, vector<1x16xf32>,
      %add3A_518 = arith.constant 6 : i32
      %add3A_519 = arith.addi %mul3A_15, %add3A_518 : i32
      %get3A_520 = arith.index_cast %add3A_519 : i32 to index
      %get3A_521 = tpu.vector_load %arg9[%get3A_520] {strides = array<i32>} : memref<272xi32, #tpu.memory_space<vmem>>, vector<16xi32>,
      %get3A_522 = vector.shape_cast %get3A_521 : vector<16xi32> to vector<16xi32>
      %slice3A_523 = vector.extract_strided_slice %get3A_522 {offsets = [0], sizes = [1], strides = [1]} : vector<16xi32> to vector<1xi32>
      %squeeze3A_524 = vector.extract %slice3A_523[0] : i32 from vector<1xi32>
      %jit3A_525 = arith.constant 16 : i32
      %div3A_526 = arith.divsi %squeeze3A_524, %jit3A_525 : i32
      %sign3A_527 = arith.constant 0 : i32
      %sign3A_528 = arith.cmpi sgt, %squeeze3A_524, %sign3A_527 : i32
      %sign3A_529 = arith.extui %sign3A_528 : i1 to i32
      %sign3A_530 = arith.constant 0 : i32
      %sign3A_531 = arith.cmpi slt, %squeeze3A_524, %sign3A_530 : i32
      %sign3A_532 = arith.extui %sign3A_531 : i1 to i32
      %sign3A_533 = arith.subi %sign3A_529, %sign3A_532 : i32
      %sign3A_534 = arith.constant 0 : i32
      %sign3A_535 = arith.cmpi sgt, %jit3A_525, %sign3A_534 : i32
      %sign3A_536 = arith.extui %sign3A_535 : i1 to i32
      %sign3A_537 = arith.constant 0 : i32
      %sign3A_538 = arith.cmpi slt, %jit3A_525, %sign3A_537 : i32
      %sign3A_539 = arith.extui %sign3A_538 : i1 to i32
      %sign3A_540 = arith.subi %sign3A_536, %sign3A_539 : i32
      %ne3A_541 = arith.cmpi ne, %sign3A_533, %sign3A_540 : i32
      %rem3A_542 = arith.remsi %squeeze3A_524, %jit3A_525 : i32
      %ne3A_543 = arith.constant 0 : i32
      %ne3A_544 = arith.cmpi ne, %rem3A_542, %ne3A_543 : i32
      %and3A_545 = arith.andi %ne3A_541, %ne3A_544 : i1
      %sub3A_546 = arith.constant 1 : i32
      %sub3A_547 = arith.subi %div3A_526, %sub3A_546 : i32
      %select_n3A_548 = arith.select %and3A_545, %sub3A_547, %div3A_526 : i32
      %mul3A_549 = arith.constant 16 : i32
      %mul3A_550 = arith.muli %select_n3A_548, %mul3A_549 : i32
      %get3A_551 = arith.constant 6 : i32
      %get3A_552 = arith.index_cast %get3A_551 : i32 to index
      %get3A_553 = arith.index_cast %mul3A_550 : i32 to index
      %get3A_554 = tpu.vector_load %arg10[%get3A_552, %get3A_553] {strides = array<i32>} : memref<8x8192xf32, #tpu.memory_space<vmem>>, vector<1x16xf32>,
      %get3A_555 = vector.shape_cast %get3A_554 : vector<1x16xf32> to vector<16xf32>
      %broadcast_in_dim3A_556 = arith.constant 0 : i32
      %broadcast_in_dim3A_557 = vector.broadcast %broadcast_in_dim3A_556 : i32 to vector<16xi32>
      %jit3A_558 = arith.constant 16 : i32
      %eq3A_559 = arith.constant 0 : i32
      %eq3A_560 = arith.cmpi eq, %jit3A_558, %eq3A_559 : i32
      %jit3A_561 = arith.constant 1 : i32
      %select_n3A_562 = arith.select %eq3A_560, %jit3A_561, %jit3A_558 : i32
      %rem3A_563 = arith.remsi %squeeze3A_524, %select_n3A_562 : i32
      %ne3A_564 = arith.constant 0 : i32
      %ne3A_565 = arith.cmpi ne, %rem3A_563, %ne3A_564 : i32
      %lt3A_566 = arith.constant 0 : i32
      %lt3A_567 = arith.cmpi slt, %rem3A_563, %lt3A_566 : i32
      %lt3A_568 = arith.constant 0 : i32
      %lt3A_569 = arith.cmpi slt, %select_n3A_562, %lt3A_568 : i32
      %ne3A_570 = arith.xori %lt3A_567, %lt3A_569 : i1
      %and3A_571 = arith.andi %ne3A_570, %ne3A_565 : i1
      %add3A_572 = arith.addi %rem3A_563, %select_n3A_562 : i32
      %select_n3A_573 = arith.select %and3A_571, %add3A_572, %rem3A_563 : i32
      %add3A_574 = vector.broadcast %select_n3A_573 : i32 to vector<16xi32>
      %add3A_575 = arith.addi %broadcast_in_dim3A_557, %add3A_574 : vector<16xi32>
      %iota3A_576 = tpu.iota {dimensions = array<i32: 0>} : vector<16xi32>
      %eq3A_577 = arith.cmpi eq, %iota3A_576, %add3A_575 : vector<16xi32>
      %jit3A_578 = arith.constant 0.000000e+00 : f32
      %broadcast_in_dim3A_579 = vector.broadcast %jit3A_578 : f32 to vector<16xf32>
      %select_n3A_580 = arith.select %eq3A_577, %get3A_555, %broadcast_in_dim3A_579 : vector<16xi1>, vector<16xf32>
      %add3A_581 = arith.addf %add3A_499, %select_n3A_580 : vector<16xf32>
      %broadcast_in_dim3A_582 = arith.constant 0.000000e+00 : f32
      %broadcast_in_dim3A_583 = vector.broadcast %broadcast_in_dim3A_582 : f32 to vector<16xf32>
      %scan3A_584 = arith.constant 0 : i32
      %scan3A_585 = arith.constant 32 : i32
      %scan3A_586 = arith.addi %scan3A_584, %scan3A_585 : i32
      %scan3A_587 = arith.constant 1 : i32
      %scan3A_588:4 = scf.for %scan3A_665 = %scan3A_584 to %scan3A_586 step %scan3A_587 iter_args(%scan3A_666 = %broadcast_in_dim3A_583, %scan3A_667 = %broadcast_in_dim3A_583, %scan3A_668 = %broadcast_in_dim3A_583, %scan3A_669 = %broadcast_in_dim3A_583) -> (vector<16xf32>, vector<16xf32>, vector<16xf32>, vector<16xf32>)  : i32 {
        %mul3A_670 = arith.constant 256 : i32
        %mul3A_671 = arith.muli %scan3A_665, %mul3A_670 : i32
        %add3A_672 = arith.constant 0 : i32
        %add3A_673 = arith.addi %mul3A_671, %add3A_672 : i32
        %get3A_674 = arith.constant 7 : i32
        %get3A_675 = arith.index_cast %get3A_674 : i32 to index
        %get3A_676 = arith.index_cast %add3A_673 : i32 to index
        %get3A_677 = tpu.vector_load %arg10[%get3A_675, %get3A_676] {strides = array<i32>} : memref<8x8192xf32, #tpu.memory_space<vmem>>, vector<1x16xf32>,
        %get3A_678 = vector.shape_cast %get3A_677 : vector<1x16xf32> to vector<16xf32>
        %exp3A = math.exp %get3A_678 : vector<16xf32>
        %add3A_679 = arith.addf %scan3A_666, %exp3A : vector<16xf32>
        %add3A_680 = arith.constant 16 : i32
        %add3A_681 = arith.addi %mul3A_671, %add3A_680 : i32
        %get3A_682 = arith.constant 7 : i32
        %get3A_683 = arith.index_cast %get3A_682 : i32 to index
        %get3A_684 = arith.index_cast %add3A_681 : i32 to index
        %get3A_685 = tpu.vector_load %arg10[%get3A_683, %get3A_684] {strides = array<i32>} : memref<8x8192xf32, #tpu.memory_space<vmem>>, vector<1x16xf32>,
        %get3A_686 = vector.shape_cast %get3A_685 : vector<1x16xf32> to vector<16xf32>
        %exp3A_687 = math.exp %get3A_686 : vector<16xf32>
        %add3A_688 = arith.addf %scan3A_667, %exp3A_687 : vector<16xf32>
        %add3A_689 = arith.constant 32 : i32
        %add3A_690 = arith.addi %mul3A_671, %add3A_689 : i32
        %get3A_691 = arith.constant 7 : i32
        %get3A_692 = arith.index_cast %get3A_691 : i32 to index
        %get3A_693 = arith.index_cast %add3A_690 : i32 to index
        %get3A_694 = tpu.vector_load %arg10[%get3A_692, %get3A_693] {strides = array<i32>} : memref<8x8192xf32, #tpu.memory_space<vmem>>, vector<1x16xf32>,
        %get3A_695 = vector.shape_cast %get3A_694 : vector<1x16xf32> to vector<16xf32>
        %exp3A_696 = math.exp %get3A_695 : vector<16xf32>
        %add3A_697 = arith.addf %scan3A_668, %exp3A_696 : vector<16xf32>
        %add3A_698 = arith.constant 48 : i32
        %add3A_699 = arith.addi %mul3A_671, %add3A_698 : i32
        %get3A_700 = arith.constant 7 : i32
        %get3A_701 = arith.index_cast %get3A_700 : i32 to index
        %get3A_702 = arith.index_cast %add3A_699 : i32 to index
        %get3A_703 = tpu.vector_load %arg10[%get3A_701, %get3A_702] {strides = array<i32>} : memref<8x8192xf32, #tpu.memory_space<vmem>>, vector<1x16xf32>,
        %get3A_704 = vector.shape_cast %get3A_703 : vector<1x16xf32> to vector<16xf32>
        %exp3A_705 = math.exp %get3A_704 : vector<16xf32>
        %add3A_706 = arith.addf %scan3A_669, %exp3A_705 : vector<16xf32>
        %add3A_707 = arith.constant 64 : i32
        %add3A_708 = arith.addi %mul3A_671, %add3A_707 : i32
        %get3A_709 = arith.constant 7 : i32
        %get3A_710 = arith.index_cast %get3A_709 : i32 to index
        %get3A_711 = arith.index_cast %add3A_708 : i32 to index
        %get3A_712 = tpu.vector_load %arg10[%get3A_710, %get3A_711] {strides = array<i32>} : memref<8x8192xf32, #tpu.memory_space<vmem>>, vector<1x16xf32>,
        %get3A_713 = vector.shape_cast %get3A_712 : vector<1x16xf32> to vector<16xf32>
        %exp3A_714 = math.exp %get3A_713 : vector<16xf32>
        %add3A_715 = arith.addf %add3A_679, %exp3A_714 : vector<16xf32>
        %add3A_716 = arith.constant 80 : i32
        %add3A_717 = arith.addi %mul3A_671, %add3A_716 : i32
        %get3A_718 = arith.constant 7 : i32
        %get3A_719 = arith.index_cast %get3A_718 : i32 to index
        %get3A_720 = arith.index_cast %add3A_717 : i32 to index
        %get3A_721 = tpu.vector_load %arg10[%get3A_719, %get3A_720] {strides = array<i32>} : memref<8x8192xf32, #tpu.memory_space<vmem>>, vector<1x16xf32>,
        %get3A_722 = vector.shape_cast %get3A_721 : vector<1x16xf32> to vector<16xf32>
        %exp3A_723 = math.exp %get3A_722 : vector<16xf32>
        %add3A_724 = arith.addf %add3A_688, %exp3A_723 : vector<16xf32>
        %add3A_725 = arith.constant 96 : i32
        %add3A_726 = arith.addi %mul3A_671, %add3A_725 : i32
        %get3A_727 = arith.constant 7 : i32
        %get3A_728 = arith.index_cast %get3A_727 : i32 to index
        %get3A_729 = arith.index_cast %add3A_726 : i32 to index
        %get3A_730 = tpu.vector_load %arg10[%get3A_728, %get3A_729] {strides = array<i32>} : memref<8x8192xf32, #tpu.memory_space<vmem>>, vector<1x16xf32>,
        %get3A_731 = vector.shape_cast %get3A_730 : vector<1x16xf32> to vector<16xf32>
        %exp3A_732 = math.exp %get3A_731 : vector<16xf32>
        %add3A_733 = arith.addf %add3A_697, %exp3A_732 : vector<16xf32>
        %add3A_734 = arith.constant 112 : i32
        %add3A_735 = arith.addi %mul3A_671, %add3A_734 : i32
        %get3A_736 = arith.constant 7 : i32
        %get3A_737 = arith.index_cast %get3A_736 : i32 to index
        %get3A_738 = arith.index_cast %add3A_735 : i32 to index
        %get3A_739 = tpu.vector_load %arg10[%get3A_737, %get3A_738] {strides = array<i32>} : memref<8x8192xf32, #tpu.memory_space<vmem>>, vector<1x16xf32>,
        %get3A_740 = vector.shape_cast %get3A_739 : vector<1x16xf32> to vector<16xf32>
        %exp3A_741 = math.exp %get3A_740 : vector<16xf32>
        %add3A_742 = arith.addf %add3A_706, %exp3A_741 : vector<16xf32>
        %add3A_743 = arith.constant 128 : i32
        %add3A_744 = arith.addi %mul3A_671, %add3A_743 : i32
        %get3A_745 = arith.constant 7 : i32
        %get3A_746 = arith.index_cast %get3A_745 : i32 to index
        %get3A_747 = arith.index_cast %add3A_744 : i32 to index
        %get3A_748 = tpu.vector_load %arg10[%get3A_746, %get3A_747] {strides = array<i32>} : memref<8x8192xf32, #tpu.memory_space<vmem>>, vector<1x16xf32>,
        %get3A_749 = vector.shape_cast %get3A_748 : vector<1x16xf32> to vector<16xf32>
        %exp3A_750 = math.exp %get3A_749 : vector<16xf32>
        %add3A_751 = arith.addf %add3A_715, %exp3A_750 : vector<16xf32>
        %add3A_752 = arith.constant 144 : i32
        %add3A_753 = arith.addi %mul3A_671, %add3A_752 : i32
        %get3A_754 = arith.constant 7 : i32
        %get3A_755 = arith.index_cast %get3A_754 : i32 to index
        %get3A_756 = arith.index_cast %add3A_753 : i32 to index
        %get3A_757 = tpu.vector_load %arg10[%get3A_755, %get3A_756] {strides = array<i32>} : memref<8x8192xf32, #tpu.memory_space<vmem>>, vector<1x16xf32>,
        %get3A_758 = vector.shape_cast %get3A_757 : vector<1x16xf32> to vector<16xf32>
        %exp3A_759 = math.exp %get3A_758 : vector<16xf32>
        %add3A_760 = arith.addf %add3A_724, %exp3A_759 : vector<16xf32>
        %add3A_761 = arith.constant 160 : i32
        %add3A_762 = arith.addi %mul3A_671, %add3A_761 : i32
        %get3A_763 = arith.constant 7 : i32
        %get3A_764 = arith.index_cast %get3A_763 : i32 to index
        %get3A_765 = arith.index_cast %add3A_762 : i32 to index
        %get3A_766 = tpu.vector_load %arg10[%get3A_764, %get3A_765] {strides = array<i32>} : memref<8x8192xf32, #tpu.memory_space<vmem>>, vector<1x16xf32>,
        %get3A_767 = vector.shape_cast %get3A_766 : vector<1x16xf32> to vector<16xf32>
        %exp3A_768 = math.exp %get3A_767 : vector<16xf32>
        %add3A_769 = arith.addf %add3A_733, %exp3A_768 : vector<16xf32>
        %add3A_770 = arith.constant 176 : i32
        %add3A_771 = arith.addi %mul3A_671, %add3A_770 : i32
        %get3A_772 = arith.constant 7 : i32
        %get3A_773 = arith.index_cast %get3A_772 : i32 to index
        %get3A_774 = arith.index_cast %add3A_771 : i32 to index
        %get3A_775 = tpu.vector_load %arg10[%get3A_773, %get3A_774] {strides = array<i32>} : memref<8x8192xf32, #tpu.memory_space<vmem>>, vector<1x16xf32>,
        %get3A_776 = vector.shape_cast %get3A_775 : vector<1x16xf32> to vector<16xf32>
        %exp3A_777 = math.exp %get3A_776 : vector<16xf32>
        %add3A_778 = arith.addf %add3A_742, %exp3A_777 : vector<16xf32>
        %add3A_779 = arith.constant 192 : i32
        %add3A_780 = arith.addi %mul3A_671, %add3A_779 : i32
        %get3A_781 = arith.constant 7 : i32
        %get3A_782 = arith.index_cast %get3A_781 : i32 to index
        %get3A_783 = arith.index_cast %add3A_780 : i32 to index
        %get3A_784 = tpu.vector_load %arg10[%get3A_782, %get3A_783] {strides = array<i32>} : memref<8x8192xf32, #tpu.memory_space<vmem>>, vector<1x16xf32>,
        %get3A_785 = vector.shape_cast %get3A_784 : vector<1x16xf32> to vector<16xf32>
        %exp3A_786 = math.exp %get3A_785 : vector<16xf32>
        %add3A_787 = arith.addf %add3A_751, %exp3A_786 : vector<16xf32>
        %add3A_788 = arith.constant 208 : i32
        %add3A_789 = arith.addi %mul3A_671, %add3A_788 : i32
        %get3A_790 = arith.constant 7 : i32
        %get3A_791 = arith.index_cast %get3A_790 : i32 to index
        %get3A_792 = arith.index_cast %add3A_789 : i32 to index
        %get3A_793 = tpu.vector_load %arg10[%get3A_791, %get3A_792] {strides = array<i32>} : memref<8x8192xf32, #tpu.memory_space<vmem>>, vector<1x16xf32>,
        %get3A_794 = vector.shape_cast %get3A_793 : vector<1x16xf32> to vector<16xf32>
        %exp3A_795 = math.exp %get3A_794 : vector<16xf32>
        %add3A_796 = arith.addf %add3A_760, %exp3A_795 : vector<16xf32>
        %add3A_797 = arith.constant 224 : i32
        %add3A_798 = arith.addi %mul3A_671, %add3A_797 : i32
        %get3A_799 = arith.constant 7 : i32
        %get3A_800 = arith.index_cast %get3A_799 : i32 to index
        %get3A_801 = arith.index_cast %add3A_798 : i32 to index
        %get3A_802 = tpu.vector_load %arg10[%get3A_800, %get3A_801] {strides = array<i32>} : memref<8x8192xf32, #tpu.memory_space<vmem>>, vector<1x16xf32>,
        %get3A_803 = vector.shape_cast %get3A_802 : vector<1x16xf32> to vector<16xf32>
        %exp3A_804 = math.exp %get3A_803 : vector<16xf32>
        %add3A_805 = arith.addf %add3A_769, %exp3A_804 : vector<16xf32>
        %add3A_806 = arith.constant 240 : i32
        %add3A_807 = arith.addi %mul3A_671, %add3A_806 : i32
        %get3A_808 = arith.constant 7 : i32
        %get3A_809 = arith.index_cast %get3A_808 : i32 to index
        %get3A_810 = arith.index_cast %add3A_807 : i32 to index
        %get3A_811 = tpu.vector_load %arg10[%get3A_809, %get3A_810] {strides = array<i32>} : memref<8x8192xf32, #tpu.memory_space<vmem>>, vector<1x16xf32>,
        %get3A_812 = vector.shape_cast %get3A_811 : vector<1x16xf32> to vector<16xf32>
        %exp3A_813 = math.exp %get3A_812 : vector<16xf32>
        %add3A_814 = arith.addf %add3A_778, %exp3A_813 : vector<16xf32>
        scf.yield %add3A_787, %add3A_796, %add3A_805, %add3A_814 : vector<16xf32>, vector<16xf32>, vector<16xf32>, vector<16xf32>
      }
      %scan3A_589 = arith.constant 32 : i32
      %add3A_590 = arith.addf %scan3A_588#0, %scan3A_588#1 : vector<16xf32>
      %add3A_591 = arith.addf %scan3A_588#2, %scan3A_588#3 : vector<16xf32>
      %add3A_592 = arith.addf %add3A_590, %add3A_591 : vector<16xf32>
      %add3A_593 = arith.constant 7 : i32
      %add3A_594 = arith.addi %mul3A_15, %add3A_593 : i32
      %swap3A_595 = arith.index_cast %add3A_594 : i32 to index
      %swap3A_596 = arith.constant 0 : index
      %swap3A_597 = tpu.vector_load %arg11[%swap3A_595, %swap3A_596] {strides = array<i32>} : memref<256x16xf32, #tpu.memory_space<vmem>>, vector<1x16xf32>,
      %swap3A_598 = vector.shape_cast %swap3A_597 : vector<1x16xf32> to vector<16xf32>
      %swap3A_599 = vector.shape_cast %add3A_592 : vector<16xf32> to vector<1x16xf32>
      tpu.vector_store %arg11[%swap3A_595, %swap3A_596], %swap3A_599 {strides = array<i32>} : memref<256x16xf32, #tpu.memory_space<vmem>>, vector<1x16xf32>,
      %add3A_600 = arith.constant 7 : i32
      %add3A_601 = arith.addi %mul3A_15, %add3A_600 : i32
      %get3A_602 = arith.index_cast %add3A_601 : i32 to index
      %get3A_603 = tpu.vector_load %arg9[%get3A_602] {strides = array<i32>} : memref<272xi32, #tpu.memory_space<vmem>>, vector<16xi32>,
      %get3A_604 = vector.shape_cast %get3A_603 : vector<16xi32> to vector<16xi32>
      %slice3A_605 = vector.extract_strided_slice %get3A_604 {offsets = [0], sizes = [1], strides = [1]} : vector<16xi32> to vector<1xi32>
      %squeeze3A_606 = vector.extract %slice3A_605[0] : i32 from vector<1xi32>
      %jit3A_607 = arith.constant 16 : i32
      %div3A_608 = arith.divsi %squeeze3A_606, %jit3A_607 : i32
      %sign3A_609 = arith.constant 0 : i32
      %sign3A_610 = arith.cmpi sgt, %squeeze3A_606, %sign3A_609 : i32
      %sign3A_611 = arith.extui %sign3A_610 : i1 to i32
      %sign3A_612 = arith.constant 0 : i32
      %sign3A_613 = arith.cmpi slt, %squeeze3A_606, %sign3A_612 : i32
      %sign3A_614 = arith.extui %sign3A_613 : i1 to i32
      %sign3A_615 = arith.subi %sign3A_611, %sign3A_614 : i32
      %sign3A_616 = arith.constant 0 : i32
      %sign3A_617 = arith.cmpi sgt, %jit3A_607, %sign3A_616 : i32
      %sign3A_618 = arith.extui %sign3A_617 : i1 to i32
      %sign3A_619 = arith.constant 0 : i32
      %sign3A_620 = arith.cmpi slt, %jit3A_607, %sign3A_619 : i32
      %sign3A_621 = arith.extui %sign3A_620 : i1 to i32
      %sign3A_622 = arith.subi %sign3A_618, %sign3A_621 : i32
      %ne3A_623 = arith.cmpi ne, %sign3A_615, %sign3A_622 : i32
      %rem3A_624 = arith.remsi %squeeze3A_606, %jit3A_607 : i32
      %ne3A_625 = arith.constant 0 : i32
      %ne3A_626 = arith.cmpi ne, %rem3A_624, %ne3A_625 : i32
      %and3A_627 = arith.andi %ne3A_623, %ne3A_626 : i1
      %sub3A_628 = arith.constant 1 : i32
      %sub3A_629 = arith.subi %div3A_608, %sub3A_628 : i32
      %select_n3A_630 = arith.select %and3A_627, %sub3A_629, %div3A_608 : i32
      %mul3A_631 = arith.constant 16 : i32
      %mul3A_632 = arith.muli %select_n3A_630, %mul3A_631 : i32
      %get3A_633 = arith.constant 7 : i32
      %get3A_634 = arith.index_cast %get3A_633 : i32 to index
      %get3A_635 = arith.index_cast %mul3A_632 : i32 to index
      %get3A_636 = tpu.vector_load %arg10[%get3A_634, %get3A_635] {strides = array<i32>} : memref<8x8192xf32, #tpu.memory_space<vmem>>, vector<1x16xf32>,
      %get3A_637 = vector.shape_cast %get3A_636 : vector<1x16xf32> to vector<16xf32>
      %broadcast_in_dim3A_638 = arith.constant 0 : i32
      %broadcast_in_dim3A_639 = vector.broadcast %broadcast_in_dim3A_638 : i32 to vector<16xi32>
      %jit3A_640 = arith.constant 16 : i32
      %eq3A_641 = arith.constant 0 : i32
      %eq3A_642 = arith.cmpi eq, %jit3A_640, %eq3A_641 : i32
      %jit3A_643 = arith.constant 1 : i32
      %select_n3A_644 = arith.select %eq3A_642, %jit3A_643, %jit3A_640 : i32
      %rem3A_645 = arith.remsi %squeeze3A_606, %select_n3A_644 : i32
      %ne3A_646 = arith.constant 0 : i32
      %ne3A_647 = arith.cmpi ne, %rem3A_645, %ne3A_646 : i32
      %lt3A_648 = arith.constant 0 : i32
      %lt3A_649 = arith.cmpi slt, %rem3A_645, %lt3A_648 : i32
      %lt3A_650 = arith.constant 0 : i32
      %lt3A_651 = arith.cmpi slt, %select_n3A_644, %lt3A_650 : i32
      %ne3A_652 = arith.xori %lt3A_649, %lt3A_651 : i1
      %and3A_653 = arith.andi %ne3A_652, %ne3A_647 : i1
      %add3A_654 = arith.addi %rem3A_645, %select_n3A_644 : i32
      %select_n3A_655 = arith.select %and3A_653, %add3A_654, %rem3A_645 : i32
      %add3A_656 = vector.broadcast %select_n3A_655 : i32 to vector<16xi32>
      %add3A_657 = arith.addi %broadcast_in_dim3A_639, %add3A_656 : vector<16xi32>
      %iota3A_658 = tpu.iota {dimensions = array<i32: 0>} : vector<16xi32>
      %eq3A_659 = arith.cmpi eq, %iota3A_658, %add3A_657 : vector<16xi32>
      %jit3A_660 = arith.constant 0.000000e+00 : f32
      %broadcast_in_dim3A_661 = vector.broadcast %jit3A_660 : f32 to vector<16xf32>
      %select_n3A_662 = arith.select %eq3A_659, %get3A_637, %broadcast_in_dim3A_661 : vector<16xi1>, vector<16xf32>
      %add3A_663 = arith.addf %add3A_581, %select_n3A_662 : vector<16xf32>
      %add3A_664 = arith.addi %mul3A_2, %mul3A_15 : i32
      "tpu.region"() ({
        %run_scoped3A = tpu.sem_alloc : memref<!tpu.dma_semaphore, #tpu.memory_space<semaphore_mem>>
        %dma_start3A_665 = arith.constant 0 : i32
        %dma_start3A_666 = tpu.memref_slice %arg5[%add3A_664, %dma_start3A_665] : memref<8192x8192xf32, #tpu.memory_space<hbm>> -> memref<8x8192xf32, #tpu.memory_space<hbm>>
        %dma_start3A_667 = arith.constant 0 : i32
        %dma_start3A_668 = tpu.memref_slice %arg5[%add3A_664, %dma_start3A_667] : memref<8192x8192xf32, #tpu.memory_space<hbm>> -> memref<8x8192xf32, #tpu.memory_space<hbm>>
        tpu.enqueue_dma source(%arg10 : memref<8x8192xf32, #tpu.memory_space<vmem>>) target(%dma_start3A_668 : memref<8x8192xf32, #tpu.memory_space<hbm>>) target_semaphore(%run_scoped3A : memref<!tpu.dma_semaphore, #tpu.memory_space<semaphore_mem>>)
        %dma_wait3A_669 = arith.constant 0 : i32
        %dma_wait3A_670 = tpu.memref_slice %arg5[%add3A_664, %dma_wait3A_669] : memref<8192x8192xf32, #tpu.memory_space<hbm>> -> memref<8x8192xf32, #tpu.memory_space<hbm>>
        %dma_wait3A_671 = arith.constant 0 : i32
        %dma_wait3A_672 = tpu.memref_slice %arg5[%add3A_664, %dma_wait3A_671] : memref<8192x8192xf32, #tpu.memory_space<hbm>> -> memref<8x8192xf32, #tpu.memory_space<hbm>>
        tpu.wait_dma2 semaphore(%run_scoped3A : memref<!tpu.dma_semaphore, #tpu.memory_space<semaphore_mem>>) src(%arg10 : memref<8x8192xf32, #tpu.memory_space<vmem>>) dst(%dma_wait3A_672 : memref<8x8192xf32, #tpu.memory_space<hbm>>)
        tpu.yield
      }) : () -> ()
      scf.yield %add3A_663 : vector<16xf32>
    }
    %scan3A_8 = arith.constant 32 : i32
    %swap3A = arith.constant 0 : index
    %swap3A_9 = tpu.vector_load %arg12[%swap3A] {strides = array<i32>} : memref<16xf32, #tpu.memory_space<vmem>>, vector<16xf32>,
    %swap3A_10 = vector.shape_cast %swap3A_9 : vector<16xf32> to vector<16xf32>
    %swap3A_11 = vector.shape_cast %scan3A_7 : vector<16xf32> to vector<16xf32>
    tpu.vector_store %arg12[%swap3A], %swap3A_11 {strides = array<i32>} : memref<16xf32, #tpu.memory_space<vmem>>, vector<16xf32>,
    "tpu.region"() ({
      %run_scoped3A = tpu.sem_alloc : memref<!tpu.dma_semaphore, #tpu.memory_space<semaphore_mem>>
      %dma_start3A = arith.constant 0 : i32
      %dma_start3A_12 = tpu.memref_slice %arg6[%mul3A_2, %dma_start3A] : memref<8192x16xf32, #tpu.memory_space<hbm>> -> memref<256x16xf32, #tpu.memory_space<hbm>>
      %dma_start3A_13 = arith.constant 0 : i32
      %dma_start3A_14 = tpu.memref_slice %arg6[%mul3A_2, %dma_start3A_13] : memref<8192x16xf32, #tpu.memory_space<hbm>> -> memref<256x16xf32, #tpu.memory_space<hbm>>
      tpu.enqueue_dma source(%arg11 : memref<256x16xf32, #tpu.memory_space<vmem>>) target(%dma_start3A_14 : memref<256x16xf32, #tpu.memory_space<hbm>>) target_semaphore(%run_scoped3A : memref<!tpu.dma_semaphore, #tpu.memory_space<semaphore_mem>>)
      %dma_wait3A = arith.constant 0 : i32
      %dma_wait3A_15 = tpu.memref_slice %arg6[%mul3A_2, %dma_wait3A] : memref<8192x16xf32, #tpu.memory_space<hbm>> -> memref<256x16xf32, #tpu.memory_space<hbm>>
      %dma_wait3A_16 = arith.constant 0 : i32
      %dma_wait3A_17 = tpu.memref_slice %arg6[%mul3A_2, %dma_wait3A_16] : memref<8192x16xf32, #tpu.memory_space<hbm>> -> memref<256x16xf32, #tpu.memory_space<hbm>>
      tpu.wait_dma2 semaphore(%run_scoped3A : memref<!tpu.dma_semaphore, #tpu.memory_space<semaphore_mem>>) src(%arg11 : memref<256x16xf32, #tpu.memory_space<vmem>>) dst(%dma_wait3A_17 : memref<256x16xf32, #tpu.memory_space<hbm>>)
      tpu.yield
    }) : () -> ()
    "tpu.region"() ({
      %run_scoped3A = tpu.sem_alloc : memref<!tpu.dma_semaphore, #tpu.memory_space<semaphore_mem>>
      %dma_start3A = arith.constant 0 : i32
      %dma_start3A_12 = tpu.memref_slice %arg7[%add3A, %dma_start3A] : memref<32x16xf32, #tpu.memory_space<hbm>> -> memref<1x16xf32, #tpu.memory_space<hbm>>
      %dma_start3A_13 = tpu.memref_squeeze %dma_start3A_12 : memref<1x16xf32, #tpu.memory_space<hbm>> -> memref<16xf32, #tpu.memory_space<hbm>>
      %dma_start3A_14 = arith.constant 0 : i32
      %dma_start3A_15 = tpu.memref_slice %arg7[%add3A, %dma_start3A_14] : memref<32x16xf32, #tpu.memory_space<hbm>> -> memref<1x16xf32, #tpu.memory_space<hbm>>
      %dma_start3A_16 = tpu.memref_squeeze %dma_start3A_15 : memref<1x16xf32, #tpu.memory_space<hbm>> -> memref<16xf32, #tpu.memory_space<hbm>>
      tpu.enqueue_dma source(%arg12 : memref<16xf32, #tpu.memory_space<vmem>>) target(%dma_start3A_16 : memref<16xf32, #tpu.memory_space<hbm>>) target_semaphore(%run_scoped3A : memref<!tpu.dma_semaphore, #tpu.memory_space<semaphore_mem>>)
      %dma_wait3A = arith.constant 0 : i32
      %dma_wait3A_17 = tpu.memref_slice %arg7[%add3A, %dma_wait3A] : memref<32x16xf32, #tpu.memory_space<hbm>> -> memref<1x16xf32, #tpu.memory_space<hbm>>
      %dma_wait3A_18 = tpu.memref_squeeze %dma_wait3A_17 : memref<1x16xf32, #tpu.memory_space<hbm>> -> memref<16xf32, #tpu.memory_space<hbm>>
      %dma_wait3A_19 = arith.constant 0 : i32
      %dma_wait3A_20 = tpu.memref_slice %arg7[%add3A, %dma_wait3A_19] : memref<32x16xf32, #tpu.memory_space<hbm>> -> memref<1x16xf32, #tpu.memory_space<hbm>>
      %dma_wait3A_21 = tpu.memref_squeeze %dma_wait3A_20 : memref<1x16xf32, #tpu.memory_space<hbm>> -> memref<16xf32, #tpu.memory_space<hbm>>
      tpu.wait_dma2 semaphore(%run_scoped3A : memref<!tpu.dma_semaphore, #tpu.memory_space<semaphore_mem>>) src(%arg12 : memref<16xf32, #tpu.memory_space<vmem>>) dst(%dma_wait3A_21 : memref<16xf32, #tpu.memory_space<hbm>>)
      tpu.yield
    }) : () -> ()
    return
  }
}

module attributes {stable_mosaic.version = 14 : i64} {
  func.func @_loss_body(%arg0: memref<8192x16xf32, #tpu.memory_space<vmem>>, %arg1: memref<32x16xf32, #tpu.memory_space<vmem>>, %arg2: memref<1x1xf32, #tpu.memory_space<smem>>) attributes {dimension_semantics = [], scalar_prefetch = 0 : i64, scratch_operands = 0 : i64, tpu.core_type = #tpu.core_type<tc>} {
    %get3A = arith.constant 0 : index
    %get3A_0 = arith.constant 0 : index
    %get3A_1 = vector.load %arg0[%get3A, %get3A_0] : memref<8192x16xf32, #tpu.memory_space<vmem>>, vector<8192x16xf32>
    %reduce_sum3A = arith.constant dense<0.000000e+00> : vector<8192xf32>
    %reduce_sum3A_2 = vector.multi_reduction <add>, %get3A_1, %reduce_sum3A [1] : vector<8192x16xf32> to vector<8192xf32>
    %log3A = math.log %reduce_sum3A_2 : vector<8192xf32>
    %get3A_3 = arith.constant 0 : index
    %get3A_4 = arith.constant 0 : index
    %get3A_5 = vector.load %arg1[%get3A_3, %get3A_4] : memref<32x16xf32, #tpu.memory_space<vmem>>, vector<32x16xf32>
    %reduce_sum3A_6 = vector.shape_cast %get3A_5 : vector<32x16xf32> to vector<1x32x16xf32>
    %reduce_sum3A_7 = arith.constant dense<0.000000e+00> : vector<1xf32>
    %reduce_sum3A_8 = vector.multi_reduction <add>, %reduce_sum3A_6, %reduce_sum3A_7 [1, 2] : vector<1x32x16xf32> to vector<1xf32>
    %reduce_sum3A_9 = vector.shape_cast %reduce_sum3A_8 : vector<1xf32> to vector<1x1x1xf32>
    %reduce_sum3A_10 = vector.extract %reduce_sum3A_9[0, 0, 0] : f32 from vector<1x1x1xf32>
    %reduce_sum3A_11 = vector.shape_cast %log3A : vector<8192xf32> to vector<1x8192xf32>
    %reduce_sum3A_12 = arith.constant dense<0.000000e+00> : vector<1xf32>
    %reduce_sum3A_13 = vector.multi_reduction <add>, %reduce_sum3A_11, %reduce_sum3A_12 [1] : vector<1x8192xf32> to vector<1xf32>
    %reduce_sum3A_14 = vector.shape_cast %reduce_sum3A_13 : vector<1xf32> to vector<1x1xf32>
    %reduce_sum3A_15 = vector.extract %reduce_sum3A_14[0, 0] : f32 from vector<1x1xf32>
    %sub3A = arith.subf %reduce_sum3A_15, %reduce_sum3A_10 : f32
    %div3A = arith.constant 8.192000e+03 : f32
    %div3A_16 = arith.divf %sub3A, %div3A : f32
    %swap3A = arith.constant 0 : index
    %swap3A_17 = arith.constant 0 : index
    %swap3A_18 = memref.load %arg2[%swap3A, %swap3A_17] : memref<1x1xf32, #tpu.memory_space<smem>>
    memref.store %div3A_16, %arg2[%swap3A, %swap3A_17] : memref<1x1xf32, #tpu.memory_space<smem>>
    return
  }
}

</mosaic_0001>

<sc_bundles>
// kernel: kernel.4.cloned.1.call-start
scs
__scs_entry_jumppad:
0x0: {  	(pc) =	sbr.rel $0x88, $3  }
0x1: {  	(tag) =	ssettag $0x0;
	lr =	simm.s32 $0x1  }
0x2: {  	[smem:$0x3F9E] =	sst lr;
	_ =	strace $0xD0000000  }
0x3: {  	_ = 	snop  }
0x4: {  	_ = 	snop  }
0x5: {  	_ = 	snop  }
0x6: {  	_ = 	snop  }
0x7: {  	_ = 	snop  }
__scs_overlays_trampoline_lowered:
0x8: {  	[smem:$0x3FAD] =	sst s0  }
0x9: {  	[smem:$0x3FAE] =	sst s1  }
0xa: {  	[smem:$0x3FAF] =	sst s2  }
0xb: {  	[smem:$0x3FB0] =	sst s3  }
0xc: {  	[smem:$0x3FB1] =	sst s4  }
0xd: {  	[smem:$0x3FB2] =	sst s5  }
0xe: {  	[smem:$0x3FB3] =	sst s6  }
0xf: {  	[smem:$0x3FB4] =	sst s7  }
0x10: {  	[smem:$0x3FB5] =	sst s8  }
0x11: {  	[smem:$0x3FB6] =	sst s9;
	s0 =	simm.s32 @!p0 $0x0  }
0x12: {  	s1 =	sld [smem:$0x3F9C];
	s0 =	simm.s32 @p0 $0x1  }
0x13: {  	[smem:$0x3FB7] =	sst s0;
	s0 =	simm.s32 @!p1 $0x0  }
0x14: {  	s2 =	sld [smem:$0x3F9B];
	s0 =	simm.s32 @p1 $0x1  }
0x15: {  	[smem:$0x3FB8] =	sst s0;
	s0 =	simm.s32 @!p2 $0x0  }
0x16: {  	s3 =	sld [smem:$0x3FDB];
	s0 =	simm.s32 @p2 $0x1  }
0x17: {  	s4 =	simm.s32 $0x1BF5;
	[smem:$0x3FBA] =	sst s0  }
0x18: {  	s0 =	sld [smem:$0x3F9D];
	_ =	swait.ge [sflag:s4], $0x0  }
0x19: {  	s7 =	sld [smem:$0x3F9E]  }
0x1a: {  	s8 =	sadd.s32 $0xFFFFE003, lr  }
0x1b: {  	s9 =	sadd.s32 $0xFFFFFEF7, lr;
	s5 =	simm.s32 $0xFFFFFFFF;
	p2 =	slt.u32 s8, $0xFFFFF086  }
0x1c: {  	p1 =	slt.u32 s9, $0xF7A;
	s5 =	simm.s32 @!p2 $0x0  }
0x1d: {  	s5 =	simm.s32 @p1 $0x1;
	p0 =	seq.s32 s7, s2  }
0x1e: {  	s7 =	smul.u32 @!p0 $0xF7A, s2;
	p2 =	seq.s32 @!p0 s5, $0x0  }
0x1f: {  	s9 =	smul.u32 $0xF7A, s1;
	s8 =	simm.s32 @!p0 $0x1BF5;
	p2 =	por !p2, p0  }
0x20: {  	[sflag:s8] =	ssyncset.s32 @!p0 $0xFFFFF086;
	s6 =	sadd.s32 @!p0 s3, s7;
	s7 =	simm.s32 @!p0 $0x108  }
0x21: {  	s3 =	sadd.s32 s3, s9;
	s6 =	sadd.s32 @!p0 $0x88, s6;
	s7 =	simm.s32 @p2 $0x1082  }
0x22: {  	[simem:s7], [sflag:s8] =	dma.local @!p0 [hbm:s6], $0xF7A  }
0x23: {  	s9 =	sor.u32 $0xD0000000, s2;
	s6 =	simm.s32 $0x108;
	_ =	swait.ge @!p0 [sflag:s8], $0x0  }
0x24: {  	s3 =	sadd.s32 $0x88, s3;
	s6 =	simm.s32 @!p1 $0x1082;
	[sflag:s4] =	ssyncset.s32 $0xFFFFF086  }
0x25: {  	[simem:s6], [sflag:s4] =	dma.local [hbm:s3], $0xF7A  }
0x26: {  	[smem:$0x3F9E] =	sst s1;
	(tag) =	ssettag s2;
	_ =	strace s9  }
0x27: {  	s1 =	sld [smem:$0x3FAE]  }
0x28: {  	s2 =	sld [smem:$0x3FAF]  }
0x29: {  	s4 =	sld [smem:$0x3FB1]  }
0x2a: {  	p0 =	seq.s32 s5, $0x0;
	s5 =	sld [smem:$0x3FB2]  }
0x2b: {  	s6 =	sld [smem:$0x3FB3]  }
0x2c: {  	s7 =	sld [smem:$0x3FB4]  }
0x2d: {  	s3 =	simm.s32 $0x108;
	s8 =	sld [smem:$0x3FB5]  }
0x2e: {  	s3 =	simm.s32 @!p0 $0x1082;
	s9 =	sld [smem:$0x3FB6]  }
0x2f: {  	lr =	sadd.s32 s0, s3;
	s0 =	sld [smem:$0x3FAD]  }
0x30: {  	s3 =	sld [smem:$0x3FB0]  }
0x31: {  	[smem:$0x3FB9] =	sst s10  }
0x32: {  	s10 =	sld [smem:$0x3FB7];
	_ =	sdelay $0x3  }
0x33: {  	p0 =	seq.s32 s10, $0x1;
	s10 =	sld [smem:$0x3FB9];
	_ =	sdelay $0x3  }
0x34: {  	[smem:$0x3FB9] =	sst s10  }
0x35: {  	s10 =	sld [smem:$0x3FB8];
	_ =	sdelay $0x3  }
0x36: {  	p1 =	seq.s32 s10, $0x1;
	s10 =	sld [smem:$0x3FB9];
	_ =	sdelay $0x3  }
0x37: {  	[smem:$0x3FB9] =	sst s10  }
0x38: {  	s10 =	sld [smem:$0x3FBA]  }
0x39: {  	_ = 	snop;
	(pc) =	sbr.ind lr, $3  }
0x3a: {  	_ = 	snop  }
0x3b: {  	_ = 	snop  }
0x3c: {  	p2 =	seq.s32 s10, $0x1;
	s10 =	sld [smem:$0x3FB9]  }
0x3d: {  	_ =	shalt  }
0x3e: {  	_ =	shalt  }
0x3f: {  	_ =	shalt  }
0x40: {  	_ =	shalt  }
0x41: {  	_ =	shalt  }
0x42: {  	_ =	shalt  }
0x43: {  	_ =	shalt  }
0x44: {  	_ =	shalt  }
0x45: {  	_ =	shalt  }
0x46: {  	_ =	shalt  }
0x47: {  	_ =	shalt  }
0x48: {  	_ =	shalt  }
0x49: {  	_ =	shalt  }
0x4a: {  	_ =	shalt  }
0x4b: {  	_ =	shalt  }
0x4c: {  	_ =	shalt  }
0x4d: {  	_ =	shalt  }
0x4e: {  	_ =	shalt  }
0x4f: {  	_ =	shalt  }
0x50: {  	_ =	shalt  }
0x51: {  	_ =	shalt  }
0x52: {  	_ =	shalt  }
0x53: {  	_ =	shalt  }
0x54: {  	_ =	shalt  }
0x55: {  	_ =	shalt  }
0x56: {  	_ =	shalt  }
0x57: {  	_ =	shalt  }
0x58: {  	_ =	shalt  }
0x59: {  	_ =	shalt  }
0x5a: {  	_ =	shalt  }
0x5b: {  	_ =	shalt  }
0x5c: {  	_ =	shalt  }
0x5d: {  	_ =	shalt  }
0x5e: {  	_ =	shalt  }
0x5f: {  	_ =	shalt  }
0x60: {  	_ =	shalt  }
0x61: {  	_ =	shalt  }
0x62: {  	_ =	shalt  }
0x63: {  	_ =	shalt  }
0x64: {  	_ =	shalt  }
0x65: {  	_ =	shalt  }
0x66: {  	_ =	shalt  }
0x67: {  	_ =	shalt  }
0x68: {  	_ =	shalt  }
0x69: {  	_ =	shalt  }
0x6a: {  	_ =	shalt  }
0x6b: {  	_ =	shalt  }
0x6c: {  	_ =	shalt  }
0x6d: {  	_ =	shalt  }
0x6e: {  	_ =	shalt  }
0x6f: {  	_ =	shalt  }
0x70: {  	_ =	shalt  }
0x71: {  	_ =	shalt  }
0x72: {  	_ =	shalt  }
0x73: {  	_ =	shalt  }
0x74: {  	_ =	shalt  }
0x75: {  	_ =	shalt  }
0x76: {  	_ =	shalt  }
0x77: {  	_ =	shalt  }
0x78: {  	_ =	shalt  }
0x79: {  	_ =	shalt  }
0x7a: {  	_ =	shalt  }
0x7b: {  	_ =	shalt  }
0x7c: {  	_ =	shalt  }
0x7d: {  	_ =	shalt  }
0x7e: {  	_ =	shalt  }
0x7f: {  	_ =	shalt  }
0x80: {  	_ =	shalt  }
0x81: {  	_ =	shalt  }
0x82: {  	_ =	shalt  }
0x83: {  	_ =	shalt  }
0x84: {  	_ =	shalt  }
0x85: {  	_ =	shalt  }
0x86: {  	_ =	shalt  }
0x87: {  	_ =	shalt  }
.Lfunc_end0:
.L_simem_size_0:
called_computation_lowered:
.L_overlay_start_0:
0x88: {  	s2 =	sld [smem:$0x3FD9]  }
0x89: {  	s3 =	sld [smem:$0x3FFE];
	_ =	sdelay $0x1  }
0x8a: {  	s1 =	srdreg.scid  }
0x8b: {  	s0 =	sand.u32 $0x1, s1  }
0x8c: {  	s14 =	sshll.u32 s0, $0xA;
	s2 =	sadd.s32 s3, s2  }
0x8d: {  	s2 =	sadd.s32 s2, s14  }
0x8e: {  	[smem:$0x3FC5] =	sst s2  }
0x8f: {  	_ = 	snop  }
0x90: {  	s2 =	sld [smem:$0x3FD0];
	_ =	sdelay $0x2  }
0x91: {  	s4 =	simm.s32 $0xA;
	s5 =	simm.s32 $0x10;
	s15 =	sld [smem:$0x3FC9]  }
0x92: {  	[smem:s5], [sflag:s4] =	dma.local [hbm:s2], $0x1  }
0x93: {  	_ =	swait.eq [sflag:s4], $0x1  }
0x94: {  	[sflag:s4] =	ssyncset.done $0x0  }
0x95: {  	[sflag:s4] =	ssyncadd.s32 $0xFFFFFFFF  }
0x96: {  	s16 =	sld [smem:$0x10];
	(tm) =	ssettm $0x1  }
0x97: {  	s17 =	sld [smem:$0x3FFB];
	_ =	sdelay $0x3  }
0x98: {  	_ =	strace s17  }
0x99: {  	s4 =	sld [smem:$0x3FFC];
	_ =	sdelay $0x3  }
0x9a: {  	_ =	strace s4  }
0x9b: {  	s4 =	sld [smem:$0x3FFD];
	_ =	sdelay $0x3  }
0x9c: {  	_ =	strace s4  }
0x9d: {  	_ =	strace $0x8FFFFFFF  }
0x9e: {  	s18 =	sld [smem:$0x3FDB];
	_ =	sdelay $0x1  }
0x9f: {  	s19 =	simm.s32 $_scs_section_size  }
0xa0: {  	s6 =	simm.s32 $_size__tile_overlayer_lowered;
	s7 =	simm.s32 $_tile_overlayer_lowered  }
0xa1: {  	s22 =	simm.s32 $0x1BFF;
	s21 =	sshll.u32 s7, $0x1;
	s4 =	sadd.s32 s19, s18  }
0xa2: {  	s8 =	simm.s32 $0x0;
	s20 =	sshll.u32 s6, $0x1;
	s6 =	sadd.s32 s21, s4  }
0xa3: {  	[timem:s8], [sflag:s22] =	dma.local [hbm:s6], s20  }
0xa4: {  	_ =	swait.ge [sflag:s22], s20  }
0xa5: {  	s5 =	ssub.s32 $0x0, s20;
	[sflag:s22] =	ssyncset.done $0x0  }
0xa6: {  	[sflag:s22] =	ssyncadd.s32 s5;
	_ =	sdelay $0x1  }
0xa7: {  	s23 =	simm.s32 $0x1B8B  }
0xa8: {  	_ =	swait.ge [sflag:s23], $0x1  }
0xa9: {  	[sflag:s23] =	ssyncset.done $0x0  }
0xaa: {  	s25 =	simm.s32 $0x1B8E;
	s24 =	sld [smem:$0x3FFE];
	[sflag:s23] =	ssyncadd.s32 $0xFFFFFFFF  }
0xab: {  	s26 =	simm.s32 $execute0_lowered;
	[smem:$0x3FD2] =	sst s25  }
0xac: {  	s6 =	sshll.u32 s26, $0x1;
	_ =	strace $0x80000046;
	[dreg:$0x1] =	wrdreg $0xFFFFFFFF  }
0xad: {  	s28 =	simm.s32 $_size_execute0_lowered;
	s4 =	sadd.s32 s4, s6;
	[dreg:$0x0] =	wrdreg $0x0  }
0xae: {  	s6 =	sshll.u32 s28, $0x1;
	[dreg:$0x2] =	wrdreg s4  }
0xaf: {  	[dreg:$0x3] =	wrdreg s6  }
0xb0: {  	[dreg:$0x4] =	wrdreg $0xC0  }
0xb1: {  	_ =	task [dreg:s8], $0x5FFFF  }
0xb2: {  	[dreg:$0x1] =	wrdreg $0xFFFFFFFF  }
0xb3: {  	[dreg:$0x0] =	wrdreg $0x60  }
0xb4: {  	[dreg:$0x2] =	wrdreg s15  }
0xb5: {  	[dreg:$0x3] =	wrdreg s24  }
0xb6: {  	[dreg:$0x4] =	wrdreg s16  }
0xb7: {  	[dreg:$0x5] =	wrdreg $0x9  }
0xb8: {  	_ =	task.clear_ibuf [dreg:s8], $0x6FFFF;
	_ =	strace $0x90000046  }
0xb9: {  	s29 =	simm.s32 $0x9;
	_ =	strace $0x80000048  }
0xba: {  	_ =	swait.ge [sflag:s29], $0x1  }
0xbb: {  	[sflag:s29] =	ssyncadd.s32 $0xFFFFFFFF  }
0xbc: {  	_ =	strace $0x90000048  }
0xbd: {  	_ =	sfence  }
0xbe: {  	s30 =	sld [smem:$0x0];
	_ =	sdelay $0x2  }
0xbf: {  	s31 =	sshll.u32 s1, $0xD;
	s1 =	sshrl.u32 s1, $0x2  }
0xc0: {  	s3 =	sand.u32 $0x4000, s31;
	s1 =	sadd.s32 s1, s30  }
0xc1: {  	s0 =	sor.u32 s3, s0;
	s1 =	sshll.u32 s1, $0x11  }
0xc2: {  	s0 =	sor.u32 s1, s0  }
0xc3: {  	s0 =	sadd.s32 $0x8F2B, s0  }
0xc4: {  	[sflag:s0] =	ssyncadd.remote.s32 $0x1  }
0xc5: {  	_ =	sfence.sel $0xFFFF  }
0xc6: {  	[dreg:$0x0] =	wrdreg $0xFFFFFFFF;
	(pc) =	sbr.abs _section_cstart, $3  }
0xc7: {  	[dreg:$0x1] =	wrdreg $0xFFFFFFFF  }
0xc8: {  	_ =	task.clear_ibuf [dreg:s8], $0x2FFFF;
	_ =	strace $0x9FFFFFFF  }
0xc9: {  	(tm) =	ssettm $0x7FFFFFFF  }
tec
execute0_lowered:
.L_overlay_start_1:
0x0: {  	(tag) =	ssettag $0x1  }
0x1: {  	s8 =	rddreg [dreg:$0x0]  }
0x2: {  	s0 =	rddreg [dreg:$0x1]  }
0x3: {  	s1 =	rddreg [dreg:$0x2];
	s11 =	simm.s32 $0x0  }
0x4: {  	[smem:$0x7FF] =	sst s11;
	s9 =	sadd.s32 $0x100, s8  }
0x5: {  	s10 =	sadd.s32 $0x200, s8;
	_ =	strace $0x80000047;
	[dreg:$0x6] =	wrdreg s9  }
0x6: {  	s12 =	sadd.s32 $0x300, s8;
	[dreg:$0x7] =	wrdreg s10  }
0x7: {  	s13 =	sadd.s32 $0x400, s8;
	[dreg:$0x8] =	wrdreg s12  }
0x8: {  	s14 =	sadd.s32 $0x500, s8;
	[dreg:$0x9] =	wrdreg s13  }
0x9: {  	s15 =	sadd.s32 $0x600, s8;
	[dreg:$0xa] =	wrdreg s14  }
0xa: {  	s2 =	srdreg.scid;
	s16 =	sadd.s32 $0x700, s8;
	[dreg:$0xb] =	wrdreg s15  }
0xb: {  	s3 =	stileid.u32;
	s17 =	sadd.s32 $0x800, s8;
	[dreg:$0xc] =	wrdreg s16  }
0xc: {  	s2 =	sand.u32 $0x1, s2;
	s18 =	sadd.s32 $0x900, s8;
	[dreg:$0xd] =	wrdreg s17  }
0xd: {  	s3 =	sshll.u32 s3, $0x1;
	s19 =	sadd.s32 $0xA00, s8;
	[dreg:$0xe] =	wrdreg s18  }
0xe: {  	s20 =	sadd.s32 $0xB00, s8;
	s21 =	sadd.s32 $0xC00, s8;
	[dreg:$0xf] =	wrdreg s19  }
0xf: {  	s22 =	sadd.s32 $0xD00, s8;
	s23 =	sadd.s32 $0xE00, s8;
	[dreg:$0x10] =	wrdreg s20  }
0x10: {  	s24 =	sadd.s32 $0xF00, s8;
	s28 =	sadd.s32 $0x1200, s8;
	[dreg:$0x11] =	wrdreg s21  }
0x11: {  	s29 =	sadd.s32 $0x1300, s8;
	s30 =	sadd.s32 $0x1400, s8;
	[dreg:$0x12] =	wrdreg s22  }
0x12: {  	s31 =	sadd.s32 $0x1500, s8;
	s3 =	sor.u32 s2, s3;
	[dreg:$0x13] =	wrdreg s23  }
0x13: {  	s2 =	ssub.s32 $0x2, s2;
	[dreg:$0x14] =	wrdreg s24;
	s22 =	sadd.s32 $0x1000, s8  }
0x14: {  	s23 =	sadd.s32 $0x1A00, s8;
	s24 =	sadd.s32 $0x1B00, s8;
	s9 =	simm.s32 $0x1  }
0x15: {  	s12 =	simm.s32 $0x0;
	s4 =	sshll.u32 s3, $0x5;
	s5 =	sshll.u32 s3, $0xC  }
0x16: {  	s6 =	sshll.u32 s3, $0x4;
	s7 =	sshrl.u32 s2, $0x1;
	s3 =	sshll.u32 s3, $0x12  }
0x17: {  	s4 =	sadd.s32 s4, s0;
	s5 =	sadd.s32 s5, s0;
	s1 =	sadd.s32 s1, s3  }
0x18: {  	s2 =	ssub.s32 s2, s7;
	s7 =	sadd.s32 $0xC00, s4;
	[dreg:$0x15] =	wrdreg s1  }
0x19: {  	s0 =	sadd.s32 s6, s0;
	s4 =	sadd.s32 $0x1000, s4;
	[dreg:$0x4] =	wrdreg s7  }
0x1a: {  	s3 =	sadd.s32 $0x1E00, s8;
	s25 =	sadd.s32 $0x1400, s5;
	[dreg:$0x5] =	wrdreg s4  }
0x1b: {  	s6 =	sadd.s32 $0x1F00, s8;
	s0 =	sadd.s32 $0x21400, s0;
	[dreg:$0x16] =	wrdreg s25  }
0x1c: {  	s26 =	smax.u32 s2, $0x1;
	s2 =	sadd.s32 $0x1700, s8;
	[dreg:$0x17] =	wrdreg s0  }
0x1d: {  	v0 =	vlaneseq.u32;
	s5 =	sadd.s32 $0x1900, s8;
	s1 =	sadd.s32 $0x1D00, s8;
	[dreg:$0x18] =	wrdreg s26  }
0x1e: {  	vm0 =	vmmov $0xffff;
	v2 =	vshrl.u32 v0, $0x3;
	s26 =	sadd.s32 $0x1100, s8;
	s0 =	sadd.s32 $0x1600, s8;
	s4 =	sadd.s32 $0x1800, s8  }
0x1f: {  	v3 =	vimm.f32 $0.0e+00;
	v1 =	vand.u32 $0x7, v0;
	v2 =	vmul.u32 $0x8, v2;
	s25 =	sadd.s32 $0x1C00, s8;
	s7 =	simm.s32 $0x2;
	s8 =	simm.s32 $0x280  }
.LBB2_1:
0x20: {  	[dreg:$0x19] =	wrdreg s12  }
0x21: {  	s10 =	rddreg [dreg:$0x4]  }
0x22: {  	[tilespmem:s11], [sflag:$0x2] =	stream.linear.gather [hbm4b:s10+s11], $0x100, $0x38;
	[tilespmem:$0x18300] =	vst v63  }
0x23: {  	_ =	swait.ge [sflag:s7], $0x100  }
0x24: {  	[sflag:s7] =	ssyncset.done $0x0  }
0x25: {  	s21 =	simm.s32 $0x100;
	s20 =	rddreg [dreg:$0x5];
	[sflag:s7] =	ssyncadd.s32 $0xFFFFFF00  }
0x26: {  	[tilespmem:s21], [sflag:$0x2] =	stream.linear.gather [hbm4b:s20+s11], $0x100, $0x38;
	[tilespmem:$0x18300] =	vst v63  }
0x27: {  	_ =	swait.ge [sflag:s7], $0x100  }
0x28: {  	[sflag:s7] =	ssyncset.done $0x0  }
0x29: {  	v4 =	vimm.f32 $0.0e+00;
	s10 =	simm.s32 $0x0;
	[sflag:s7] =	ssyncadd.s32 $0xFFFFFF00  }
.LBB2_2:
0x2a: {  	s11 =	sshll.u32 s10, $0x3  }
0x2b: {  	v5 =	vld.msk [tilespmem:s11+$0x0], $0xff;
	_ =	sdelay $0x4  }
0x2c: {  	v6 =	vshll.u32 v5, $0x6  }
0x2d: {  	v5 =	vand.u32 $0x7, v5;
	v6 =	vand.u32 $0xFFFFFE00, v6  }
0x2e: {  	v5 =	vor.u32 v5, v6  }
0x2f: {  	v5 =	vperm.xlane v5, v1;
	_ =	sdelay $0x1  }
0x30: {  	v5 =	vadd.s32 v2, v5;
	_ =	sdelay $0x3  }
0x31: {  	s12 =	simm.s32 $0x0;
	s13 =	rddreg [dreg:$0x0]  }
0x32: {  	[tilespmem:s8], [sflag:$0x1] =	stream.indirect_vreg.gather [hbm4b:s13+s12], $0x80, v5, vm0, $0xb8;
	[tilespmem:$0x18300] =	vst v63  }
0x33: {  	s15 =	rddreg [dreg:$0x6];
	s14 =	simm.s32 $0xA80  }
0x34: {  	[tilespmem:s14], [sflag:$0x1] =	stream.indirect_vreg.gather [hbm4b:s15+s12], $0x80, v5, vm0, $0xb8;
	[tilespmem:$0x18300] =	vst v63  }
0x35: {  	s16 =	rddreg [dreg:$0x7];
	s17 =	simm.s32 $0x1280  }
0x36: {  	[tilespmem:s17], [sflag:$0x1] =	stream.indirect_vreg.gather [hbm4b:s16+s12], $0x80, v5, vm0, $0xb8;
	[tilespmem:$0x18300] =	vst v63  }
0x37: {  	s18 =	rddreg [dreg:$0x8];
	s19 =	simm.s32 $0x1A80  }
0x38: {  	[tilespmem:s19], [sflag:$0x1] =	stream.indirect_vreg.gather [hbm4b:s18+s12], $0x80, v5, vm0, $0xb8;
	[tilespmem:$0x18300] =	vst v63  }
0x39: {  	s20 =	rddreg [dreg:$0x9];
	s21 =	simm.s32 $0x2280  }
0x3a: {  	[tilespmem:s21], [sflag:$0x1] =	stream.indirect_vreg.gather [hbm4b:s20+s12], $0x80, v5, vm0, $0xb8;
	[tilespmem:$0x18300] =	vst v63  }
0x3b: {  	s14 =	rddreg [dreg:$0xa];
	s15 =	simm.s32 $0x2A80  }
0x3c: {  	[tilespmem:s15], [sflag:$0x1] =	stream.indirect_vreg.gather [hbm4b:s14+s12], $0x80, v5, vm0, $0xb8;
	[tilespmem:$0x18300] =	vst v63  }
0x3d: {  	s16 =	rddreg [dreg:$0xb];
	s17 =	simm.s32 $0x3280  }
0x3e: {  	[tilespmem:s17], [sflag:$0x1] =	stream.indirect_vreg.gather [hbm4b:s16+s12], $0x80, v5, vm0, $0xb8;
	[tilespmem:$0x18300] =	vst v63  }
0x3f: {  	s18 =	rddreg [dreg:$0xc];
	s19 =	simm.s32 $0x3A80  }
0x40: {  	[tilespmem:s19], [sflag:$0x1] =	stream.indirect_vreg.gather [hbm4b:s18+s12], $0x80, v5, vm0, $0xb8;
	[tilespmem:$0x18300] =	vst v63  }
0x41: {  	s20 =	rddreg [dreg:$0xd];
	s21 =	simm.s32 $0x4280  }
0x42: {  	[tilespmem:s21], [sflag:$0x1] =	stream.indirect_vreg.gather [hbm4b:s20+s12], $0x80, v5, vm0, $0xb8;
	[tilespmem:$0x18300] =	vst v63  }
0x43: {  	s14 =	rddreg [dreg:$0xe];
	s15 =	simm.s32 $0x4A80  }
0x44: {  	[tilespmem:s15], [sflag:$0x1] =	stream.indirect_vreg.gather [hbm4b:s14+s12], $0x80, v5, vm0, $0xb8;
	[tilespmem:$0x18300] =	vst v63  }
0x45: {  	s16 =	rddreg [dreg:$0xf];
	s17 =	simm.s32 $0x5280  }
0x46: {  	[tilespmem:s17], [sflag:$0x1] =	stream.indirect_vreg.gather [hbm4b:s16+s12], $0x80, v5, vm0, $0xb8;
	[tilespmem:$0x18300] =	vst v63  }
0x47: {  	s18 =	rddreg [dreg:$0x10];
	s19 =	simm.s32 $0x5A80  }
0x48: {  	[tilespmem:s19], [sflag:$0x1] =	stream.indirect_vreg.gather [hbm4b:s18+s12], $0x80, v5, vm0, $0xb8;
	[tilespmem:$0x18300] =	vst v63  }
0x49: {  	s20 =	rddreg [dreg:$0x11];
	s21 =	simm.s32 $0x6280  }
0x4a: {  	[tilespmem:s21], [sflag:$0x1] =	stream.indirect_vreg.gather [hbm4b:s20+s12], $0x80, v5, vm0, $0xb8;
	[tilespmem:$0x18300] =	vst v63  }
0x4b: {  	s14 =	rddreg [dreg:$0x12];
	s15 =	simm.s32 $0x6A80  }
0x4c: {  	[tilespmem:s15], [sflag:$0x1] =	stream.indirect_vreg.gather [hbm4b:s14+s12], $0x80, v5, vm0, $0xb8;
	[tilespmem:$0x18300] =	vst v63  }
0x4d: {  	s16 =	rddreg [dreg:$0x13];
	s17 =	simm.s32 $0x7280  }
0x4e: {  	[tilespmem:s17], [sflag:$0x1] =	stream.indirect_vreg.gather [hbm4b:s16+s12], $0x80, v5, vm0, $0xb8;
	[tilespmem:$0x18300] =	vst v63  }
0x4f: {  	s18 =	rddreg [dreg:$0x14];
	s19 =	simm.s32 $0x7A80  }
0x50: {  	[tilespmem:s19], [sflag:$0x1] =	stream.indirect_vreg.gather [hbm4b:s18+s12], $0x80, v5, vm0, $0xb8;
	[tilespmem:$0x18300] =	vst v63  }
0x51: {  	s20 =	simm.s32 $0x8280  }
0x52: {  	[tilespmem:s20], [sflag:$0x1] =	stream.indirect_vreg.gather [hbm4b:s22+s12], $0x80, v5, vm0, $0xb8;
	[tilespmem:$0x18300] =	vst v63  }
0x53: {  	s21 =	simm.s32 $0x8A80  }
0x54: {  	[tilespmem:s21], [sflag:$0x1] =	stream.indirect_vreg.gather [hbm4b:s26+s12], $0x80, v5, vm0, $0xb8;
	[tilespmem:$0x18300] =	vst v63  }
0x55: {  	s14 =	simm.s32 $0x9280  }
0x56: {  	[tilespmem:s14], [sflag:$0x1] =	stream.indirect_vreg.gather [hbm4b:s28+s12], $0x80, v5, vm0, $0xb8;
	[tilespmem:$0x18300] =	vst v63  }
0x57: {  	s15 =	simm.s32 $0x9A80  }
0x58: {  	[tilespmem:s15], [sflag:$0x1] =	stream.indirect_vreg.gather [hbm4b:s29+s12], $0x80, v5, vm0, $0xb8;
	[tilespmem:$0x18300] =	vst v63  }
0x59: {  	s16 =	simm.s32 $0xA280  }
0x5a: {  	[tilespmem:s16], [sflag:$0x1] =	stream.indirect_vreg.gather [hbm4b:s30+s12], $0x80, v5, vm0, $0xb8;
	[tilespmem:$0x18300] =	vst v63  }
0x5b: {  	s17 =	simm.s32 $0xAA80  }
0x5c: {  	[tilespmem:s17], [sflag:$0x1] =	stream.indirect_vreg.gather [hbm4b:s31+s12], $0x80, v5, vm0, $0xb8;
	[tilespmem:$0x18300] =	vst v63  }
0x5d: {  	s18 =	simm.s32 $0xB280  }
0x5e: {  	[tilespmem:s18], [sflag:$0x1] =	stream.indirect_vreg.gather [hbm4b:s0+s12], $0x80, v5, vm0, $0xb8;
	[tilespmem:$0x18300] =	vst v63  }
0x5f: {  	s19 =	simm.s32 $0xBA80  }
0x60: {  	[tilespmem:s19], [sflag:$0x1] =	stream.indirect_vreg.gather [hbm4b:s2+s12], $0x80, v5, vm0, $0xb8;
	[tilespmem:$0x18300] =	vst v63  }
0x61: {  	s20 =	simm.s32 $0xC280  }
0x62: {  	[tilespmem:s20], [sflag:$0x1] =	stream.indirect_vreg.gather [hbm4b:s4+s12], $0x80, v5, vm0, $0xb8;
	[tilespmem:$0x18300] =	vst v63  }
0x63: {  	s21 =	simm.s32 $0xCA80  }
0x64: {  	[tilespmem:s21], [sflag:$0x1] =	stream.indirect_vreg.gather [hbm4b:s5+s12], $0x80, v5, vm0, $0xb8;
	[tilespmem:$0x18300] =	vst v63  }
0x65: {  	s14 =	simm.s32 $0xD280  }
0x66: {  	[tilespmem:s14], [sflag:$0x1] =	stream.indirect_vreg.gather [hbm4b:s23+s12], $0x80, v5, vm0, $0xb8;
	[tilespmem:$0x18300] =	vst v63  }
0x67: {  	s15 =	simm.s32 $0xDA80  }
0x68: {  	[tilespmem:s15], [sflag:$0x1] =	stream.indirect_vreg.gather [hbm4b:s24+s12], $0x80, v5, vm0, $0xb8;
	[tilespmem:$0x18300] =	vst v63  }
0x69: {  	s16 =	simm.s32 $0xE280  }
0x6a: {  	[tilespmem:s16], [sflag:$0x1] =	stream.indirect_vreg.gather [hbm4b:s25+s12], $0x80, v5, vm0, $0xb8;
	[tilespmem:$0x18300] =	vst v63  }
0x6b: {  	s17 =	simm.s32 $0xEA80  }
0x6c: {  	[tilespmem:s17], [sflag:$0x1] =	stream.indirect_vreg.gather [hbm4b:s1+s12], $0x80, v5, vm0, $0xb8;
	[tilespmem:$0x18300] =	vst v63  }
0x6d: {  	s18 =	simm.s32 $0xF280  }
0x6e: {  	[tilespmem:s18], [sflag:$0x1] =	stream.indirect_vreg.gather [hbm4b:s3+s12], $0x80, v5, vm0, $0xb8;
	[tilespmem:$0x18300] =	vst v63  }
0x6f: {  	s19 =	simm.s32 $0xFA80  }
0x70: {  	[tilespmem:s19], [sflag:$0x1] =	stream.indirect_vreg.gather [hbm4b:s6+s12], $0x80, v5, vm0, $0xb8;
	[tilespmem:$0x18300] =	vst v63  }
0x71: {  	_ =	swait.ge [sflag:s9], $0x10000  }
0x72: {  	[sflag:s9] =	ssyncset.done $0x0  }
0x73: {  	s20 =	simm.s32 $0x0;
	[sflag:s9] =	ssyncadd.s32 $0xFFFF0000  }
0x74: {  	v5 =	vld [tilespmem:s20+$0x2E0]  }
0x75: {  	v6 =	vld [tilespmem:s20+$0x2B0]  }
0x76: {  	v7 =	vld [tilespmem:s20+$0x6A0]  }
0x77: {  	v8 =	vld [tilespmem:s20+$0x2A0]  }
0x78: {  	v9 =	vld [tilespmem:s20+$0x2D0]  }
0x79: {  	v10 =	vld [tilespmem:s20+$0x2F0]  }
0x7a: {  	v11 =	vld [tilespmem:s20+$0x6D0]  }
0x7b: {  	v12 =	vld [tilespmem:s20+$0x280]  }
0x7c: {  	v13 =	vld [tilespmem:s20+$0x290]  }
0x7d: {  	v14 =	vld [tilespmem:s20+$0x2C0]  }
0x7e: {  	v15 =	vld [tilespmem:s20+$0x6B0]  }
0x7f: {  	v16 =	vld [tilespmem:s20+$0x680]  }
0x80: {  	v17 =	vld [tilespmem:s20+$0x6E0];
	v7 =	vmul.f32 $1.442695020e+00, v7;
	v6 =	vmul.f32 $1.442695020e+00, v6  }
0x81: {  	v19 =	vld [tilespmem:s20+$0x6C0];
	v5 =	vmul.f32 $1.442695020e+00, v5;
	v10 =	vmul.f32 $1.442695020e+00, v10  }
0x82: {  	v20 =	vld [tilespmem:s20+$0x6F0];
	v11 =	vmul.f32 $1.442695020e+00, v11;
	v12 =	vmul.f32 $1.442695020e+00, v12  }
0x83: {  	s21 =	simm.s32 $0x800;
	v18 =	vld [tilespmem:s20+$0x690];
	v13 =	vmul.f32 $1.442695020e+00, v13;
	v14 =	vmul.f32 $1.442695020e+00, v14  }
0x84: {  	v21 =	vld [tilespmem:s21+$0x2E0];
	v15 =	vmul.f32 $1.442695020e+00, v15;
	v9 =	vmul.f32 $1.442695020e+00, v9  }
0x85: {  	v22 =	vld [tilespmem:s21+$0x2B0];
	v17 =	vmul.f32 $1.442695020e+00, v17;
	v16 =	vmul.f32 $1.442695020e+00, v16  }
0x86: {  	v23 =	vld [tilespmem:s21+$0x2A0];
	v19 =	vmul.f32 $1.442695020e+00, v19;
	(erf) = vpow2.f32 v7  }
0x87: {  	s12 =	simm.s32 $0x1000;
	v20 =	vmul.f32 $1.442695020e+00, v20;
	v7 =	vld [tilespmem:s21+$0x6A0];
	(erf) = vpow2.f32 v6  }
0x88: {  	v36 =	vld [tilespmem:s12+$0x280];
	v18 =	vmul.f32 $1.442695020e+00, v18;
	(erf) = vpow2.f32 v5  }
0x89: {  	v8 =	vmul.f32 $1.442695020e+00, v8;
	v5 =	vld [tilespmem:s21+$0x2F0];
	(erf) = vpow2.f32 v10  }
0x8a: {  	v21 =	vmul.f32 $1.442695020e+00, v21;
	v6 =	vld [tilespmem:s21+$0x2D0];
	(erf) = vpow2.f32 v11  }
0x8b: {  	v23 =	vmul.f32 $1.442695020e+00, v23;
	v10 =	vld [tilespmem:s21+$0x6D0];
	(erf) = vpow2.f32 v14  }
0x8c: {  	v11 =	vld [tilespmem:s21+$0x280];
	v24 =	vmul.f32 $1.442695020e+00, v7;
	(erf) = vpow2.f32 v8  }
0x8d: {  	v14 =	vmul.f32 $1.442695020e+00, v22;
	v8 =	vld [tilespmem:s21+$0x2C0];
	(erf) = vpow2.f32 v15  }
0x8e: {  	v15 =	vmul.f32 $1.442695020e+00, v5;
	v5 =	vld [tilespmem:s21+$0x6B0];
	(erf) = vpow2.f32 v12  }
0x8f: {  	v7 =	vld [tilespmem:s21+$0x290];
	v31 =	vmul.f32 $1.442695020e+00, v6;
	v25 =	vpop (erf);
	(erf) = vpow2.f32 v9  }
0x90: {  	v10 =	vmul.f32 $1.442695020e+00, v10;
	v9 =	vld [tilespmem:s21+$0x6E0];
	v22 =	vpop (erf);
	(erf) = vpow2.f32 v16  }
0x91: {  	v12 =	vld [tilespmem:s21+$0x680];
	v11 =	vmul.f32 $1.442695020e+00, v11;
	(erf) = vpow2.f32 v13;
	v26 =	vpop (erf)  }
0x92: {  	v28 =	vmul.f32 $1.442695020e+00, v8;
	v8 =	vld [tilespmem:s21+$0x6C0];
	v13 =	vpop (erf);
	(erf) = vpow2.f32 v19  }
0x93: {  	v29 =	vmul.f32 $1.442695020e+00, v5;
	v19 =	vld [tilespmem:s21+$0x6F0];
	v5 =	vpop (erf);
	(erf) = vpow2.f32 v20  }
0x94: {  	v27 =	vmul.f32 $1.442695020e+00, v7;
	v16 =	vld [tilespmem:s21+$0x690];
	v6 =	vpop (erf);
	(erf) = vpow2.f32 v18  }
0x95: {  	v18 =	vadd.f32 v22, v3;
	v22 =	vld [tilespmem:s12+$0x2B0];
	v7 =	vmul.f32 $1.442695020e+00, v9;
	(erf) = vpow2.f32 v24;
	v9 =	vpop (erf)  }
0x96: {  	v32 =	vmul.f32 $1.442695020e+00, v12;
	v24 =	vld [tilespmem:s12+$0x6A0];
	v30 =	vadd.f32 v9, v3;
	v33 =	vpop (erf);
	(erf) = vpow2.f32 v17  }
0x97: {  	v20 =	vld [tilespmem:s12+$0x2E0];
	v34 =	vmul.f32 $1.442695020e+00, v8;
	(erf) = vpow2.f32 v14;
	v14 =	vadd.f32 v13, v18;
	v12 =	vpop (erf)  }
0x98: {  	v13 =	vmul.f32 $1.442695020e+00, v19;
	v18 =	vld [tilespmem:s12+$0x2F0];
	(erf) = vpow2.f32 v21;
	v17 =	vadd.f32 v12, v3;
	v35 =	vpop (erf)  }
0x99: {  	v37 =	vld [tilespmem:s12+$0x290];
	v12 =	vmul.f32 $1.442695020e+00, v16;
	(erf) = vpow2.f32 v15;
	v14 =	vadd.f32 v33, v14;
	v63 =	vpop (erf)  }
0x9a: {  	v21 =	vld [tilespmem:s12+$0x6D0];
	v16 =	vmul.f32 $1.442695020e+00, v22;
	(erf) = vpow2.f32 v10;
	v10 =	vadd.f32 v26, v30;
	v26 =	vpop (erf)  }
0x9b: {  	v38 =	vld [tilespmem:s12+$0x2C0];
	v19 =	vmul.f32 $1.442695020e+00, v24;
	v24 =	vadd.f32 v6, v17;
	(erf) = vpow2.f32 v28;
	v15 =	vpop (erf)  }
0x9c: {  	v9 =	vld [tilespmem:s12+$0x2A0];
	v17 =	vmul.f32 $1.442695020e+00, v20;
	v26 =	vadd.f32 v26, v3;
	(erf) = vpow2.f32 v23;
	v6 =	vpop (erf)  }
0x9d: {  	v8 =	vld [tilespmem:s12+$0x2D0];
	v18 =	vmul.f32 $1.442695020e+00, v18;
	v39 =	vadd.f32 v25, v10;
	(erf) = vpow2.f32 v29;
	v29 =	vpop (erf)  }
0x9e: {  	v30 =	vld [tilespmem:s12+$0x6B0];
	v10 =	vmul.f32 $1.442695020e+00, v37;
	v22 =	vadd.f32 v6, v14;
	(erf) = vpow2.f32 v11;
	v6 =	vpop (erf)  }
0x9f: {  	v20 =	vld [tilespmem:s12+$0x690];
	v21 =	vmul.f32 $1.442695020e+00, v21;
	v25 =	vadd.f32 v35, v26;
	(erf) = vpow2.f32 v31;
	v31 =	vpop (erf)  }
0xa0: {  	v23 =	vld [tilespmem:s12+$0x680];
	v11 =	vmul.f32 $1.442695020e+00, v36;
	v28 =	vpop (erf);
	(erf) = vpow2.f32 v32  }
0xa1: {  	v26 =	vld [tilespmem:s12+$0x6E0];
	v29 =	vadd.f32 v29, v25;
	v32 =	vadd.f32 v63, v24;
	(erf) = vpow2.f32 v27;
	v14 =	vpop (erf)  }
0xa2: {  	s13 =	simm.s32 $0x6000;
	v25 =	vmul.f32 $1.442695020e+00, v38;
	v31 =	vadd.f32 v31, v39;
	v27 =	vld [tilespmem:s12+$0x6C0];
	v24 =	vpop (erf);
	(erf) = vpow2.f32 v34  }
.LBB2_3:
0xa3: {  	v30 =	vmul.f32 $1.442695020e+00, v30;
	(erf) = vpow2.f32 v13;
	v15 =	vadd.f32 v15, v32  }
0xa4: {  	p0 =	sne.s32 s13, $0x3E000;
	v33 =	vld [tilespmem:s12+$0x6F0];
	s12 =	sshra.s32 s13, $0x2;
	s13 =	sadd.s32 $0x2000, s13;
	v13 =	vmov v5;
	v5 =	vpop (erf);
	v32 =	vmov v7;
	v34 =	vmov v9  }
0xa5: {  	v36 =	vmul.f32 $1.442695020e+00, v8;
	v8 =	vadd.f32 v28, v22;
	v35 =	vld [tilespmem:s12+$0x2E0];
	v22 =	vpop (erf);
	(erf) = vpow2.f32 v12  }
0xa6: {  	v28 =	vld [tilespmem:s12+$0x2B0];
	v7 =	vmul.f32 $1.442695020e+00, v26;
	(erf) = vpow2.f32 v19;
	v9 =	vpop (erf);
	v26 =	vadd.f32 v13, v29  }
0xa7: {  	v29 =	vmul.f32 $1.442695020e+00, v23;
	v19 =	vld [tilespmem:s12+$0x6A0];
	v23 =	vadd.f32 v9, v31;
	v31 =	vpop (erf);
	(erf) = vpow2.f32 v32  }
0xa8: {  	v9 =	vld [tilespmem:s12+$0x2A0];
	v37 =	vmul.f32 $1.442695020e+00, v27;
	(erf) = vpow2.f32 v16;
	v16 =	vadd.f32 v24, v8;
	v12 =	vpop (erf)  }
0xa9: {  	v8 =	vld [tilespmem:s12+$0x2D0];
	v13 =	vmul.f32 $1.442695020e+00, v33;
	(erf) = vpow2.f32 v17;
	v33 =	vadd.f32 v12, v15;
	v24 =	vpop (erf)  }
0xaa: {  	v12 =	vmul.f32 $1.442695020e+00, v20;
	v27 =	vld [tilespmem:s12+$0x2F0];
	(erf) = vpow2.f32 v18;
	v18 =	vadd.f32 v31, v16;
	v20 =	vpop (erf)  }
0xab: {  	v17 =	vmul.f32 $1.442695020e+00, v34;
	v14 =	vadd.f32 v14, v23;
	v31 =	vld [tilespmem:s12+$0x6D0];
	(erf) = vpow2.f32 v21;
	v21 =	vpop (erf)  }
0xac: {  	v32 =	vld [tilespmem:s12+$0x280];
	v19 =	vmul.f32 $1.442695020e+00, v19;
	(erf) = vpow2.f32 v25;
	v25 =	vadd.f32 v22, v33;
	v15 =	vpop (erf)  }
0xad: {  	v16 =	vmul.f32 $1.442695020e+00, v28;
	v26 =	vadd.f32 v21, v26;
	v33 =	vld [tilespmem:s12+$0x290];
	(erf) = vpow2.f32 v17;
	v21 =	vpop (erf)  }
0xae: {  	v17 =	vmul.f32 $1.442695020e+00, v35;
	v34 =	vld [tilespmem:s12+$0x2C0];
	(erf) = vpow2.f32 v30;
	v22 =	vadd.f32 v21, v18;
	v35 =	vpop (erf)  }
.Ltmp0:
0xaf: {  	v38 =	vadd.f32 v6, v14;
	v18 =	vmul.f32 $1.442695020e+00, v27;
	v30 =	vld [tilespmem:s12+$0x6B0];
	(erf) = vpow2.f32 v11;
	v6 =	vpop (erf);
	(pc) =	sbr.rel @p0 .LBB2_3-.Ltmp0, $4  }
0xb0: {  	v23 =	vld [tilespmem:s12+$0x680];
	v21 =	vmul.f32 $1.442695020e+00, v31;
	(erf) = vpow2.f32 v36;
	v36 =	vadd.f32 v24, v26;
	v31 =	vpop (erf)  }
0xb1: {  	v11 =	vmul.f32 $1.442695020e+00, v32;
	v26 =	vld [tilespmem:s12+$0x6E0];
	v28 =	vpop (erf);
	(erf) = vpow2.f32 v29;
	v32 =	vadd.f32 v20, v25  }
0xb2: {  	v20 =	vld [tilespmem:s12+$0x690];
	(erf) = vpow2.f32 v10;
	v10 =	vmul.f32 $1.442695020e+00, v33;
	v14 =	vpop (erf);
	v29 =	vadd.f32 v35, v36  }
0xb3: {  	v31 =	vadd.f32 v31, v38;
	v25 =	vmul.f32 $1.442695020e+00, v34;
	v27 =	vld [tilespmem:s12+$0x6C0];
	v24 =	vpop (erf);
	(erf) = vpow2.f32 v37  }
0xb4: {  	v33 =	vpop (erf);
	(erf) = vpow2.f32 v13  }
0xb5: {  	v13 =	vpop (erf);
	(erf) = vpow2.f32 v12  }
0xb6: {  	(erf) = vpow2.f32 v19  }
0xb7: {  	v12 =	vpop (erf);
	(erf) = vpow2.f32 v7  }
0xb8: {  	v19 =	vpop (erf);
	(erf) = vpow2.f32 v16  }
0xb9: {  	v7 =	vpop (erf);
	(erf) = vpow2.f32 v17  }
0xba: {  	v9 =	vmul.f32 $1.442695020e+00, v9;
	v16 =	vpop (erf);
	(erf) = vpow2.f32 v18  }
0xbb: {  	v17 =	vpop (erf);
	(erf) = vpow2.f32 v21;
	v21 =	vmul.f32 $1.442695020e+00, v30  }
0xbc: {  	v18 =	vpop (erf)  }
0xbd: {  	v8 =	vmul.f32 $1.442695020e+00, v8;
	(erf) = vpow2.f32 v25;
	v25 =	vpop (erf)  }
0xbe: {  	(erf) = vpow2.f32 v9;
	v9 =	vpop (erf)  }
0xbf: {  	v22 =	vadd.f32 v28, v22;
	v30 =	vld [tilespmem:s12+$0x6F0];
	(erf) = vpow2.f32 v21;
	v21 =	vpop (erf)  }
0xc0: {  	v15 =	vadd.f32 v15, v32;
	v23 =	vmul.f32 $1.442695020e+00, v23;
	(erf) = vpow2.f32 v11;
	v11 =	vpop (erf)  }
0xc1: {  	v5 =	vadd.f32 v5, v29;
	v22 =	vadd.f32 v24, v22;
	(erf) = vpow2.f32 v8;
	v8 =	vpop (erf)  }
0xc2: {  	v12 =	vadd.f32 v12, v31;
	v20 =	vmul.f32 $1.442695020e+00, v20;
	(erf) = vpow2.f32 v23;
	v28 =	vpop (erf)  }
0xc3: {  	v5 =	vadd.f32 v18, v5;
	v23 =	vmul.f32 $1.442695020e+00, v27;
	(erf) = vpow2.f32 v10;
	v10 =	vpop (erf)  }
0xc4: {  	v7 =	vadd.f32 v7, v15;
	v12 =	vadd.f32 v14, v12;
	v27 =	vmul.f32 $1.442695020e+00, v30;
	v15 =	vpop (erf)  }
0xc5: {  	v5 =	vadd.f32 v16, v5;
	v16 =	vadd.f32 v19, v22;
	(erf) = vpow2.f32 v23;
	v18 =	vpop (erf)  }
0xc6: {  	v7 =	vadd.f32 v13, v7;
	(erf) = vpow2.f32 v27;
	v14 =	vpop (erf)  }
0xc7: {  	v26 =	vmul.f32 $1.442695020e+00, v26;
	v9 =	vadd.f32 v9, v16;
	(erf) = vpow2.f32 v20;
	v13 =	vpop (erf)  }
0xc8: {  	v6 =	vadd.f32 v6, v12;
	v7 =	vadd.f32 v17, v7;
	v12 =	vpop (erf)  }
0xc9: {  	v5 =	vadd.f32 v21, v5;
	v9 =	vadd.f32 v28, v9;
	(erf) = vpow2.f32 v26;
	v17 =	vpop (erf)  }
0xca: {  	v7 =	vadd.f32 v25, v7;
	v6 =	vadd.f32 v8, v6;
	v8 =	vpop (erf)  }
0xcb: {  	v5 =	vadd.f32 v33, v5;
	v9 =	vadd.f32 v15, v9;
	v16 =	vpop (erf)  }
0xcc: {  	v6 =	vadd.f32 v13, v6;
	v7 =	vadd.f32 v17, v7;
	v13 =	vpop (erf)  }
0xcd: {  	v5 =	vadd.f32 v13, v5  }
0xce: {  	v6 =	vadd.f32 v10, v6;
	v7 =	vadd.f32 v14, v7;
	v10 =	vpop (erf)  }
0xcf: {  	v13 =	vpop (erf);
	v5 =	vadd.f32 v8, v5  }
0xd0: {  	v7 =	vadd.f32 v16, v7;
	v8 =	vadd.f32 v12, v9;
	v9 =	vpop (erf)  }
0xd1: {  	v6 =	vadd.f32 v11, v6;
	v5 =	vadd.f32 v9, v5  }
0xd2: {  	v7 =	vadd.f32 v10, v7;
	v11 =	vpop (erf);
	v8 =	vadd.f32 v13, v8  }
0xd3: {  	v6 =	vadd.f32 v11, v6;
	v5 =	vadd.f32 v18, v5;
	_ =	sdelay $0x1  }
0xd4: {  	v6 =	vadd.f32 v8, v6;
	v5 =	vadd.f32 v5, v7;
	_ =	sdelay $0x1  }
0xd5: {  	s19 =	sshll.u32 s10, $0xA;
	v5 =	vadd.f32 v6, v5  }
0xd6: {  	s13 =	sand.u32 $0x3FFFFC00, s19  }
0xd7: {  	[tilespmem:s13+$0x10280] =	vst v5  }
0xd8: {  	s20 =	simm.s32 $0x0;
	v5 =	vld [tilespmem:s11+$0x100]  }
0xd9: {  	v6 =	vld [tilespmem:s20+$0x360]  }
0xda: {  	v7 =	vld [tilespmem:s20+$0x330]  }
0xdb: {  	v8 =	vld [tilespmem:s20+$0x720]  }
0xdc: {  	v9 =	vld [tilespmem:s20+$0x320]  }
0xdd: {  	v10 =	vld [tilespmem:s20+$0x350];
	(v2sf) =	vpush v5, $0x0  }
0xde: {  	v11 =	vld [tilespmem:s20+$0x370]  }
0xdf: {  	v12 =	vld [tilespmem:s20+$0x750]  }
0xe0: {  	v13 =	vld [tilespmem:s20+$0x300]  }
0xe1: {  	v14 =	vld [tilespmem:s20+$0x310]  }
0xe2: {  	v15 =	vld [tilespmem:s20+$0x340]  }
0xe3: {  	v16 =	vld [tilespmem:s20+$0x730]  }
0xe4: {  	v17 =	vld [tilespmem:s20+$0x700]  }
0xe5: {  	v18 =	vld [tilespmem:s20+$0x760];
	v8 =	vmul.f32 $1.442695020e+00, v8  }
0xe6: {  	v19 =	vld [tilespmem:s20+$0x710];
	v7 =	vmul.f32 $1.442695020e+00, v7;
	v6 =	vmul.f32 $1.442695020e+00, v6  }
0xe7: {  	v20 =	vld [tilespmem:s20+$0x740];
	v11 =	vmul.f32 $1.442695020e+00, v11;
	v12 =	vmul.f32 $1.442695020e+00, v12  }
0xe8: {  	s21 =	simm.s32 $0x800;
	v21 =	vld [tilespmem:s20+$0x770];
	v13 =	vmul.f32 $1.442695020e+00, v13;
	v14 =	vmul.f32 $1.442695020e+00, v14  }
0xe9: {  	v22 =	vld [tilespmem:s21+$0x360];
	v15 =	vmul.f32 $1.442695020e+00, v15;
	v16 =	vmul.f32 $1.442695020e+00, v16  }
0xea: {  	v23 =	vld [tilespmem:s21+$0x330];
	v10 =	vmul.f32 $1.442695020e+00, v10;
	v18 =	vmul.f32 $1.442695020e+00, v18  }
0xeb: {  	v24 =	vld [tilespmem:s21+$0x320];
	v17 =	vmul.f32 $1.442695020e+00, v17;
	(erf) = vpow2.f32 v8  }
0xec: {  	v20 =	vmul.f32 $1.442695020e+00, v20;
	v8 =	vld [tilespmem:s21+$0x720];
	(erf) = vpow2.f32 v7;
	s12 =	spop (v2sf)  }
0xed: {  	v21 =	vmul.f32 $1.442695020e+00, v21;
	v7 =	vld [tilespmem:s21+$0x350];
	(erf) = vpow2.f32 v6;
	s14 =	sshra.s32 s12, $0x1F  }
0xee: {  	v19 =	vmul.f32 $1.442695020e+00, v19;
	v6 =	vld [tilespmem:s21+$0x370];
	(erf) = vpow2.f32 v11;
	s14 =	sshrl.u32 s14, $0x1C  }
0xef: {  	v9 =	vmul.f32 $1.442695020e+00, v9;
	v11 =	vld [tilespmem:s21+$0x750];
	(erf) = vpow2.f32 v12;
	s14 =	sadd.s32 s14, s12  }
0xf0: {  	v22 =	vmul.f32 $1.442695020e+00, v22;
	v12 =	vld [tilespmem:s21+$0x300];
	(erf) = vpow2.f32 v15;
	s15 =	sand.u32 $0xFFFFFFF0, s14  }
0xf1: {  	v25 =	vmul.f32 $1.442695020e+00, v8;
	v8 =	vld [tilespmem:s21+$0x310];
	(erf) = vpow2.f32 v9;
	p0 =	slt.s32 s12, $0x1;
	p1 =	sne.s32 s12, s15  }
0xf2: {  	v24 =	vmul.f32 $1.442695020e+00, v24;
	v9 =	vld [tilespmem:s21+$0x340];
	(erf) = vpow2.f32 v16;
	p0 =	por !p0, !p1  }
0xf3: {  	v16 =	vmul.f32 $1.442695020e+00, v6;
	v6 =	vld [tilespmem:s21+$0x730];
	(erf) = vpow2.f32 v13;
	s15 =	simm.s32 $0x1;
	p0 =	por !p0, !p0  }
0xf4: {  	v15 =	vmul.f32 $1.442695020e+00, v23;
	v13 =	vld [tilespmem:s21+$0x700];
	(erf) = vpow2.f32 v10;
	s14 =	sshra.s32 s14, $0x4;
	s15 =	simm.s32 @!p0 $0x0  }
0xf5: {  	v59 =	vmul.f32 $1.442695020e+00, v7;
	v26 =	vpop (erf);
	v10 =	vld [tilespmem:s21+$0x760];
	(erf) = vpow2.f32 v17;
	s14 =	ssub.s32 s14, s15  }
0xf6: {  	v11 =	vmul.f32 $1.442695020e+00, v11;
	v23 =	vpop (erf);
	v17 =	vld [tilespmem:s21+$0x710];
	(erf) = vpow2.f32 v14;
	s15 =	sshll.u32 s14, $0x4;
	s14 =	sshll.u32 s14, $0x7  }
0xf7: {  	v27 =	vpop (erf);
	v29 =	vmul.f32 $1.442695020e+00, v9;
	v9 =	vld [tilespmem:s21+$0x740];
	(erf) = vpow2.f32 v20;
	s15 =	sand.u32 $0x70, s15;
	s14 =	sand.u32 $0xFFFFFC00, s14  }
0xf8: {  	v12 =	vmul.f32 $1.442695020e+00, v12;
	v14 =	vpop (erf);
	v20 =	vld [tilespmem:s21+$0x770];
	(erf) = vpow2.f32 v21;
	s14 =	sor.u32 s15, s14  }
0xf9: {  	v30 =	vmul.f32 $1.442695020e+00, v6;
	v6 =	vpop (erf);
	(erf) = vpow2.f32 v19;
	v5 =	vld [tilespmem:s14+$0x280];
	s14 =	simm.s32 $0x1000  }
0xfa: {  	v28 =	vmul.f32 $1.442695020e+00, v8;
	v21 =	vimm.f32 $0.0e+00;
	v7 =	vpop (erf);
	(erf) = vpow2.f32 v25;
	v31 =	vld [tilespmem:s14+$0x360]  }
0xfb: {  	v19 =	vadd.f32 v23, v21;
	v8 =	vmul.f32 $1.442695020e+00, v10;
	v10 =	vpop (erf);
	(erf) = vpow2.f32 v18;
	v23 =	vld [tilespmem:s14+$0x330]  }
0xfc: {  	v60 =	vmul.f32 $1.442695020e+00, v13;
	v35 =	vpop (erf);
	(erf) = vpow2.f32 v15;
	v25 =	vld [tilespmem:s14+$0x720]  }
0xfd: {  	v34 =	vadd.f32 v10, v21;
	v36 =	vmul.f32 $1.442695020e+00, v9;
	v13 =	vpop (erf);
	(erf) = vpow2.f32 v22;
	v10 =	vld [tilespmem:s14+$0x320]  }
0xfe: {  	v15 =	vadd.f32 v14, v19;
	v14 =	vmul.f32 $1.442695020e+00, v20;
	v37 =	vpop (erf);
	(erf) = vpow2.f32 v16;
	v19 =	vld [tilespmem:s14+$0x370]  }
0xff: {  	v18 =	vadd.f32 v13, v21;
	v13 =	vmul.f32 $1.442695020e+00, v17;
	v61 =	vpop (erf);
	(erf) = vpow2.f32 v11;
	v22 =	vld [tilespmem:s14+$0x750]  }
0x100: {  	v15 =	vadd.f32 v35, v15;
	v11 =	vadd.f32 v27, v34;
	v27 =	vpop (erf);
	(erf) = vpow2.f32 v29;
	v38 =	vld [tilespmem:s14+$0x310]  }
0x101: {  	v16 =	vpop (erf);
	v21 =	vadd.f32 v27, v21;
	(erf) = vpow2.f32 v24;
	v62 =	vld [tilespmem:s14+$0x300];
	v20 =	vmul.f32 $1.442695020e+00, v25  }
0x102: {  	v9 =	vld [tilespmem:s14+$0x350];
	v25 =	vadd.f32 v7, v18;
	v17 =	vmul.f32 $1.442695020e+00, v23;
	v7 =	vpop (erf);
	v18 =	vmul.f32 $1.442695020e+00, v31  }
0x103: {  	v40 =	vadd.f32 v26, v11;
	v39 =	vld [tilespmem:s14+$0x340];
	(erf) = vpow2.f32 v30;
	v19 =	vmul.f32 $1.442695020e+00, v19;
	v30 =	vpop (erf)  }
0x104: {  	v31 =	vld [tilespmem:s14+$0x730];
	v22 =	vmul.f32 $1.442695020e+00, v22;
	v23 =	vadd.f32 v7, v15;
	(erf) = vpow2.f32 v12;
	v7 =	vpop (erf)  }
0x105: {  	v26 =	vadd.f32 v37, v21;
	v24 =	vld [tilespmem:s14+$0x700];
	v11 =	vmul.f32 $1.442695020e+00, v38;
	(erf) = vpow2.f32 v59;
	v63 =	vpop (erf)  }
0x106: {  	v27 =	vld [tilespmem:s14+$0x760];
	v12 =	vmul.f32 $1.442695020e+00, v62;
	v29 =	vpop (erf);
	(erf) = vpow2.f32 v60  }
0x107: {  	v21 =	vld [tilespmem:s14+$0x710];
	v33 =	vadd.f32 v61, v25;
	v30 =	vadd.f32 v30, v26;
	(erf) = vpow2.f32 v28;
	v15 =	vpop (erf)  }
0x108: {  	s15 =	simm.s32 $0x6000;
	v26 =	vmul.f32 $1.442695020e+00, v39;
	v32 =	vadd.f32 v63, v40;
	v28 =	vld [tilespmem:s14+$0x740];
	v25 =	vpop (erf);
	(erf) = vpow2.f32 v36  }
.LBB2_5:
0x109: {  	v31 =	vmul.f32 $1.442695020e+00, v31;
	(erf) = vpow2.f32 v14;
	v16 =	vadd.f32 v16, v33  }
0x10a: {  	p0 =	sne.s32 s15, $0x3E000;
	v34 =	vld [tilespmem:s14+$0x770];
	s14 =	sshra.s32 s15, $0x2;
	s15 =	sadd.s32 $0x2000, s15;
	v14 =	vmov v6;
	v6 =	vpop (erf);
	v33 =	vmov v8;
	v35 =	vmov v10  }
0x10b: {  	v37 =	vmul.f32 $1.442695020e+00, v9;
	v9 =	vadd.f32 v29, v23;
	v36 =	vld [tilespmem:s14+$0x360];
	v23 =	vpop (erf);
	(erf) = vpow2.f32 v13  }
0x10c: {  	v29 =	vld [tilespmem:s14+$0x330];
	v8 =	vmul.f32 $1.442695020e+00, v27;
	(erf) = vpow2.f32 v20;
	v10 =	vpop (erf);
	v27 =	vadd.f32 v14, v30  }
0x10d: {  	v30 =	vmul.f32 $1.442695020e+00, v24;
	v20 =	vld [tilespmem:s14+$0x720];
	v24 =	vadd.f32 v10, v32;
	v32 =	vpop (erf);
	(erf) = vpow2.f32 v33  }
0x10e: {  	v10 =	vld [tilespmem:s14+$0x320];
	v38 =	vmul.f32 $1.442695020e+00, v28;
	(erf) = vpow2.f32 v17;
	v17 =	vadd.f32 v25, v9;
	v13 =	vpop (erf)  }
0x10f: {  	v9 =	vld [tilespmem:s14+$0x350];
	v14 =	vmul.f32 $1.442695020e+00, v34;
	(erf) = vpow2.f32 v18;
	v34 =	vadd.f32 v13, v16;
	v25 =	vpop (erf)  }
0x110: {  	v13 =	vmul.f32 $1.442695020e+00, v21;
	v28 =	vld [tilespmem:s14+$0x370];
	(erf) = vpow2.f32 v19;
	v19 =	vadd.f32 v32, v17;
	v21 =	vpop (erf)  }
0x111: {  	v18 =	vmul.f32 $1.442695020e+00, v35;
	v15 =	vadd.f32 v15, v24;
	v32 =	vld [tilespmem:s14+$0x750];
	(erf) = vpow2.f32 v22;
	v22 =	vpop (erf)  }
0x112: {  	v33 =	vld [tilespmem:s14+$0x300];
	v20 =	vmul.f32 $1.442695020e+00, v20;
	(erf) = vpow2.f32 v26;
	v26 =	vadd.f32 v23, v34;
	v16 =	vpop (erf)  }
0x113: {  	v17 =	vmul.f32 $1.442695020e+00, v29;
	v27 =	vadd.f32 v22, v27;
	v34 =	vld [tilespmem:s14+$0x310];
	(erf) = vpow2.f32 v18;
	v22 =	vpop (erf)  }
0x114: {  	v18 =	vmul.f32 $1.442695020e+00, v36;
	v35 =	vld [tilespmem:s14+$0x340];
	(erf) = vpow2.f32 v31;
	v23 =	vadd.f32 v22, v19;
	v36 =	vpop (erf)  }
.Ltmp1:
0x115: {  	v39 =	vadd.f32 v7, v15;
	v19 =	vmul.f32 $1.442695020e+00, v28;
	v31 =	vld [tilespmem:s14+$0x730];
	(erf) = vpow2.f32 v12;
	v7 =	vpop (erf);
	(pc) =	sbr.rel @p0 .LBB2_5-.Ltmp1, $4  }
0x116: {  	v24 =	vld [tilespmem:s14+$0x700];
	v22 =	vmul.f32 $1.442695020e+00, v32;
	(erf) = vpow2.f32 v37;
	v37 =	vadd.f32 v25, v27;
	v32 =	vpop (erf)  }
0x117: {  	v12 =	vmul.f32 $1.442695020e+00, v33;
	v27 =	vld [tilespmem:s14+$0x760];
	v29 =	vpop (erf);
	(erf) = vpow2.f32 v30;
	v33 =	vadd.f32 v21, v26  }
0x118: {  	v21 =	vld [tilespmem:s14+$0x710];
	(erf) = vpow2.f32 v11;
	v11 =	vmul.f32 $1.442695020e+00, v34;
	v15 =	vpop (erf);
	v30 =	vadd.f32 v36, v37  }
0x119: {  	v32 =	vadd.f32 v32, v39;
	v26 =	vmul.f32 $1.442695020e+00, v35;
	v28 =	vld [tilespmem:s14+$0x740];
	v25 =	vpop (erf);
	(erf) = vpow2.f32 v38  }
0x11a: {  	v34 =	vpop (erf);
	(erf) = vpow2.f32 v14  }
0x11b: {  	v14 =	vpop (erf);
	(erf) = vpow2.f32 v13  }
0x11c: {  	(erf) = vpow2.f32 v20  }
0x11d: {  	v13 =	vpop (erf);
	(erf) = vpow2.f32 v8  }
0x11e: {  	v20 =	vpop (erf);
	(erf) = vpow2.f32 v17  }
0x11f: {  	v8 =	vpop (erf);
	(erf) = vpow2.f32 v18  }
0x120: {  	v10 =	vmul.f32 $1.442695020e+00, v10;
	v17 =	vpop (erf);
	(erf) = vpow2.f32 v19  }
0x121: {  	v18 =	vpop (erf);
	(erf) = vpow2.f32 v22;
	v22 =	vmul.f32 $1.442695020e+00, v31  }
0x122: {  	v19 =	vpop (erf)  }
0x123: {  	v9 =	vmul.f32 $1.442695020e+00, v9;
	(erf) = vpow2.f32 v26;
	v26 =	vpop (erf)  }
0x124: {  	(erf) = vpow2.f32 v10;
	v10 =	vpop (erf)  }
0x125: {  	v23 =	vadd.f32 v29, v23;
	v31 =	vld [tilespmem:s14+$0x770];
	(erf) = vpow2.f32 v22;
	v22 =	vpop (erf)  }
0x126: {  	v16 =	vadd.f32 v16, v33;
	v24 =	vmul.f32 $1.442695020e+00, v24;
	(erf) = vpow2.f32 v12;
	v12 =	vpop (erf)  }
0x127: {  	v6 =	vadd.f32 v6, v30;
	v23 =	vadd.f32 v25, v23;
	(erf) = vpow2.f32 v9;
	v9 =	vpop (erf)  }
0x128: {  	v13 =	vadd.f32 v13, v32;
	v21 =	vmul.f32 $1.442695020e+00, v21;
	(erf) = vpow2.f32 v24;
	v29 =	vpop (erf)  }
0x129: {  	v6 =	vadd.f32 v19, v6;
	v24 =	vmul.f32 $1.442695020e+00, v28;
	(erf) = vpow2.f32 v11;
	v11 =	vpop (erf)  }
0x12a: {  	v8 =	vadd.f32 v8, v16;
	v13 =	vadd.f32 v15, v13;
	v28 =	vmul.f32 $1.442695020e+00, v31;
	v16 =	vpop (erf)  }
0x12b: {  	v6 =	vadd.f32 v17, v6;
	v17 =	vadd.f32 v20, v23;
	(erf) = vpow2.f32 v24;
	v19 =	vpop (erf)  }
0x12c: {  	v8 =	vadd.f32 v14, v8;
	(erf) = vpow2.f32 v28;
	v15 =	vpop (erf)  }
0x12d: {  	v27 =	vmul.f32 $1.442695020e+00, v27;
	v10 =	vadd.f32 v10, v17;
	(erf) = vpow2.f32 v21;
	v14 =	vpop (erf)  }
0x12e: {  	v7 =	vadd.f32 v7, v13;
	v8 =	vadd.f32 v18, v8;
	v13 =	vpop (erf)  }
0x12f: {  	v6 =	vadd.f32 v22, v6;
	v10 =	vadd.f32 v29, v10;
	(erf) = vpow2.f32 v27;
	v18 =	vpop (erf)  }
0x130: {  	v8 =	vadd.f32 v26, v8;
	v7 =	vadd.f32 v9, v7;
	v9 =	vpop (erf)  }
0x131: {  	v6 =	vadd.f32 v34, v6;
	v10 =	vadd.f32 v16, v10;
	v17 =	vpop (erf)  }
0x132: {  	v7 =	vadd.f32 v14, v7;
	v8 =	vadd.f32 v18, v8;
	v14 =	vpop (erf)  }
0x133: {  	v6 =	vadd.f32 v14, v6  }
0x134: {  	v7 =	vadd.f32 v11, v7;
	v8 =	vadd.f32 v15, v8;
	v11 =	vpop (erf)  }
0x135: {  	v14 =	vpop (erf);
	v6 =	vadd.f32 v9, v6  }
0x136: {  	v8 =	vadd.f32 v17, v8;
	v9 =	vadd.f32 v13, v10;
	v10 =	vpop (erf)  }
0x137: {  	v7 =	vadd.f32 v12, v7;
	v6 =	vadd.f32 v10, v6  }
0x138: {  	v8 =	vadd.f32 v11, v8;
	v12 =	vpop (erf);
	v9 =	vadd.f32 v14, v9  }
0x139: {  	v7 =	vadd.f32 v12, v7;
	v6 =	vadd.f32 v19, v6;
	_ =	sdelay $0x1  }
0x13a: {  	v7 =	vadd.f32 v9, v7;
	v6 =	vadd.f32 v6, v8  }
0x13b: {  	s16 =	sshll.u32 s11, $0x7  }
0x13c: {  	s19 =	sor.u32 $0x80, s16;
	v6 =	vadd.f32 v7, v6  }
0x13d: {  	s14 =	sand.u32 $0x3FFFFF80, s19  }
0x13e: {  	[tilespmem:s14+$0x10280] =	vst v6  }
0x13f: {  	s20 =	simm.s32 $0x0;
	v6 =	vld [tilespmem:s11+$0x101]  }
0x140: {  	v7 =	vld [tilespmem:s20+$0x3E0]  }
0x141: {  	v8 =	vld [tilespmem:s20+$0x3B0]  }
0x142: {  	v9 =	vld [tilespmem:s20+$0x7A0]  }
0x143: {  	v10 =	vld [tilespmem:s20+$0x3A0]  }
0x144: {  	v11 =	vld [tilespmem:s20+$0x3D0];
	(v2sf) =	vpush v6, $0x0  }
0x145: {  	v12 =	vld [tilespmem:s20+$0x3F0]  }
0x146: {  	v13 =	vld [tilespmem:s20+$0x7D0]  }
0x147: {  	v14 =	vld [tilespmem:s20+$0x380]  }
0x148: {  	v15 =	vld [tilespmem:s20+$0x390]  }
0x149: {  	v16 =	vld [tilespmem:s20+$0x3C0]  }
0x14a: {  	v17 =	vld [tilespmem:s20+$0x7B0]  }
0x14b: {  	v18 =	vld [tilespmem:s20+$0x780]  }
0x14c: {  	v19 =	vld [tilespmem:s20+$0x7E0];
	v9 =	vmul.f32 $1.442695020e+00, v9  }
0x14d: {  	v20 =	vld [tilespmem:s20+$0x790];
	v8 =	vmul.f32 $1.442695020e+00, v8;
	v7 =	vmul.f32 $1.442695020e+00, v7  }
0x14e: {  	v21 =	vld [tilespmem:s20+$0x7C0];
	v12 =	vmul.f32 $1.442695020e+00, v12;
	v13 =	vmul.f32 $1.442695020e+00, v13  }
0x14f: {  	s21 =	simm.s32 $0x800;
	v22 =	vld [tilespmem:s20+$0x7F0];
	v14 =	vmul.f32 $1.442695020e+00, v14;
	v15 =	vmul.f32 $1.442695020e+00, v15  }
0x150: {  	v23 =	vld [tilespmem:s21+$0x3E0];
	v16 =	vmul.f32 $1.442695020e+00, v16;
	v17 =	vmul.f32 $1.442695020e+00, v17  }
0x151: {  	v24 =	vld [tilespmem:s21+$0x3B0];
	v11 =	vmul.f32 $1.442695020e+00, v11;
	v19 =	vmul.f32 $1.442695020e+00, v19  }
0x152: {  	v25 =	vld [tilespmem:s21+$0x3A0];
	v18 =	vmul.f32 $1.442695020e+00, v18;
	(erf) = vpow2.f32 v9  }
0x153: {  	v21 =	vmul.f32 $1.442695020e+00, v21;
	v9 =	vld [tilespmem:s21+$0x7A0];
	(erf) = vpow2.f32 v8;
	s14 =	spop (v2sf)  }
0x154: {  	v22 =	vmul.f32 $1.442695020e+00, v22;
	v8 =	vld [tilespmem:s21+$0x3D0];
	(erf) = vpow2.f32 v7;
	s15 =	sshra.s32 s14, $0x1F  }
0x155: {  	v20 =	vmul.f32 $1.442695020e+00, v20;
	v7 =	vld [tilespmem:s21+$0x3F0];
	(erf) = vpow2.f32 v12;
	s15 =	sshrl.u32 s15, $0x1C  }
0x156: {  	v10 =	vmul.f32 $1.442695020e+00, v10;
	v12 =	vld [tilespmem:s21+$0x7D0];
	(erf) = vpow2.f32 v13;
	s15 =	sadd.s32 s15, s14  }
0x157: {  	v23 =	vmul.f32 $1.442695020e+00, v23;
	v13 =	vld [tilespmem:s21+$0x380];
	(erf) = vpow2.f32 v16;
	s17 =	sand.u32 $0xFFFFFFF0, s15  }
0x158: {  	v26 =	vmul.f32 $1.442695020e+00, v9;
	v9 =	vld [tilespmem:s21+$0x390];
	(erf) = vpow2.f32 v10;
	p0 =	slt.s32 s14, $0x1;
	p1 =	sne.s32 s14, s17  }
0x159: {  	v25 =	vmul.f32 $1.442695020e+00, v25;
	v10 =	vld [tilespmem:s21+$0x3C0];
	(erf) = vpow2.f32 v17;
	p0 =	por !p0, !p1  }
0x15a: {  	v17 =	vmul.f32 $1.442695020e+00, v7;
	v7 =	vld [tilespmem:s21+$0x7B0];
	(erf) = vpow2.f32 v14;
	s17 =	simm.s32 $0x1;
	p0 =	por !p0, !p0  }
0x15b: {  	v16 =	vmul.f32 $1.442695020e+00, v24;
	v14 =	vld [tilespmem:s21+$0x780];
	(erf) = vpow2.f32 v11;
	s15 =	sshra.s32 s15, $0x4;
	s17 =	simm.s32 @!p0 $0x0  }
0x15c: {  	v59 =	vmul.f32 $1.442695020e+00, v8;
	v27 =	vpop (erf);
	v11 =	vld [tilespmem:s21+$0x7E0];
	(erf) = vpow2.f32 v18;
	s15 =	ssub.s32 s15, s17  }
0x15d: {  	v12 =	vmul.f32 $1.442695020e+00, v12;
	v24 =	vpop (erf);
	v18 =	vld [tilespmem:s21+$0x790];
	(erf) = vpow2.f32 v15;
	s17 =	sshll.u32 s15, $0x4;
	s15 =	sshll.u32 s15, $0x7  }
0x15e: {  	v28 =	vpop (erf);
	v30 =	vmul.f32 $1.442695020e+00, v10;
	v10 =	vld [tilespmem:s21+$0x7C0];
	(erf) = vpow2.f32 v21;
	s17 =	sand.u32 $0x70, s17;
	s15 =	sand.u32 $0xFFFFFC00, s15  }
0x15f: {  	v13 =	vmul.f32 $1.442695020e+00, v13;
	v15 =	vpop (erf);
	v21 =	vld [tilespmem:s21+$0x7F0];
	(erf) = vpow2.f32 v22;
	s15 =	sor.u32 s17, s15  }
0x160: {  	v31 =	vmul.f32 $1.442695020e+00, v7;
	v7 =	vpop (erf);
	(erf) = vpow2.f32 v20;
	v6 =	vld [tilespmem:s15+$0x300];
	s15 =	simm.s32 $0x1000  }
0x161: {  	v29 =	vmul.f32 $1.442695020e+00, v9;
	v22 =	vimm.f32 $0.0e+00;
	v8 =	vpop (erf);
	(erf) = vpow2.f32 v26;
	v58 =	vld [tilespmem:s15+$0x3E0]  }
0x162: {  	v20 =	vadd.f32 v24, v22;
	v9 =	vmul.f32 $1.442695020e+00, v11;
	v11 =	vpop (erf);
	(erf) = vpow2.f32 v19;
	v24 =	vld [tilespmem:s15+$0x3B0]  }
0x163: {  	v60 =	vmul.f32 $1.442695020e+00, v14;
	v36 =	vpop (erf);
	(erf) = vpow2.f32 v16;
	v26 =	vld [tilespmem:s15+$0x7A0]  }
0x164: {  	v35 =	vadd.f32 v11, v22;
	v37 =	vmul.f32 $1.442695020e+00, v10;
	v14 =	vpop (erf);
	(erf) = vpow2.f32 v23;
	v11 =	vld [tilespmem:s15+$0x3A0]  }
0x165: {  	v16 =	vadd.f32 v15, v20;
	v15 =	vmul.f32 $1.442695020e+00, v21;
	v38 =	vpop (erf);
	(erf) = vpow2.f32 v17;
	v20 =	vld [tilespmem:s15+$0x3F0]  }
0x166: {  	v19 =	vadd.f32 v14, v22;
	v14 =	vmul.f32 $1.442695020e+00, v18;
	v61 =	vpop (erf);
	(erf) = vpow2.f32 v12;
	v23 =	vld [tilespmem:s15+$0x7D0]  }
0x167: {  	v16 =	vadd.f32 v36, v16;
	v12 =	vadd.f32 v28, v35;
	v28 =	vpop (erf);
	(erf) = vpow2.f32 v30;
	v39 =	vld [tilespmem:s15+$0x390]  }
0x168: {  	v17 =	vpop (erf);
	v22 =	vadd.f32 v28, v22;
	(erf) = vpow2.f32 v25;
	v62 =	vld [tilespmem:s15+$0x380];
	v21 =	vmul.f32 $1.442695020e+00, v26  }
0x169: {  	v10 =	vld [tilespmem:s15+$0x3D0];
	v26 =	vadd.f32 v8, v19;
	v18 =	vmul.f32 $1.442695020e+00, v24;
	v8 =	vpop (erf);
	v19 =	vmul.f32 $1.442695020e+00, v58  }
0x16a: {  	v41 =	vadd.f32 v27, v12;
	v40 =	vld [tilespmem:s15+$0x3C0];
	(erf) = vpow2.f32 v31;
	v20 =	vmul.f32 $1.442695020e+00, v20;
	v31 =	vpop (erf)  }
0x16b: {  	v32 =	vld [tilespmem:s15+$0x7B0];
	v23 =	vmul.f32 $1.442695020e+00, v23;
	v24 =	vadd.f32 v8, v16;
	(erf) = vpow2.f32 v13;
	v8 =	vpop (erf)  }
0x16c: {  	v27 =	vadd.f32 v38, v22;
	v25 =	vld [tilespmem:s15+$0x780];
	v12 =	vmul.f32 $1.442695020e+00, v39;
	(erf) = vpow2.f32 v59;
	v63 =	vpop (erf)  }
0x16d: {  	v28 =	vld [tilespmem:s15+$0x7E0];
	v13 =	vmul.f32 $1.442695020e+00, v62;
	v30 =	vpop (erf);
	(erf) = vpow2.f32 v60  }
0x16e: {  	v22 =	vld [tilespmem:s15+$0x790];
	v34 =	vadd.f32 v61, v26;
	v31 =	vadd.f32 v31, v27;
	(erf) = vpow2.f32 v29;
	v16 =	vpop (erf)  }
0x16f: {  	s17 =	simm.s32 $0x6000;
	v27 =	vmul.f32 $1.442695020e+00, v40;
	v33 =	vadd.f32 v63, v41;
	v29 =	vld [tilespmem:s15+$0x7C0];
	v26 =	vpop (erf);
	(erf) = vpow2.f32 v37  }
.LBB2_7:
0x170: {  	v32 =	vmul.f32 $1.442695020e+00, v32;
	(erf) = vpow2.f32 v15;
	v17 =	vadd.f32 v17, v34  }
0x171: {  	p0 =	sne.s32 s17, $0x3E000;
	v35 =	vld [tilespmem:s15+$0x7F0];
	s15 =	sshra.s32 s17, $0x2;
	s17 =	sadd.s32 $0x2000, s17;
	v15 =	vmov v7;
	v7 =	vpop (erf);
	v34 =	vmov v9;
	v36 =	vmov v11  }
0x172: {  	v38 =	vmul.f32 $1.442695020e+00, v10;
	v10 =	vadd.f32 v30, v24;
	v37 =	vld [tilespmem:s15+$0x3E0];
	v24 =	vpop (erf);
	(erf) = vpow2.f32 v14  }
0x173: {  	v30 =	vld [tilespmem:s15+$0x3B0];
	v9 =	vmul.f32 $1.442695020e+00, v28;
	(erf) = vpow2.f32 v21;
	v11 =	vpop (erf);
	v28 =	vadd.f32 v15, v31  }
0x174: {  	v31 =	vmul.f32 $1.442695020e+00, v25;
	v21 =	vld [tilespmem:s15+$0x7A0];
	v25 =	vadd.f32 v11, v33;
	v33 =	vpop (erf);
	(erf) = vpow2.f32 v34  }
0x175: {  	v11 =	vld [tilespmem:s15+$0x3A0];
	v39 =	vmul.f32 $1.442695020e+00, v29;
	(erf) = vpow2.f32 v18;
	v18 =	vadd.f32 v26, v10;
	v14 =	vpop (erf)  }
0x176: {  	v10 =	vld [tilespmem:s15+$0x3D0];
	v15 =	vmul.f32 $1.442695020e+00, v35;
	(erf) = vpow2.f32 v19;
	v35 =	vadd.f32 v14, v17;
	v26 =	vpop (erf)  }
0x177: {  	v14 =	vmul.f32 $1.442695020e+00, v22;
	v29 =	vld [tilespmem:s15+$0x3F0];
	(erf) = vpow2.f32 v20;
	v20 =	vadd.f32 v33, v18;
	v22 =	vpop (erf)  }
0x178: {  	v19 =	vmul.f32 $1.442695020e+00, v36;
	v16 =	vadd.f32 v16, v25;
	v33 =	vld [tilespmem:s15+$0x7D0];
	(erf) = vpow2.f32 v23;
	v23 =	vpop (erf)  }
0x179: {  	v34 =	vld [tilespmem:s15+$0x380];
	v21 =	vmul.f32 $1.442695020e+00, v21;
	(erf) = vpow2.f32 v27;
	v27 =	vadd.f32 v24, v35;
	v17 =	vpop (erf)  }
0x17a: {  	v18 =	vmul.f32 $1.442695020e+00, v30;
	v28 =	vadd.f32 v23, v28;
	v35 =	vld [tilespmem:s15+$0x390];
	(erf) = vpow2.f32 v19;
	v23 =	vpop (erf)  }
0x17b: {  	v19 =	vmul.f32 $1.442695020e+00, v37;
	v36 =	vld [tilespmem:s15+$0x3C0];
	(erf) = vpow2.f32 v32;
	v24 =	vadd.f32 v23, v20;
	v37 =	vpop (erf)  }
.Ltmp2:
0x17c: {  	v40 =	vadd.f32 v8, v16;
	v20 =	vmul.f32 $1.442695020e+00, v29;
	v32 =	vld [tilespmem:s15+$0x7B0];
	(erf) = vpow2.f32 v13;
	v8 =	vpop (erf);
	(pc) =	sbr.rel @p0 .LBB2_7-.Ltmp2, $4  }
0x17d: {  	v25 =	vld [tilespmem:s15+$0x780];
	v23 =	vmul.f32 $1.442695020e+00, v33;
	(erf) = vpow2.f32 v38;
	v38 =	vadd.f32 v26, v28;
	v33 =	vpop (erf)  }
0x17e: {  	v13 =	vmul.f32 $1.442695020e+00, v34;
	v28 =	vld [tilespmem:s15+$0x7E0];
	v30 =	vpop (erf);
	(erf) = vpow2.f32 v31;
	v34 =	vadd.f32 v22, v27  }
0x17f: {  	v22 =	vld [tilespmem:s15+$0x790];
	(erf) = vpow2.f32 v12;
	v12 =	vmul.f32 $1.442695020e+00, v35;
	v16 =	vpop (erf);
	v31 =	vadd.f32 v37, v38  }
0x180: {  	v33 =	vadd.f32 v33, v40;
	v27 =	vmul.f32 $1.442695020e+00, v36;
	v29 =	vld [tilespmem:s15+$0x7C0];
	v26 =	vpop (erf);
	(erf) = vpow2.f32 v39  }
0x181: {  	v35 =	vpop (erf);
	(erf) = vpow2.f32 v15  }
0x182: {  	v15 =	vpop (erf);
	(erf) = vpow2.f32 v14  }
0x183: {  	(erf) = vpow2.f32 v21  }
0x184: {  	v14 =	vpop (erf);
	(erf) = vpow2.f32 v9  }
0x185: {  	v21 =	vpop (erf);
	(erf) = vpow2.f32 v18  }
0x186: {  	v9 =	vpop (erf);
	(erf) = vpow2.f32 v19  }
0x187: {  	v11 =	vmul.f32 $1.442695020e+00, v11;
	v18 =	vpop (erf);
	(erf) = vpow2.f32 v20  }
0x188: {  	v19 =	vpop (erf);
	(erf) = vpow2.f32 v23;
	v23 =	vmul.f32 $1.442695020e+00, v32  }
0x189: {  	v20 =	vpop (erf)  }
0x18a: {  	v10 =	vmul.f32 $1.442695020e+00, v10;
	(erf) = vpow2.f32 v27;
	v27 =	vpop (erf)  }
0x18b: {  	(erf) = vpow2.f32 v11;
	v11 =	vpop (erf)  }
0x18c: {  	v55 =	vld [tilespmem:s15+$0x7F0];
	v24 =	vadd.f32 v30, v24;
	(erf) = vpow2.f32 v23;
	v23 =	vpop (erf)  }
0x18d: {  	v17 =	vadd.f32 v17, v34;
	v25 =	vmul.f32 $1.442695020e+00, v25;
	(erf) = vpow2.f32 v13;
	v13 =	vpop (erf)  }
0x18e: {  	v7 =	vadd.f32 v7, v31;
	v24 =	vadd.f32 v26, v24;
	(erf) = vpow2.f32 v10;
	v10 =	vpop (erf)  }
0x18f: {  	v14 =	vadd.f32 v14, v33;
	v22 =	vmul.f32 $1.442695020e+00, v22;
	(erf) = vpow2.f32 v25;
	v30 =	vpop (erf)  }
0x190: {  	v7 =	vadd.f32 v20, v7;
	v25 =	vmul.f32 $1.442695020e+00, v29;
	(erf) = vpow2.f32 v12;
	v12 =	vpop (erf)  }
0x191: {  	v9 =	vadd.f32 v9, v17;
	v14 =	vadd.f32 v16, v14;
	v29 =	vmul.f32 $1.442695020e+00, v55;
	v17 =	vpop (erf)  }
0x192: {  	v7 =	vadd.f32 v18, v7;
	v18 =	vadd.f32 v21, v24;
	(erf) = vpow2.f32 v25;
	v20 =	vpop (erf)  }
0x193: {  	v9 =	vadd.f32 v15, v9;
	(erf) = vpow2.f32 v29;
	v16 =	vpop (erf)  }
0x194: {  	v28 =	vmul.f32 $1.442695020e+00, v28;
	v11 =	vadd.f32 v11, v18;
	(erf) = vpow2.f32 v22;
	v15 =	vpop (erf)  }
0x195: {  	v8 =	vadd.f32 v8, v14;
	v9 =	vadd.f32 v19, v9;
	v14 =	vpop (erf)  }
0x196: {  	v7 =	vadd.f32 v23, v7;
	v11 =	vadd.f32 v30, v11;
	(erf) = vpow2.f32 v28;
	v19 =	vpop (erf)  }
0x197: {  	v9 =	vadd.f32 v27, v9;
	v8 =	vadd.f32 v10, v8;
	v10 =	vpop (erf)  }
0x198: {  	v7 =	vadd.f32 v35, v7;
	v11 =	vadd.f32 v17, v11;
	v18 =	vpop (erf)  }
0x199: {  	v8 =	vadd.f32 v15, v8;
	v9 =	vadd.f32 v19, v9;
	v15 =	vpop (erf)  }
0x19a: {  	v7 =	vadd.f32 v15, v7  }
0x19b: {  	v8 =	vadd.f32 v12, v8;
	v9 =	vadd.f32 v16, v9;
	v12 =	vpop (erf)  }
0x19c: {  	v15 =	vpop (erf);
	v7 =	vadd.f32 v10, v7  }
0x19d: {  	v9 =	vadd.f32 v18, v9;
	v10 =	vadd.f32 v14, v11;
	v11 =	vpop (erf)  }
0x19e: {  	v8 =	vadd.f32 v13, v8;
	v7 =	vadd.f32 v11, v7  }
0x19f: {  	v9 =	vadd.f32 v12, v9;
	v13 =	vpop (erf);
	v10 =	vadd.f32 v15, v10  }
0x1a0: {  	v8 =	vadd.f32 v13, v8;
	v7 =	vadd.f32 v20, v7;
	_ =	sdelay $0x1  }
0x1a1: {  	v8 =	vadd.f32 v10, v8;
	v7 =	vadd.f32 v7, v9;
	_ =	sdelay $0x1  }
0x1a2: {  	s19 =	sor.u32 $0x100, s16;
	v7 =	vadd.f32 v8, v7  }
0x1a3: {  	s15 =	sand.u32 $0x3FFFFF80, s19  }
0x1a4: {  	[tilespmem:s15+$0x10280] =	vst v7  }
0x1a5: {  	v7 =	vld [tilespmem:s11+$0x102]  }
0x1a6: {  	s20 =	simm.s32 $0x0  }
0x1a7: {  	v8 =	vld [tilespmem:s20+$0x460]  }
0x1a8: {  	v9 =	vld [tilespmem:s20+$0x430]  }
0x1a9: {  	v10 =	vld [tilespmem:s20+$0x820]  }
0x1aa: {  	v11 =	vld [tilespmem:s20+$0x420];
	(v2sf) =	vpush v7, $0x0  }
0x1ab: {  	v12 =	vld [tilespmem:s20+$0x450]  }
0x1ac: {  	v13 =	vld [tilespmem:s20+$0x470]  }
0x1ad: {  	v14 =	vld [tilespmem:s20+$0x850]  }
0x1ae: {  	v15 =	vld [tilespmem:s20+$0x400]  }
0x1af: {  	v16 =	vld [tilespmem:s20+$0x410]  }
0x1b0: {  	v17 =	vld [tilespmem:s20+$0x440]  }
0x1b1: {  	v18 =	vld [tilespmem:s20+$0x830]  }
0x1b2: {  	v19 =	vld [tilespmem:s20+$0x800]  }
0x1b3: {  	v20 =	vld [tilespmem:s20+$0x860];
	v10 =	vmul.f32 $1.442695020e+00, v10  }
0x1b4: {  	v21 =	vld [tilespmem:s20+$0x810];
	v9 =	vmul.f32 $1.442695020e+00, v9;
	v8 =	vmul.f32 $1.442695020e+00, v8  }
0x1b5: {  	v22 =	vld [tilespmem:s20+$0x840];
	v13 =	vmul.f32 $1.442695020e+00, v13;
	v14 =	vmul.f32 $1.442695020e+00, v14  }
0x1b6: {  	s21 =	simm.s32 $0x800;
	v23 =	vld [tilespmem:s20+$0x870];
	v15 =	vmul.f32 $1.442695020e+00, v15;
	v16 =	vmul.f32 $1.442695020e+00, v16  }
0x1b7: {  	v24 =	vld [tilespmem:s21+$0x460];
	v17 =	vmul.f32 $1.442695020e+00, v17;
	v18 =	vmul.f32 $1.442695020e+00, v18  }
0x1b8: {  	v25 =	vld [tilespmem:s21+$0x430];
	v12 =	vmul.f32 $1.442695020e+00, v12;
	v20 =	vmul.f32 $1.442695020e+00, v20  }
0x1b9: {  	v26 =	vld [tilespmem:s21+$0x420];
	v19 =	vmul.f32 $1.442695020e+00, v19;
	(erf) = vpow2.f32 v10;
	s15 =	spop (v2sf)  }
0x1ba: {  	v22 =	vmul.f32 $1.442695020e+00, v22;
	v10 =	vld [tilespmem:s21+$0x820];
	(erf) = vpow2.f32 v9;
	s17 =	sshra.s32 s15, $0x1F  }
0x1bb: {  	v23 =	vmul.f32 $1.442695020e+00, v23;
	v9 =	vld [tilespmem:s21+$0x450];
	(erf) = vpow2.f32 v8;
	s17 =	sshrl.u32 s17, $0x1C  }
0x1bc: {  	v21 =	vmul.f32 $1.442695020e+00, v21;
	v8 =	vld [tilespmem:s21+$0x470];
	(erf) = vpow2.f32 v13;
	s17 =	sadd.s32 s17, s15  }
0x1bd: {  	v11 =	vmul.f32 $1.442695020e+00, v11;
	v13 =	vld [tilespmem:s21+$0x850];
	(erf) = vpow2.f32 v14;
	s18 =	sand.u32 $0xFFFFFFF0, s17  }
0x1be: {  	v24 =	vmul.f32 $1.442695020e+00, v24;
	v14 =	vld [tilespmem:s21+$0x400];
	(erf) = vpow2.f32 v17;
	p0 =	slt.s32 s15, $0x1;
	p1 =	sne.s32 s15, s18  }
0x1bf: {  	v27 =	vmul.f32 $1.442695020e+00, v10;
	v10 =	vld [tilespmem:s21+$0x410];
	(erf) = vpow2.f32 v11;
	p0 =	por !p0, !p1  }
0x1c0: {  	v26 =	vmul.f32 $1.442695020e+00, v26;
	v11 =	vld [tilespmem:s21+$0x440];
	(erf) = vpow2.f32 v18;
	s18 =	simm.s32 $0x1;
	p0 =	por !p0, !p0  }
0x1c1: {  	v18 =	vmul.f32 $1.442695020e+00, v8;
	v8 =	vld [tilespmem:s21+$0x830];
	(erf) = vpow2.f32 v15;
	s17 =	sshra.s32 s17, $0x4;
	s18 =	simm.s32 @!p0 $0x0  }
0x1c2: {  	v17 =	vmul.f32 $1.442695020e+00, v25;
	v15 =	vld [tilespmem:s21+$0x800];
	(erf) = vpow2.f32 v12;
	s17 =	ssub.s32 s17, s18  }
0x1c3: {  	v58 =	vmul.f32 $1.442695020e+00, v9;
	v28 =	vpop (erf);
	v12 =	vld [tilespmem:s21+$0x860];
	(erf) = vpow2.f32 v19;
	s18 =	sshll.u32 s17, $0x4  }
0x1c4: {  	v13 =	vmul.f32 $1.442695020e+00, v13;
	v25 =	vpop (erf);
	v19 =	vld [tilespmem:s21+$0x810];
	(erf) = vpow2.f32 v16;
	s17 =	sshll.u32 s17, $0x7;
	s18 =	sand.u32 $0x70, s18  }
0x1c5: {  	v29 =	vpop (erf);
	v31 =	vmul.f32 $1.442695020e+00, v11;
	v11 =	vld [tilespmem:s21+$0x840];
	(erf) = vpow2.f32 v22;
	s17 =	sor.u32 s18, s17  }
0x1c6: {  	v14 =	vmul.f32 $1.442695020e+00, v14;
	v16 =	vpop (erf);
	v22 =	vld [tilespmem:s21+$0x870];
	(erf) = vpow2.f32 v23;
	s17 =	sor.u32 $0x380, s17  }
0x1c7: {  	v56 =	vmul.f32 $1.442695020e+00, v8;
	v8 =	vpop (erf);
	(erf) = vpow2.f32 v21;
	v7 =	vld [tilespmem:s17+$0x0];
	s17 =	simm.s32 $0x1000  }
0x1c8: {  	v30 =	vmul.f32 $1.442695020e+00, v10;
	v23 =	vimm.f32 $0.0e+00;
	v9 =	vpop (erf);
	(erf) = vpow2.f32 v27;
	v57 =	vld [tilespmem:s17+$0x460]  }
0x1c9: {  	v21 =	vadd.f32 v25, v23;
	v10 =	vmul.f32 $1.442695020e+00, v12;
	v12 =	vpop (erf);
	(erf) = vpow2.f32 v20;
	v25 =	vld [tilespmem:s17+$0x430]  }
0x1ca: {  	v59 =	vmul.f32 $1.442695020e+00, v15;
	v37 =	vpop (erf);
	(erf) = vpow2.f32 v17;
	v27 =	vld [tilespmem:s17+$0x820]  }
0x1cb: {  	v36 =	vadd.f32 v12, v23;
	v38 =	vmul.f32 $1.442695020e+00, v11;
	v15 =	vpop (erf);
	(erf) = vpow2.f32 v24;
	v12 =	vld [tilespmem:s17+$0x420]  }
0x1cc: {  	v17 =	vadd.f32 v16, v21;
	v16 =	vmul.f32 $1.442695020e+00, v22;
	v39 =	vpop (erf);
	(erf) = vpow2.f32 v18;
	v21 =	vld [tilespmem:s17+$0x470]  }
0x1cd: {  	v20 =	vadd.f32 v15, v23;
	v15 =	vmul.f32 $1.442695020e+00, v19;
	v60 =	vpop (erf);
	(erf) = vpow2.f32 v13;
	v24 =	vld [tilespmem:s17+$0x850]  }
0x1ce: {  	v17 =	vadd.f32 v37, v17;
	v13 =	vadd.f32 v29, v36;
	v29 =	vpop (erf);
	(erf) = vpow2.f32 v31;
	v40 =	vld [tilespmem:s17+$0x410]  }
0x1cf: {  	v18 =	vpop (erf);
	v23 =	vadd.f32 v29, v23;
	(erf) = vpow2.f32 v26;
	v61 =	vld [tilespmem:s17+$0x400];
	v22 =	vmul.f32 $1.442695020e+00, v27  }
0x1d0: {  	v11 =	vld [tilespmem:s17+$0x450];
	v27 =	vadd.f32 v9, v20;
	v19 =	vmul.f32 $1.442695020e+00, v25;
	v9 =	vpop (erf);
	v20 =	vmul.f32 $1.442695020e+00, v57  }
0x1d1: {  	v42 =	vadd.f32 v28, v13;
	v41 =	vld [tilespmem:s17+$0x440];
	(erf) = vpow2.f32 v56;
	v21 =	vmul.f32 $1.442695020e+00, v21;
	v62 =	vpop (erf)  }
0x1d2: {  	v33 =	vld [tilespmem:s17+$0x830];
	v24 =	vmul.f32 $1.442695020e+00, v24;
	v25 =	vadd.f32 v9, v17;
	(erf) = vpow2.f32 v14;
	v9 =	vpop (erf)  }
0x1d3: {  	v28 =	vadd.f32 v39, v23;
	v26 =	vld [tilespmem:s17+$0x800];
	v13 =	vmul.f32 $1.442695020e+00, v40;
	(erf) = vpow2.f32 v58;
	v63 =	vpop (erf)  }
0x1d4: {  	v29 =	vld [tilespmem:s17+$0x860];
	v14 =	vmul.f32 $1.442695020e+00, v61;
	v31 =	vpop (erf);
	(erf) = vpow2.f32 v59  }
0x1d5: {  	v23 =	vld [tilespmem:s17+$0x810];
	v35 =	vadd.f32 v60, v27;
	v32 =	vadd.f32 v62, v28;
	(erf) = vpow2.f32 v30;
	v17 =	vpop (erf)  }
0x1d6: {  	s18 =	simm.s32 $0x6000;
	v28 =	vmul.f32 $1.442695020e+00, v41;
	v34 =	vadd.f32 v63, v42;
	v30 =	vld [tilespmem:s17+$0x840];
	v27 =	vpop (erf);
	(erf) = vpow2.f32 v38  }
.LBB2_9:
0x1d7: {  	v33 =	vmul.f32 $1.442695020e+00, v33;
	(erf) = vpow2.f32 v16;
	v18 =	vadd.f32 v18, v35  }
0x1d8: {  	p0 =	sne.s32 s18, $0x3E000;
	v36 =	vld [tilespmem:s17+$0x870];
	s17 =	sshra.s32 s18, $0x2;
	s18 =	sadd.s32 $0x2000, s18;
	v16 =	vmov v8;
	v8 =	vpop (erf);
	v35 =	vmov v10;
	v37 =	vmov v12  }
0x1d9: {  	v39 =	vmul.f32 $1.442695020e+00, v11;
	v11 =	vadd.f32 v31, v25;
	v38 =	vld [tilespmem:s17+$0x460];
	v25 =	vpop (erf);
	(erf) = vpow2.f32 v15  }
0x1da: {  	v31 =	vld [tilespmem:s17+$0x430];
	v10 =	vmul.f32 $1.442695020e+00, v29;
	(erf) = vpow2.f32 v22;
	v12 =	vpop (erf);
	v29 =	vadd.f32 v16, v32  }
0x1db: {  	v32 =	vmul.f32 $1.442695020e+00, v26;
	v22 =	vld [tilespmem:s17+$0x820];
	v26 =	vadd.f32 v12, v34;
	v34 =	vpop (erf);
	(erf) = vpow2.f32 v35  }
0x1dc: {  	v12 =	vld [tilespmem:s17+$0x420];
	v40 =	vmul.f32 $1.442695020e+00, v30;
	(erf) = vpow2.f32 v19;
	v19 =	vadd.f32 v27, v11;
	v15 =	vpop (erf)  }
0x1dd: {  	v11 =	vld [tilespmem:s17+$0x450];
	v16 =	vmul.f32 $1.442695020e+00, v36;
	(erf) = vpow2.f32 v20;
	v36 =	vadd.f32 v15, v18;
	v27 =	vpop (erf)  }
0x1de: {  	v15 =	vmul.f32 $1.442695020e+00, v23;
	v30 =	vld [tilespmem:s17+$0x470];
	(erf) = vpow2.f32 v21;
	v21 =	vadd.f32 v34, v19;
	v23 =	vpop (erf)  }
0x1df: {  	v20 =	vmul.f32 $1.442695020e+00, v37;
	v17 =	vadd.f32 v17, v26;
	v34 =	vld [tilespmem:s17+$0x850];
	(erf) = vpow2.f32 v24;
	v24 =	vpop (erf)  }
0x1e0: {  	v35 =	vld [tilespmem:s17+$0x400];
	v22 =	vmul.f32 $1.442695020e+00, v22;
	(erf) = vpow2.f32 v28;
	v28 =	vadd.f32 v25, v36;
	v18 =	vpop (erf)  }
0x1e1: {  	v19 =	vmul.f32 $1.442695020e+00, v31;
	v29 =	vadd.f32 v24, v29;
	v36 =	vld [tilespmem:s17+$0x410];
	(erf) = vpow2.f32 v20;
	v24 =	vpop (erf)  }
0x1e2: {  	v20 =	vmul.f32 $1.442695020e+00, v38;
	v37 =	vld [tilespmem:s17+$0x440];
	(erf) = vpow2.f32 v33;
	v25 =	vadd.f32 v24, v21;
	v38 =	vpop (erf)  }
.Ltmp3:
0x1e3: {  	v41 =	vadd.f32 v9, v17;
	v21 =	vmul.f32 $1.442695020e+00, v30;
	v33 =	vld [tilespmem:s17+$0x830];
	(erf) = vpow2.f32 v14;
	v9 =	vpop (erf);
	(pc) =	sbr.rel @p0 .LBB2_9-.Ltmp3, $4  }
0x1e4: {  	v26 =	vld [tilespmem:s17+$0x800];
	v24 =	vmul.f32 $1.442695020e+00, v34;
	(erf) = vpow2.f32 v39;
	v39 =	vadd.f32 v27, v29;
	v34 =	vpop (erf)  }
0x1e5: {  	v14 =	vmul.f32 $1.442695020e+00, v35;
	v29 =	vld [tilespmem:s17+$0x860];
	v31 =	vpop (erf);
	(erf) = vpow2.f32 v32;
	v35 =	vadd.f32 v23, v28  }
0x1e6: {  	v23 =	vld [tilespmem:s17+$0x810];
	(erf) = vpow2.f32 v13;
	v13 =	vmul.f32 $1.442695020e+00, v36;
	v17 =	vpop (erf);
	v32 =	vadd.f32 v38, v39  }
0x1e7: {  	v34 =	vadd.f32 v34, v41;
	v28 =	vmul.f32 $1.442695020e+00, v37;
	v30 =	vld [tilespmem:s17+$0x840];
	v27 =	vpop (erf);
	(erf) = vpow2.f32 v40  }
0x1e8: {  	v36 =	vpop (erf);
	(erf) = vpow2.f32 v16  }
0x1e9: {  	v16 =	vpop (erf);
	(erf) = vpow2.f32 v15  }
0x1ea: {  	(erf) = vpow2.f32 v22  }
0x1eb: {  	v15 =	vpop (erf);
	(erf) = vpow2.f32 v10  }
0x1ec: {  	v22 =	vpop (erf);
	(erf) = vpow2.f32 v19  }
0x1ed: {  	v10 =	vpop (erf);
	(erf) = vpow2.f32 v20  }
0x1ee: {  	v12 =	vmul.f32 $1.442695020e+00, v12;
	v19 =	vpop (erf);
	(erf) = vpow2.f32 v21  }
0x1ef: {  	v20 =	vpop (erf);
	(erf) = vpow2.f32 v24;
	v24 =	vmul.f32 $1.442695020e+00, v33  }
0x1f0: {  	v21 =	vpop (erf)  }
0x1f1: {  	v11 =	vmul.f32 $1.442695020e+00, v11;
	(erf) = vpow2.f32 v28;
	v28 =	vpop (erf)  }
0x1f2: {  	(erf) = vpow2.f32 v12;
	v12 =	vpop (erf)  }
0x1f3: {  	v54 =	vld [tilespmem:s17+$0x870];
	v25 =	vadd.f32 v31, v25;
	(erf) = vpow2.f32 v24;
	v24 =	vpop (erf)  }
0x1f4: {  	v18 =	vadd.f32 v18, v35;
	v26 =	vmul.f32 $1.442695020e+00, v26;
	(erf) = vpow2.f32 v14;
	v14 =	vpop (erf)  }
0x1f5: {  	v8 =	vadd.f32 v8, v32;
	v25 =	vadd.f32 v27, v25;
	(erf) = vpow2.f32 v11;
	v11 =	vpop (erf)  }
0x1f6: {  	v15 =	vadd.f32 v15, v34;
	v23 =	vmul.f32 $1.442695020e+00, v23;
	(erf) = vpow2.f32 v26;
	v31 =	vpop (erf)  }
0x1f7: {  	v8 =	vadd.f32 v21, v8;
	v26 =	vmul.f32 $1.442695020e+00, v30;
	(erf) = vpow2.f32 v13;
	v13 =	vpop (erf)  }
0x1f8: {  	v10 =	vadd.f32 v10, v18;
	v15 =	vadd.f32 v17, v15;
	v30 =	vmul.f32 $1.442695020e+00, v54;
	v18 =	vpop (erf)  }
0x1f9: {  	v8 =	vadd.f32 v19, v8;
	v19 =	vadd.f32 v22, v25;
	(erf) = vpow2.f32 v26;
	v21 =	vpop (erf)  }
0x1fa: {  	v10 =	vadd.f32 v16, v10;
	(erf) = vpow2.f32 v30;
	v17 =	vpop (erf)  }
0x1fb: {  	v29 =	vmul.f32 $1.442695020e+00, v29;
	v12 =	vadd.f32 v12, v19;
	(erf) = vpow2.f32 v23;
	v16 =	vpop (erf)  }
0x1fc: {  	v9 =	vadd.f32 v9, v15;
	v10 =	vadd.f32 v20, v10;
	v15 =	vpop (erf)  }
0x1fd: {  	v8 =	vadd.f32 v24, v8;
	v12 =	vadd.f32 v31, v12;
	(erf) = vpow2.f32 v29;
	v20 =	vpop (erf)  }
0x1fe: {  	v10 =	vadd.f32 v28, v10;
	v9 =	vadd.f32 v11, v9;
	v11 =	vpop (erf)  }
0x1ff: {  	v8 =	vadd.f32 v36, v8;
	v12 =	vadd.f32 v18, v12;
	v19 =	vpop (erf)  }
0x200: {  	v9 =	vadd.f32 v16, v9;
	v10 =	vadd.f32 v20, v10;
	v16 =	vpop (erf)  }
0x201: {  	v8 =	vadd.f32 v16, v8  }
0x202: {  	v9 =	vadd.f32 v13, v9;
	v10 =	vadd.f32 v17, v10;
	v13 =	vpop (erf)  }
0x203: {  	v16 =	vpop (erf);
	v8 =	vadd.f32 v11, v8  }
0x204: {  	v10 =	vadd.f32 v19, v10;
	v11 =	vadd.f32 v15, v12;
	v12 =	vpop (erf)  }
0x205: {  	v9 =	vadd.f32 v14, v9;
	v8 =	vadd.f32 v12, v8  }
0x206: {  	v10 =	vadd.f32 v13, v10;
	v14 =	vpop (erf);
	v11 =	vadd.f32 v16, v11  }
0x207: {  	v9 =	vadd.f32 v14, v9;
	v8 =	vadd.f32 v21, v8;
	_ =	sdelay $0x1  }
0x208: {  	v9 =	vadd.f32 v11, v9;
	v8 =	vadd.f32 v8, v10;
	_ =	sdelay $0x1  }
0x209: {  	s19 =	sor.u32 $0x180, s16;
	v8 =	vadd.f32 v9, v8  }
0x20a: {  	s17 =	sand.u32 $0x3FFFFF80, s19  }
0x20b: {  	[tilespmem:s17+$0x10280] =	vst v8  }
0x20c: {  	s20 =	simm.s32 $0x0;
	v8 =	vld [tilespmem:s11+$0x103]  }
0x20d: {  	v9 =	vld [tilespmem:s20+$0x4E0]  }
0x20e: {  	v10 =	vld [tilespmem:s20+$0x4B0]  }
0x20f: {  	v11 =	vld [tilespmem:s20+$0x8A0]  }
0x210: {  	v12 =	vld [tilespmem:s20+$0x4A0]  }
0x211: {  	v13 =	vld [tilespmem:s20+$0x4D0];
	(v2sf) =	vpush v8, $0x0  }
0x212: {  	v14 =	vld [tilespmem:s20+$0x4F0]  }
0x213: {  	v15 =	vld [tilespmem:s20+$0x8D0]  }
0x214: {  	v16 =	vld [tilespmem:s20+$0x480]  }
0x215: {  	v17 =	vld [tilespmem:s20+$0x490]  }
0x216: {  	v18 =	vld [tilespmem:s20+$0x4C0]  }
0x217: {  	v19 =	vld [tilespmem:s20+$0x8B0]  }
0x218: {  	v20 =	vld [tilespmem:s20+$0x880]  }
0x219: {  	v21 =	vld [tilespmem:s20+$0x8E0];
	v11 =	vmul.f32 $1.442695020e+00, v11  }
0x21a: {  	v22 =	vld [tilespmem:s20+$0x890];
	v10 =	vmul.f32 $1.442695020e+00, v10;
	v9 =	vmul.f32 $1.442695020e+00, v9  }
0x21b: {  	v23 =	vld [tilespmem:s20+$0x8C0];
	v14 =	vmul.f32 $1.442695020e+00, v14;
	v15 =	vmul.f32 $1.442695020e+00, v15  }
0x21c: {  	s21 =	simm.s32 $0x800;
	v24 =	vld [tilespmem:s20+$0x8F0];
	v16 =	vmul.f32 $1.442695020e+00, v16;
	v17 =	vmul.f32 $1.442695020e+00, v17  }
0x21d: {  	v25 =	vld [tilespmem:s21+$0x4E0];
	v18 =	vmul.f32 $1.442695020e+00, v18;
	v19 =	vmul.f32 $1.442695020e+00, v19  }
0x21e: {  	v26 =	vld [tilespmem:s21+$0x4B0];
	v13 =	vmul.f32 $1.442695020e+00, v13;
	v21 =	vmul.f32 $1.442695020e+00, v21  }
0x21f: {  	v27 =	vld [tilespmem:s21+$0x4A0];
	v20 =	vmul.f32 $1.442695020e+00, v20;
	(erf) = vpow2.f32 v11  }
0x220: {  	v23 =	vmul.f32 $1.442695020e+00, v23;
	v11 =	vld [tilespmem:s21+$0x8A0];
	(erf) = vpow2.f32 v10;
	s17 =	spop (v2sf)  }
0x221: {  	v24 =	vmul.f32 $1.442695020e+00, v24;
	v10 =	vld [tilespmem:s21+$0x4D0];
	(erf) = vpow2.f32 v9;
	s18 =	sshra.s32 s17, $0x1F  }
0x222: {  	v22 =	vmul.f32 $1.442695020e+00, v22;
	v9 =	vld [tilespmem:s21+$0x4F0];
	(erf) = vpow2.f32 v14;
	s18 =	sshrl.u32 s18, $0x1C  }
0x223: {  	v12 =	vmul.f32 $1.442695020e+00, v12;
	v14 =	vld [tilespmem:s21+$0x8D0];
	(erf) = vpow2.f32 v15;
	s18 =	sadd.s32 s18, s17  }
0x224: {  	v25 =	vmul.f32 $1.442695020e+00, v25;
	v15 =	vld [tilespmem:s21+$0x480];
	(erf) = vpow2.f32 v18;
	s19 =	sand.u32 $0xFFFFFFF0, s18  }
0x225: {  	v28 =	vmul.f32 $1.442695020e+00, v11;
	v11 =	vld [tilespmem:s21+$0x490];
	(erf) = vpow2.f32 v12;
	p0 =	slt.s32 s17, $0x1;
	p1 =	sne.s32 s17, s19  }
0x226: {  	v27 =	vmul.f32 $1.442695020e+00, v27;
	v12 =	vld [tilespmem:s21+$0x4C0];
	(erf) = vpow2.f32 v19;
	p0 =	por !p0, !p1  }
0x227: {  	v19 =	vmul.f32 $1.442695020e+00, v9;
	v9 =	vld [tilespmem:s21+$0x8B0];
	(erf) = vpow2.f32 v16;
	s19 =	simm.s32 $0x1;
	p0 =	por !p0, !p0  }
0x228: {  	v18 =	vmul.f32 $1.442695020e+00, v26;
	v16 =	vld [tilespmem:s21+$0x880];
	(erf) = vpow2.f32 v13;
	s18 =	sshra.s32 s18, $0x4;
	s19 =	simm.s32 @!p0 $0x0  }
0x229: {  	v58 =	vmul.f32 $1.442695020e+00, v10;
	v29 =	vpop (erf);
	v13 =	vld [tilespmem:s21+$0x8E0];
	(erf) = vpow2.f32 v20;
	s18 =	ssub.s32 s18, s19  }
0x22a: {  	v14 =	vmul.f32 $1.442695020e+00, v14;
	v26 =	vpop (erf);
	v20 =	vld [tilespmem:s21+$0x890];
	(erf) = vpow2.f32 v17;
	s19 =	sshll.u32 s18, $0x4;
	s18 =	sshll.u32 s18, $0x7  }
0x22b: {  	v30 =	vpop (erf);
	v55 =	vmul.f32 $1.442695020e+00, v12;
	v12 =	vld [tilespmem:s21+$0x8C0];
	(erf) = vpow2.f32 v23;
	s19 =	sand.u32 $0x70, s19;
	s18 =	sand.u32 $0xFFFFFC00, s18  }
0x22c: {  	v15 =	vmul.f32 $1.442695020e+00, v15;
	v17 =	vpop (erf);
	v23 =	vld [tilespmem:s21+$0x8F0];
	(erf) = vpow2.f32 v24;
	s18 =	sor.u32 s19, s18  }
0x22d: {  	v56 =	vmul.f32 $1.442695020e+00, v9;
	v9 =	vpop (erf);
	(erf) = vpow2.f32 v22;
	v8 =	vld [tilespmem:s18+$0x400];
	s18 =	simm.s32 $0x1000  }
0x22e: {  	v31 =	vmul.f32 $1.442695020e+00, v11;
	v24 =	vimm.f32 $0.0e+00;
	v10 =	vpop (erf);
	(erf) = vpow2.f32 v28;
	v57 =	vld [tilespmem:s18+$0x4E0]  }
0x22f: {  	v22 =	vadd.f32 v26, v24;
	v11 =	vmul.f32 $1.442695020e+00, v13;
	v13 =	vpop (erf);
	(erf) = vpow2.f32 v21;
	v26 =	vld [tilespmem:s18+$0x4B0]  }
0x230: {  	v59 =	vmul.f32 $1.442695020e+00, v16;
	v38 =	vpop (erf);
	(erf) = vpow2.f32 v18;
	v28 =	vld [tilespmem:s18+$0x8A0]  }
0x231: {  	v37 =	vadd.f32 v13, v24;
	v39 =	vmul.f32 $1.442695020e+00, v12;
	v16 =	vpop (erf);
	(erf) = vpow2.f32 v25;
	v13 =	vld [tilespmem:s18+$0x4A0]  }
0x232: {  	v18 =	vadd.f32 v17, v22;
	v17 =	vmul.f32 $1.442695020e+00, v23;
	v40 =	vpop (erf);
	(erf) = vpow2.f32 v19;
	v22 =	vld [tilespmem:s18+$0x4F0]  }
0x233: {  	v21 =	vadd.f32 v16, v24;
	v16 =	vmul.f32 $1.442695020e+00, v20;
	v60 =	vpop (erf);
	(erf) = vpow2.f32 v14;
	v25 =	vld [tilespmem:s18+$0x8D0]  }
0x234: {  	v18 =	vadd.f32 v38, v18;
	v14 =	vadd.f32 v30, v37;
	v30 =	vpop (erf);
	(erf) = vpow2.f32 v55;
	v41 =	vld [tilespmem:s18+$0x490]  }
0x235: {  	v19 =	vpop (erf);
	v24 =	vadd.f32 v30, v24;
	(erf) = vpow2.f32 v27;
	v61 =	vld [tilespmem:s18+$0x480];
	v23 =	vmul.f32 $1.442695020e+00, v28  }
0x236: {  	v12 =	vld [tilespmem:s18+$0x4D0];
	v28 =	vadd.f32 v10, v21;
	v20 =	vmul.f32 $1.442695020e+00, v26;
	v10 =	vpop (erf);
	v21 =	vmul.f32 $1.442695020e+00, v57  }
0x237: {  	v43 =	vadd.f32 v29, v14;
	v42 =	vld [tilespmem:s18+$0x4C0];
	(erf) = vpow2.f32 v56;
	v22 =	vmul.f32 $1.442695020e+00, v22;
	v62 =	vpop (erf)  }
0x238: {  	v34 =	vld [tilespmem:s18+$0x8B0];
	v25 =	vmul.f32 $1.442695020e+00, v25;
	v26 =	vadd.f32 v10, v18;
	(erf) = vpow2.f32 v15;
	v10 =	vpop (erf)  }
0x239: {  	v29 =	vadd.f32 v40, v24;
	v27 =	vld [tilespmem:s18+$0x880];
	v14 =	vmul.f32 $1.442695020e+00, v41;
	(erf) = vpow2.f32 v58;
	v63 =	vpop (erf)  }
0x23a: {  	v30 =	vld [tilespmem:s18+$0x8E0];
	v15 =	vmul.f32 $1.442695020e+00, v61;
	v32 =	vpop (erf);
	(erf) = vpow2.f32 v59  }
0x23b: {  	v24 =	vld [tilespmem:s18+$0x890];
	v36 =	vadd.f32 v60, v28;
	v33 =	vadd.f32 v62, v29;
	(erf) = vpow2.f32 v31;
	v18 =	vpop (erf)  }
0x23c: {  	s19 =	simm.s32 $0x6000;
	v29 =	vmul.f32 $1.442695020e+00, v42;
	v35 =	vadd.f32 v63, v43;
	v31 =	vld [tilespmem:s18+$0x8C0];
	v28 =	vpop (erf);
	(erf) = vpow2.f32 v39  }
.LBB2_11:
0x23d: {  	v34 =	vmul.f32 $1.442695020e+00, v34;
	(erf) = vpow2.f32 v17;
	v19 =	vadd.f32 v19, v36  }
0x23e: {  	p0 =	sne.s32 s19, $0x3E000;
	v37 =	vld [tilespmem:s18+$0x8F0];
	s18 =	sshra.s32 s19, $0x2;
	s19 =	sadd.s32 $0x2000, s19;
	v17 =	vmov v9;
	v9 =	vpop (erf);
	v36 =	vmov v11;
	v38 =	vmov v13  }
0x23f: {  	v40 =	vmul.f32 $1.442695020e+00, v12;
	v12 =	vadd.f32 v32, v26;
	v39 =	vld [tilespmem:s18+$0x4E0];
	v26 =	vpop (erf);
	(erf) = vpow2.f32 v16  }
0x240: {  	v32 =	vld [tilespmem:s18+$0x4B0];
	v11 =	vmul.f32 $1.442695020e+00, v30;
	(erf) = vpow2.f32 v23;
	v13 =	vpop (erf);
	v30 =	vadd.f32 v17, v33  }
0x241: {  	v33 =	vmul.f32 $1.442695020e+00, v27;
	v23 =	vld [tilespmem:s18+$0x8A0];
	v27 =	vadd.f32 v13, v35;
	v35 =	vpop (erf);
	(erf) = vpow2.f32 v36  }
0x242: {  	v13 =	vld [tilespmem:s18+$0x4A0];
	v41 =	vmul.f32 $1.442695020e+00, v31;
	(erf) = vpow2.f32 v20;
	v20 =	vadd.f32 v28, v12;
	v16 =	vpop (erf)  }
0x243: {  	v12 =	vld [tilespmem:s18+$0x4D0];
	v17 =	vmul.f32 $1.442695020e+00, v37;
	(erf) = vpow2.f32 v21;
	v37 =	vadd.f32 v16, v19;
	v28 =	vpop (erf)  }
0x244: {  	v16 =	vmul.f32 $1.442695020e+00, v24;
	v31 =	vld [tilespmem:s18+$0x4F0];
	(erf) = vpow2.f32 v22;
	v22 =	vadd.f32 v35, v20;
	v24 =	vpop (erf)  }
0x245: {  	v21 =	vmul.f32 $1.442695020e+00, v38;
	v18 =	vadd.f32 v18, v27;
	v35 =	vld [tilespmem:s18+$0x8D0];
	(erf) = vpow2.f32 v25;
	v25 =	vpop (erf)  }
0x246: {  	v36 =	vld [tilespmem:s18+$0x480];
	v23 =	vmul.f32 $1.442695020e+00, v23;
	(erf) = vpow2.f32 v29;
	v29 =	vadd.f32 v26, v37;
	v19 =	vpop (erf)  }
0x247: {  	v20 =	vmul.f32 $1.442695020e+00, v32;
	v30 =	vadd.f32 v25, v30;
	v37 =	vld [tilespmem:s18+$0x490];
	(erf) = vpow2.f32 v21;
	v25 =	vpop (erf)  }
0x248: {  	v21 =	vmul.f32 $1.442695020e+00, v39;
	v38 =	vld [tilespmem:s18+$0x4C0];
	(erf) = vpow2.f32 v34;
	v26 =	vadd.f32 v25, v22;
	v39 =	vpop (erf)  }
.Ltmp4:
0x249: {  	v42 =	vadd.f32 v10, v18;
	v22 =	vmul.f32 $1.442695020e+00, v31;
	v34 =	vld [tilespmem:s18+$0x8B0];
	(erf) = vpow2.f32 v15;
	v10 =	vpop (erf);
	(pc) =	sbr.rel @p0 .LBB2_11-.Ltmp4, $4  }
0x24a: {  	v27 =	vld [tilespmem:s18+$0x880];
	v25 =	vmul.f32 $1.442695020e+00, v35;
	(erf) = vpow2.f32 v40;
	v40 =	vadd.f32 v28, v30;
	v35 =	vpop (erf)  }
0x24b: {  	v15 =	vmul.f32 $1.442695020e+00, v36;
	v30 =	vld [tilespmem:s18+$0x8E0];
	v32 =	vpop (erf);
	(erf) = vpow2.f32 v33;
	v36 =	vadd.f32 v24, v29  }
0x24c: {  	v24 =	vld [tilespmem:s18+$0x890];
	(erf) = vpow2.f32 v14;
	v14 =	vmul.f32 $1.442695020e+00, v37;
	v18 =	vpop (erf);
	v33 =	vadd.f32 v39, v40  }
0x24d: {  	v35 =	vadd.f32 v35, v42;
	v29 =	vmul.f32 $1.442695020e+00, v38;
	v31 =	vld [tilespmem:s18+$0x8C0];
	v28 =	vpop (erf);
	(erf) = vpow2.f32 v41  }
0x24e: {  	v37 =	vpop (erf);
	(erf) = vpow2.f32 v17  }
0x24f: {  	v17 =	vpop (erf);
	(erf) = vpow2.f32 v16  }
0x250: {  	(erf) = vpow2.f32 v23  }
0x251: {  	v16 =	vpop (erf);
	(erf) = vpow2.f32 v11  }
0x252: {  	v23 =	vpop (erf);
	(erf) = vpow2.f32 v20  }
0x253: {  	v11 =	vpop (erf);
	(erf) = vpow2.f32 v21  }
0x254: {  	v13 =	vmul.f32 $1.442695020e+00, v13;
	v20 =	vpop (erf);
	(erf) = vpow2.f32 v22  }
0x255: {  	v21 =	vpop (erf);
	(erf) = vpow2.f32 v25;
	v25 =	vmul.f32 $1.442695020e+00, v34  }
0x256: {  	v22 =	vpop (erf)  }
0x257: {  	v12 =	vmul.f32 $1.442695020e+00, v12;
	(erf) = vpow2.f32 v29;
	v29 =	vpop (erf)  }
0x258: {  	(erf) = vpow2.f32 v13;
	v13 =	vpop (erf)  }
0x259: {  	v52 =	vld [tilespmem:s18+$0x8F0];
	v26 =	vadd.f32 v32, v26;
	(erf) = vpow2.f32 v25;
	v25 =	vpop (erf)  }
0x25a: {  	v19 =	vadd.f32 v19, v36;
	v27 =	vmul.f32 $1.442695020e+00, v27;
	(erf) = vpow2.f32 v15;
	v15 =	vpop (erf)  }
0x25b: {  	v9 =	vadd.f32 v9, v33;
	v26 =	vadd.f32 v28, v26;
	(erf) = vpow2.f32 v12;
	v12 =	vpop (erf)  }
0x25c: {  	v16 =	vadd.f32 v16, v35;
	v24 =	vmul.f32 $1.442695020e+00, v24;
	(erf) = vpow2.f32 v27;
	v53 =	vpop (erf)  }
0x25d: {  	v9 =	vadd.f32 v22, v9;
	v27 =	vmul.f32 $1.442695020e+00, v31;
	(erf) = vpow2.f32 v14;
	v14 =	vpop (erf)  }
0x25e: {  	v11 =	vadd.f32 v11, v19;
	v16 =	vadd.f32 v18, v16;
	v31 =	vmul.f32 $1.442695020e+00, v52;
	v19 =	vpop (erf)  }
0x25f: {  	v9 =	vadd.f32 v20, v9;
	v20 =	vadd.f32 v23, v26;
	(erf) = vpow2.f32 v27;
	v22 =	vpop (erf)  }
0x260: {  	v11 =	vadd.f32 v17, v11;
	(erf) = vpow2.f32 v31;
	v18 =	vpop (erf)  }
0x261: {  	v30 =	vmul.f32 $1.442695020e+00, v30;
	v13 =	vadd.f32 v13, v20;
	(erf) = vpow2.f32 v24;
	v17 =	vpop (erf)  }
0x262: {  	v10 =	vadd.f32 v10, v16;
	v11 =	vadd.f32 v21, v11;
	v16 =	vpop (erf)  }
0x263: {  	v9 =	vadd.f32 v25, v9;
	v13 =	vadd.f32 v53, v13;
	(erf) = vpow2.f32 v30;
	v21 =	vpop (erf)  }
0x264: {  	v11 =	vadd.f32 v29, v11;
	v10 =	vadd.f32 v12, v10;
	v12 =	vpop (erf)  }
0x265: {  	v9 =	vadd.f32 v37, v9;
	v13 =	vadd.f32 v19, v13;
	v20 =	vpop (erf)  }
0x266: {  	v10 =	vadd.f32 v17, v10;
	v11 =	vadd.f32 v21, v11;
	v17 =	vpop (erf)  }
0x267: {  	v9 =	vadd.f32 v17, v9  }
0x268: {  	v10 =	vadd.f32 v14, v10;
	v11 =	vadd.f32 v18, v11;
	v14 =	vpop (erf)  }
0x269: {  	v17 =	vpop (erf);
	v9 =	vadd.f32 v12, v9  }
0x26a: {  	v11 =	vadd.f32 v20, v11;
	v12 =	vadd.f32 v16, v13;
	v13 =	vpop (erf)  }
0x26b: {  	v10 =	vadd.f32 v15, v10;
	v9 =	vadd.f32 v13, v9  }
0x26c: {  	v11 =	vadd.f32 v14, v11;
	v15 =	vpop (erf);
	v12 =	vadd.f32 v17, v12  }
0x26d: {  	v10 =	vadd.f32 v15, v10;
	v9 =	vadd.f32 v22, v9;
	_ =	sdelay $0x1  }
0x26e: {  	v10 =	vadd.f32 v12, v10;
	v9 =	vadd.f32 v9, v11;
	_ =	sdelay $0x1  }
0x26f: {  	s19 =	sor.u32 $0x200, s16;
	v9 =	vadd.f32 v10, v9  }
0x270: {  	s18 =	sand.u32 $0x3FFFFF80, s19  }
0x271: {  	[tilespmem:s18+$0x10280] =	vst v9  }
0x272: {  	v9 =	vld [tilespmem:s11+$0x104];
	_ =	sdelay $0x4  }
0x273: {  	(v2sf) =	vpush v9, $0x0;
	_ =	sdelay $0xe  }
0x274: {  	s18 =	spop (v2sf)  }
0x275: {  	s19 =	sshra.s32 s18, $0x1F  }
0x276: {  	s19 =	sshrl.u32 s19, $0x1C  }
0x277: {  	s19 =	sadd.s32 s19, s18  }
0x278: {  	s20 =	sand.u32 $0xFFFFFFF0, s19  }
0x279: {  	p0 =	slt.s32 s18, $0x1;
	p1 =	sne.s32 s18, s20  }
0x27a: {  	p0 =	por !p0, !p1  }
0x27b: {  	s20 =	simm.s32 $0x1;
	p0 =	por !p0, !p0  }
0x27c: {  	s19 =	sshra.s32 s19, $0x4;
	s20 =	simm.s32 @!p0 $0x0  }
0x27d: {  	s21 =	simm.s32 $0x800;
	s19 =	ssub.s32 s19, s20  }
0x27e: {  	v26 =	vld [tilespmem:s21+$0x560];
	s20 =	sshll.u32 s19, $0x4;
	s19 =	sshll.u32 s19, $0x7  }
0x27f: {  	v27 =	vld [tilespmem:s21+$0x530];
	s20 =	sand.u32 $0x70, s20;
	s19 =	sand.u32 $0xFFFFFC00, s19  }
0x280: {  	v28 =	vld [tilespmem:s21+$0x520];
	s19 =	sor.u32 s20, s19  }
0x281: {  	s20 =	simm.s32 $0x0;
	v9 =	vld [tilespmem:s19+$0x480]  }
0x282: {  	v10 =	vld [tilespmem:s20+$0x560]  }
0x283: {  	v11 =	vld [tilespmem:s20+$0x530]  }
0x284: {  	v12 =	vld [tilespmem:s20+$0x920]  }
0x285: {  	v14 =	vld [tilespmem:s20+$0x550]  }
0x286: {  	v15 =	vld [tilespmem:s20+$0x570]  }
0x287: {  	v16 =	vld [tilespmem:s20+$0x950]  }
0x288: {  	v17 =	vld [tilespmem:s20+$0x500]  }
0x289: {  	v18 =	vld [tilespmem:s20+$0x510]  }
0x28a: {  	v19 =	vld [tilespmem:s20+$0x540]  }
0x28b: {  	v26 =	vmul.f32 $1.442695020e+00, v26;
	v28 =	vmul.f32 $1.442695020e+00, v28;
	v20 =	vld [tilespmem:s20+$0x930]  }
0x28c: {  	v22 =	vld [tilespmem:s20+$0x960];
	v12 =	vmul.f32 $1.442695020e+00, v12;
	v11 =	vmul.f32 $1.442695020e+00, v11  }
0x28d: {  	v21 =	vld [tilespmem:s20+$0x900];
	v10 =	vmul.f32 $1.442695020e+00, v10;
	v15 =	vmul.f32 $1.442695020e+00, v15  }
0x28e: {  	v24 =	vld [tilespmem:s20+$0x940];
	v16 =	vmul.f32 $1.442695020e+00, v16;
	v17 =	vmul.f32 $1.442695020e+00, v17  }
0x28f: {  	v25 =	vld [tilespmem:s20+$0x970];
	v18 =	vmul.f32 $1.442695020e+00, v18;
	v19 =	vmul.f32 $1.442695020e+00, v19  }
0x290: {  	v13 =	vld [tilespmem:s20+$0x520];
	v20 =	vmul.f32 $1.442695020e+00, v20;
	v14 =	vmul.f32 $1.442695020e+00, v14  }
0x291: {  	v23 =	vld [tilespmem:s20+$0x910];
	v22 =	vmul.f32 $1.442695020e+00, v22;
	(erf) = vpow2.f32 v12  }
0x292: {  	s19 =	simm.s32 $0x1000;
	v21 =	vmul.f32 $1.442695020e+00, v21;
	v12 =	vld [tilespmem:s21+$0x920];
	(erf) = vpow2.f32 v11  }
0x293: {  	v57 =	vld [tilespmem:s19+$0x560];
	v24 =	vmul.f32 $1.442695020e+00, v24;
	(erf) = vpow2.f32 v10  }
0x294: {  	v25 =	vmul.f32 $1.442695020e+00, v25;
	v10 =	vld [tilespmem:s21+$0x570];
	(erf) = vpow2.f32 v15  }
0x295: {  	v13 =	vmul.f32 $1.442695020e+00, v13;
	v11 =	vld [tilespmem:s21+$0x550];
	(erf) = vpow2.f32 v16  }
0x296: {  	v23 =	vmul.f32 $1.442695020e+00, v23;
	v15 =	vld [tilespmem:s21+$0x950];
	(erf) = vpow2.f32 v19  }
0x297: {  	v16 =	vld [tilespmem:s21+$0x500];
	v29 =	vmul.f32 $1.442695020e+00, v12;
	(erf) = vpow2.f32 v13  }
0x298: {  	v19 =	vmul.f32 $1.442695020e+00, v27;
	v13 =	vld [tilespmem:s21+$0x540];
	(erf) = vpow2.f32 v20  }
0x299: {  	v20 =	vmul.f32 $1.442695020e+00, v10;
	v10 =	vld [tilespmem:s21+$0x930];
	(erf) = vpow2.f32 v17  }
0x29a: {  	v12 =	vld [tilespmem:s21+$0x510];
	v58 =	vmul.f32 $1.442695020e+00, v11;
	v30 =	vpop (erf);
	(erf) = vpow2.f32 v14  }
0x29b: {  	v15 =	vmul.f32 $1.442695020e+00, v15;
	v14 =	vld [tilespmem:s21+$0x960];
	v27 =	vpop (erf);
	(erf) = vpow2.f32 v21  }
0x29c: {  	v17 =	vld [tilespmem:s21+$0x900];
	v16 =	vmul.f32 $1.442695020e+00, v16;
	(erf) = vpow2.f32 v18;
	v31 =	vpop (erf)  }
0x29d: {  	v55 =	vmul.f32 $1.442695020e+00, v13;
	v13 =	vld [tilespmem:s21+$0x940];
	v18 =	vpop (erf);
	(erf) = vpow2.f32 v24  }
0x29e: {  	v56 =	vmul.f32 $1.442695020e+00, v10;
	v24 =	vld [tilespmem:s21+$0x970];
	v10 =	vpop (erf);
	(erf) = vpow2.f32 v25  }
0x29f: {  	v54 =	vmul.f32 $1.442695020e+00, v12;
	v21 =	vld [tilespmem:s21+$0x910];
	v25 =	vimm.f32 $0.0e+00;
	v11 =	vpop (erf);
	(erf) = vpow2.f32 v23  }
0x2a0: {  	v23 =	vadd.f32 v27, v25;
	v27 =	vld [tilespmem:s19+$0x530];
	v12 =	vmul.f32 $1.442695020e+00, v14;
	(erf) = vpow2.f32 v29;
	v14 =	vpop (erf)  }
0x2a1: {  	v59 =	vmul.f32 $1.442695020e+00, v17;
	v29 =	vld [tilespmem:s19+$0x920];
	v39 =	vpop (erf);
	(erf) = vpow2.f32 v22  }
0x2a2: {  	v61 =	vld [tilespmem:s19+$0x500];
	v38 =	vadd.f32 v14, v25;
	v40 =	vmul.f32 $1.442695020e+00, v13;
	(erf) = vpow2.f32 v19;
	v17 =	vpop (erf)  }
0x2a3: {  	v19 =	vadd.f32 v18, v23;
	v18 =	vmul.f32 $1.442695020e+00, v24;
	v23 =	vld [tilespmem:s19+$0x570];
	(erf) = vpow2.f32 v26;
	v41 =	vpop (erf)  }
0x2a4: {  	v42 =	vld [tilespmem:s19+$0x510];
	v22 =	vadd.f32 v17, v25;
	v17 =	vmul.f32 $1.442695020e+00, v21;
	(erf) = vpow2.f32 v20;
	v60 =	vpop (erf)  }
0x2a5: {  	v43 =	vld [tilespmem:s19+$0x540];
	v21 =	vmul.f32 $1.442695020e+00, v27;
	(erf) = vpow2.f32 v15;
	v15 =	vadd.f32 v31, v38;
	v31 =	vpop (erf)  }
0x2a6: {  	v26 =	vld [tilespmem:s19+$0x950];
	v19 =	vadd.f32 v39, v19;
	v24 =	vmul.f32 $1.442695020e+00, v29;
	(erf) = vpow2.f32 v55;
	v20 =	vpop (erf)  }
0x2a7: {  	v35 =	vld [tilespmem:s19+$0x930];
	v29 =	vadd.f32 v11, v22;
	v22 =	vmul.f32 $1.442695020e+00, v57;
	(erf) = vpow2.f32 v28;
	v11 =	vpop (erf)  }
0x2a8: {  	v32 =	vld [tilespmem:s19+$0x940];
	v25 =	vadd.f32 v31, v25;
	v23 =	vmul.f32 $1.442695020e+00, v23;
	(erf) = vpow2.f32 v56;
	v62 =	vpop (erf)  }
0x2a9: {  	v14 =	vld [tilespmem:s19+$0x520];
	v44 =	vadd.f32 v30, v15;
	v27 =	vadd.f32 v11, v19;
	(erf) = vpow2.f32 v16;
	v11 =	vpop (erf)  }
0x2aa: {  	v13 =	vld [tilespmem:s19+$0x550];
	v15 =	vmul.f32 $1.442695020e+00, v42;
	v30 =	vadd.f32 v41, v25;
	(erf) = vpow2.f32 v58;
	v63 =	vpop (erf)  }
0x2ab: {  	v31 =	vld [tilespmem:s19+$0x960];
	v37 =	vadd.f32 v60, v29;
	v26 =	vmul.f32 $1.442695020e+00, v26;
	v33 =	vpop (erf);
	(erf) = vpow2.f32 v59  }
0x2ac: {  	v28 =	vld [tilespmem:s19+$0x900];
	v16 =	vmul.f32 $1.442695020e+00, v61;
	v34 =	vadd.f32 v62, v30;
	(erf) = vpow2.f32 v54;
	v19 =	vpop (erf)  }
0x2ad: {  	s20 =	simm.s32 $0x6000;
	v25 =	vld [tilespmem:s19+$0x910];
	v30 =	vmul.f32 $1.442695020e+00, v43;
	v36 =	vadd.f32 v63, v44;
	v29 =	vpop (erf);
	(erf) = vpow2.f32 v40  }
.LBB2_13:
0x2ae: {  	v35 =	vmul.f32 $1.442695020e+00, v35;
	(erf) = vpow2.f32 v18;
	v20 =	vadd.f32 v20, v37  }
0x2af: {  	p0 =	sne.s32 s20, $0x3E000;
	v38 =	vld [tilespmem:s19+$0x970];
	s19 =	sshra.s32 s20, $0x2;
	s20 =	sadd.s32 $0x2000, s20;
	v18 =	vmov v10;
	v10 =	vpop (erf);
	v37 =	vmov v12;
	v39 =	vmov v14  }
0x2b0: {  	v41 =	vmul.f32 $1.442695020e+00, v13;
	v13 =	vadd.f32 v33, v27;
	v40 =	vld [tilespmem:s19+$0x560];
	v27 =	vpop (erf);
	(erf) = vpow2.f32 v17  }
0x2b1: {  	v33 =	vld [tilespmem:s19+$0x530];
	v12 =	vmul.f32 $1.442695020e+00, v31;
	(erf) = vpow2.f32 v24;
	v14 =	vpop (erf);
	v31 =	vadd.f32 v18, v34  }
0x2b2: {  	v34 =	vmul.f32 $1.442695020e+00, v28;
	v24 =	vld [tilespmem:s19+$0x920];
	v28 =	vadd.f32 v14, v36;
	v36 =	vpop (erf);
	(erf) = vpow2.f32 v37  }
0x2b3: {  	v14 =	vld [tilespmem:s19+$0x520];
	v42 =	vmul.f32 $1.442695020e+00, v32;
	(erf) = vpow2.f32 v21;
	v21 =	vadd.f32 v29, v13;
	v17 =	vpop (erf)  }
0x2b4: {  	v13 =	vld [tilespmem:s19+$0x550];
	v18 =	vmul.f32 $1.442695020e+00, v38;
	(erf) = vpow2.f32 v22;
	v38 =	vadd.f32 v17, v20;
	v29 =	vpop (erf)  }
0x2b5: {  	v17 =	vmul.f32 $1.442695020e+00, v25;
	v32 =	vld [tilespmem:s19+$0x570];
	(erf) = vpow2.f32 v23;
	v23 =	vadd.f32 v36, v21;
	v25 =	vpop (erf)  }
0x2b6: {  	v22 =	vmul.f32 $1.442695020e+00, v39;
	v19 =	vadd.f32 v19, v28;
	v36 =	vld [tilespmem:s19+$0x950];
	(erf) = vpow2.f32 v26;
	v26 =	vpop (erf)  }
0x2b7: {  	v37 =	vld [tilespmem:s19+$0x500];
	v24 =	vmul.f32 $1.442695020e+00, v24;
	(erf) = vpow2.f32 v30;
	v30 =	vadd.f32 v27, v38;
	v20 =	vpop (erf)  }
0x2b8: {  	v21 =	vmul.f32 $1.442695020e+00, v33;
	v31 =	vadd.f32 v26, v31;
	v38 =	vld [tilespmem:s19+$0x510];
	(erf) = vpow2.f32 v22;
	v26 =	vpop (erf)  }
0x2b9: {  	v22 =	vmul.f32 $1.442695020e+00, v40;
	v39 =	vld [tilespmem:s19+$0x540];
	(erf) = vpow2.f32 v35;
	v27 =	vadd.f32 v26, v23;
	v40 =	vpop (erf)  }
.Ltmp5:
0x2ba: {  	v43 =	vadd.f32 v11, v19;
	v23 =	vmul.f32 $1.442695020e+00, v32;
	v35 =	vld [tilespmem:s19+$0x930];
	(erf) = vpow2.f32 v16;
	v11 =	vpop (erf);
	(pc) =	sbr.rel @p0 .LBB2_13-.Ltmp5, $4  }
0x2bb: {  	v28 =	vld [tilespmem:s19+$0x900];
	v26 =	vmul.f32 $1.442695020e+00, v36;
	(erf) = vpow2.f32 v41;
	v41 =	vadd.f32 v29, v31;
	v36 =	vpop (erf)  }
0x2bc: {  	v16 =	vmul.f32 $1.442695020e+00, v37;
	v31 =	vld [tilespmem:s19+$0x960];
	v33 =	vpop (erf);
	(erf) = vpow2.f32 v34;
	v37 =	vadd.f32 v25, v30  }
0x2bd: {  	v25 =	vld [tilespmem:s19+$0x910];
	(erf) = vpow2.f32 v15;
	v15 =	vmul.f32 $1.442695020e+00, v38;
	v19 =	vpop (erf);
	v34 =	vadd.f32 v40, v41  }
0x2be: {  	v36 =	vadd.f32 v36, v43;
	v30 =	vmul.f32 $1.442695020e+00, v39;
	v32 =	vld [tilespmem:s19+$0x940];
	v29 =	vpop (erf);
	(erf) = vpow2.f32 v42  }
0x2bf: {  	v38 =	vpop (erf);
	(erf) = vpow2.f32 v18  }
0x2c0: {  	v18 =	vpop (erf);
	(erf) = vpow2.f32 v17  }
0x2c1: {  	(erf) = vpow2.f32 v24  }
0x2c2: {  	v17 =	vpop (erf);
	(erf) = vpow2.f32 v12  }
0x2c3: {  	v24 =	vpop (erf);
	(erf) = vpow2.f32 v21  }
0x2c4: {  	v12 =	vpop (erf);
	(erf) = vpow2.f32 v22  }
0x2c5: {  	v14 =	vmul.f32 $1.442695020e+00, v14;
	v21 =	vpop (erf);
	(erf) = vpow2.f32 v23  }
0x2c6: {  	v22 =	vpop (erf);
	(erf) = vpow2.f32 v26;
	v26 =	vmul.f32 $1.442695020e+00, v35  }
0x2c7: {  	v23 =	vpop (erf)  }
0x2c8: {  	v13 =	vmul.f32 $1.442695020e+00, v13;
	(erf) = vpow2.f32 v30;
	v30 =	vpop (erf)  }
0x2c9: {  	(erf) = vpow2.f32 v14;
	v14 =	vpop (erf)  }
0x2ca: {  	v49 =	vld [tilespmem:s19+$0x970];
	v27 =	vadd.f32 v33, v27;
	(erf) = vpow2.f32 v26;
	v26 =	vpop (erf)  }
0x2cb: {  	v20 =	vadd.f32 v20, v37;
	v28 =	vmul.f32 $1.442695020e+00, v28;
	(erf) = vpow2.f32 v16;
	v16 =	vpop (erf)  }
0x2cc: {  	v10 =	vadd.f32 v10, v34;
	v27 =	vadd.f32 v29, v27;
	(erf) = vpow2.f32 v13;
	v13 =	vpop (erf)  }
0x2cd: {  	v17 =	vadd.f32 v17, v36;
	v25 =	vmul.f32 $1.442695020e+00, v25;
	(erf) = vpow2.f32 v28;
	v50 =	vpop (erf)  }
0x2ce: {  	v10 =	vadd.f32 v23, v10;
	v28 =	vmul.f32 $1.442695020e+00, v32;
	(erf) = vpow2.f32 v15;
	v15 =	vpop (erf)  }
0x2cf: {  	v51 =	vmul.f32 $1.442695020e+00, v49;
	v12 =	vadd.f32 v12, v20;
	v17 =	vadd.f32 v19, v17;
	v20 =	vpop (erf)  }
0x2d0: {  	v10 =	vadd.f32 v21, v10;
	v21 =	vadd.f32 v24, v27;
	(erf) = vpow2.f32 v28;
	v23 =	vpop (erf)  }
0x2d1: {  	v12 =	vadd.f32 v18, v12;
	(erf) = vpow2.f32 v51;
	v19 =	vpop (erf)  }
0x2d2: {  	v31 =	vmul.f32 $1.442695020e+00, v31;
	v14 =	vadd.f32 v14, v21;
	(erf) = vpow2.f32 v25;
	v18 =	vpop (erf)  }
0x2d3: {  	v11 =	vadd.f32 v11, v17;
	v12 =	vadd.f32 v22, v12;
	v17 =	vpop (erf)  }
0x2d4: {  	v10 =	vadd.f32 v26, v10;
	v14 =	vadd.f32 v50, v14;
	(erf) = vpow2.f32 v31;
	v22 =	vpop (erf)  }
0x2d5: {  	v12 =	vadd.f32 v30, v12;
	v11 =	vadd.f32 v13, v11;
	v13 =	vpop (erf)  }
0x2d6: {  	v10 =	vadd.f32 v38, v10;
	v14 =	vadd.f32 v20, v14;
	v21 =	vpop (erf)  }
0x2d7: {  	v11 =	vadd.f32 v18, v11;
	v12 =	vadd.f32 v22, v12;
	v18 =	vpop (erf)  }
0x2d8: {  	v10 =	vadd.f32 v18, v10  }
0x2d9: {  	v11 =	vadd.f32 v15, v11;
	v12 =	vadd.f32 v19, v12;
	v15 =	vpop (erf)  }
0x2da: {  	v18 =	vpop (erf);
	v10 =	vadd.f32 v13, v10  }
0x2db: {  	v12 =	vadd.f32 v21, v12;
	v13 =	vadd.f32 v17, v14;
	v14 =	vpop (erf)  }
0x2dc: {  	v11 =	vadd.f32 v16, v11;
	v10 =	vadd.f32 v14, v10  }
0x2dd: {  	v12 =	vadd.f32 v15, v12;
	v16 =	vpop (erf);
	v13 =	vadd.f32 v18, v13  }
0x2de: {  	v11 =	vadd.f32 v16, v11;
	v10 =	vadd.f32 v23, v10;
	_ =	sdelay $0x1  }
0x2df: {  	v11 =	vadd.f32 v13, v11;
	v10 =	vadd.f32 v10, v12;
	_ =	sdelay $0x1  }
0x2e0: {  	s21 =	sor.u32 $0x280, s16;
	v10 =	vadd.f32 v11, v10  }
0x2e1: {  	s19 =	sand.u32 $0x3FFFFF80, s21  }
0x2e2: {  	[tilespmem:s19+$0x10280] =	vst v10  }
0x2e3: {  	v10 =	vld [tilespmem:s11+$0x105];
	_ =	sdelay $0x4  }
0x2e4: {  	(v2sf) =	vpush v10, $0x0;
	_ =	sdelay $0xe  }
0x2e5: {  	s19 =	spop (v2sf)  }
0x2e6: {  	s20 =	sshra.s32 s19, $0x1F  }
0x2e7: {  	s20 =	sshrl.u32 s20, $0x1C  }
0x2e8: {  	s20 =	sadd.s32 s20, s19  }
0x2e9: {  	s21 =	sand.u32 $0xFFFFFFF0, s20  }
0x2ea: {  	p0 =	slt.s32 s19, $0x1;
	p1 =	sne.s32 s19, s21  }
0x2eb: {  	p0 =	por !p0, !p1  }
0x2ec: {  	s21 =	simm.s32 $0x1;
	p0 =	por !p0, !p0  }
0x2ed: {  	s20 =	sshra.s32 s20, $0x4;
	s21 =	simm.s32 @!p0 $0x0  }
0x2ee: {  	s20 =	ssub.s32 s20, s21  }
0x2ef: {  	s21 =	sshll.u32 s20, $0x4;
	s20 =	sshll.u32 s20, $0x7  }
0x2f0: {  	s21 =	sand.u32 $0x70, s21;
	s20 =	sand.u32 $0xFFFFFC00, s20  }
0x2f1: {  	s20 =	sor.u32 s21, s20  }
0x2f2: {  	s21 =	simm.s32 $0x800;
	v10 =	vld [tilespmem:s20+$0x500]  }
0x2f3: {  	v27 =	vld [tilespmem:s21+$0x5E0]  }
0x2f4: {  	v28 =	vld [tilespmem:s21+$0x5B0]  }
0x2f5: {  	s20 =	simm.s32 $0x0;
	v29 =	vld [tilespmem:s21+$0x5A0]  }
0x2f6: {  	v11 =	vld [tilespmem:s20+$0x5E0]  }
0x2f7: {  	v12 =	vld [tilespmem:s20+$0x5B0]  }
0x2f8: {  	v13 =	vld [tilespmem:s20+$0x9A0]  }
0x2f9: {  	v15 =	vld [tilespmem:s20+$0x5D0]  }
0x2fa: {  	v16 =	vld [tilespmem:s20+$0x5F0]  }
0x2fb: {  	v17 =	vld [tilespmem:s20+$0x9D0]  }
0x2fc: {  	v18 =	vld [tilespmem:s20+$0x580]  }
0x2fd: {  	v19 =	vld [tilespmem:s20+$0x590]  }
0x2fe: {  	v20 =	vld [tilespmem:s20+$0x5C0]  }
0x2ff: {  	v21 =	vld [tilespmem:s20+$0x9B0];
	v27 =	vmul.f32 $1.442695020e+00, v27;
	v29 =	vmul.f32 $1.442695020e+00, v29  }
0x300: {  	v23 =	vld [tilespmem:s20+$0x9E0];
	v13 =	vmul.f32 $1.442695020e+00, v13;
	v12 =	vmul.f32 $1.442695020e+00, v12  }
0x301: {  	v22 =	vld [tilespmem:s20+$0x980];
	v11 =	vmul.f32 $1.442695020e+00, v11;
	v16 =	vmul.f32 $1.442695020e+00, v16  }
0x302: {  	v25 =	vld [tilespmem:s20+$0x9C0];
	v17 =	vmul.f32 $1.442695020e+00, v17;
	v18 =	vmul.f32 $1.442695020e+00, v18  }
0x303: {  	v26 =	vld [tilespmem:s20+$0x9F0];
	v19 =	vmul.f32 $1.442695020e+00, v19;
	v20 =	vmul.f32 $1.442695020e+00, v20  }
0x304: {  	v14 =	vld [tilespmem:s20+$0x5A0];
	v21 =	vmul.f32 $1.442695020e+00, v21;
	v15 =	vmul.f32 $1.442695020e+00, v15  }
0x305: {  	v24 =	vld [tilespmem:s20+$0x990];
	v23 =	vmul.f32 $1.442695020e+00, v23;
	(erf) = vpow2.f32 v13  }
0x306: {  	s20 =	simm.s32 $0x1000;
	v22 =	vmul.f32 $1.442695020e+00, v22;
	v13 =	vld [tilespmem:s21+$0x9A0];
	(erf) = vpow2.f32 v12  }
0x307: {  	v56 =	vld [tilespmem:s20+$0x5E0];
	v25 =	vmul.f32 $1.442695020e+00, v25;
	(erf) = vpow2.f32 v11  }
0x308: {  	v26 =	vmul.f32 $1.442695020e+00, v26;
	v11 =	vld [tilespmem:s21+$0x5F0];
	(erf) = vpow2.f32 v16  }
0x309: {  	v14 =	vmul.f32 $1.442695020e+00, v14;
	v12 =	vld [tilespmem:s21+$0x5D0];
	(erf) = vpow2.f32 v17  }
0x30a: {  	v24 =	vmul.f32 $1.442695020e+00, v24;
	v16 =	vld [tilespmem:s21+$0x9D0];
	(erf) = vpow2.f32 v20  }
0x30b: {  	v17 =	vld [tilespmem:s21+$0x580];
	v30 =	vmul.f32 $1.442695020e+00, v13;
	(erf) = vpow2.f32 v14  }
0x30c: {  	v20 =	vmul.f32 $1.442695020e+00, v28;
	v14 =	vld [tilespmem:s21+$0x5C0];
	(erf) = vpow2.f32 v21  }
0x30d: {  	v21 =	vmul.f32 $1.442695020e+00, v11;
	v11 =	vld [tilespmem:s21+$0x9B0];
	(erf) = vpow2.f32 v18  }
0x30e: {  	v13 =	vld [tilespmem:s21+$0x590];
	v57 =	vmul.f32 $1.442695020e+00, v12;
	v31 =	vpop (erf);
	(erf) = vpow2.f32 v15  }
0x30f: {  	v16 =	vmul.f32 $1.442695020e+00, v16;
	v15 =	vld [tilespmem:s21+$0x9E0];
	v28 =	vpop (erf);
	(erf) = vpow2.f32 v22  }
0x310: {  	v18 =	vld [tilespmem:s21+$0x980];
	v17 =	vmul.f32 $1.442695020e+00, v17;
	(erf) = vpow2.f32 v19;
	v53 =	vpop (erf)  }
0x311: {  	v54 =	vmul.f32 $1.442695020e+00, v14;
	v14 =	vld [tilespmem:s21+$0x9C0];
	v19 =	vpop (erf);
	(erf) = vpow2.f32 v25  }
0x312: {  	v55 =	vmul.f32 $1.442695020e+00, v11;
	v25 =	vld [tilespmem:s21+$0x9F0];
	v11 =	vpop (erf);
	(erf) = vpow2.f32 v26  }
0x313: {  	v52 =	vmul.f32 $1.442695020e+00, v13;
	v22 =	vld [tilespmem:s21+$0x990];
	v26 =	vimm.f32 $0.0e+00;
	v12 =	vpop (erf);
	(erf) = vpow2.f32 v24  }
0x314: {  	v24 =	vadd.f32 v28, v26;
	v28 =	vld [tilespmem:s20+$0x5B0];
	v13 =	vmul.f32 $1.442695020e+00, v15;
	(erf) = vpow2.f32 v30;
	v15 =	vpop (erf)  }
0x315: {  	v58 =	vmul.f32 $1.442695020e+00, v18;
	v30 =	vld [tilespmem:s20+$0x9A0];
	v40 =	vpop (erf);
	(erf) = vpow2.f32 v23  }
0x316: {  	v61 =	vld [tilespmem:s20+$0x580];
	v39 =	vadd.f32 v15, v26;
	v41 =	vmul.f32 $1.442695020e+00, v14;
	(erf) = vpow2.f32 v20;
	v18 =	vpop (erf)  }
0x317: {  	v20 =	vadd.f32 v19, v24;
	v19 =	vmul.f32 $1.442695020e+00, v25;
	v24 =	vld [tilespmem:s20+$0x5F0];
	(erf) = vpow2.f32 v27;
	v42 =	vpop (erf)  }
0x318: {  	v43 =	vld [tilespmem:s20+$0x590];
	v23 =	vadd.f32 v18, v26;
	v18 =	vmul.f32 $1.442695020e+00, v22;
	(erf) = vpow2.f32 v21;
	v59 =	vpop (erf)  }
0x319: {  	v44 =	vld [tilespmem:s20+$0x5C0];
	v20 =	vadd.f32 v40, v20;
	v22 =	vmul.f32 $1.442695020e+00, v28;
	(erf) = vpow2.f32 v16;
	v60 =	vpop (erf)  }
0x31a: {  	v27 =	vld [tilespmem:s20+$0x9D0];
	v16 =	vadd.f32 v53, v39;
	v25 =	vmul.f32 $1.442695020e+00, v30;
	(erf) = vpow2.f32 v54;
	v21 =	vpop (erf)  }
0x31b: {  	v36 =	vld [tilespmem:s20+$0x9B0];
	v30 =	vadd.f32 v12, v23;
	v23 =	vmul.f32 $1.442695020e+00, v56;
	(erf) = vpow2.f32 v29;
	v12 =	vpop (erf)  }
0x31c: {  	v32 =	vld [tilespmem:s20+$0x9E0];
	v26 =	vadd.f32 v60, v26;
	v24 =	vmul.f32 $1.442695020e+00, v24;
	(erf) = vpow2.f32 v55;
	v62 =	vpop (erf)  }
0x31d: {  	v33 =	vld [tilespmem:s20+$0x9C0];
	v45 =	vadd.f32 v31, v16;
	v28 =	vadd.f32 v12, v20;
	(erf) = vpow2.f32 v17;
	v12 =	vpop (erf)  }
0x31e: {  	v15 =	vld [tilespmem:s20+$0x5A0];
	v16 =	vmul.f32 $1.442695020e+00, v43;
	v31 =	vadd.f32 v42, v26;
	(erf) = vpow2.f32 v57;
	v63 =	vpop (erf)  }
0x31f: {  	v14 =	vld [tilespmem:s20+$0x5D0];
	v38 =	vadd.f32 v59, v30;
	v27 =	vmul.f32 $1.442695020e+00, v27;
	v34 =	vpop (erf);
	(erf) = vpow2.f32 v58  }
0x320: {  	v29 =	vld [tilespmem:s20+$0x980];
	v17 =	vmul.f32 $1.442695020e+00, v61;
	v35 =	vadd.f32 v62, v31;
	(erf) = vpow2.f32 v52;
	v20 =	vpop (erf)  }
0x321: {  	s21 =	simm.s32 $0x6000;
	v26 =	vld [tilespmem:s20+$0x990];
	v31 =	vmul.f32 $1.442695020e+00, v44;
	v37 =	vadd.f32 v63, v45;
	v30 =	vpop (erf);
	(erf) = vpow2.f32 v41  }
.LBB2_15:
0x322: {  	v36 =	vmul.f32 $1.442695020e+00, v36;
	(erf) = vpow2.f32 v19;
	v21 =	vadd.f32 v21, v38  }
0x323: {  	p0 =	sne.s32 s21, $0x3E000;
	v39 =	vld [tilespmem:s20+$0x9F0];
	s20 =	sshra.s32 s21, $0x2;
	s21 =	sadd.s32 $0x2000, s21;
	v19 =	vmov v11;
	v11 =	vpop (erf);
	v38 =	vmov v13;
	v40 =	vmov v15  }
0x324: {  	v42 =	vmul.f32 $1.442695020e+00, v14;
	v14 =	vadd.f32 v34, v28;
	v41 =	vld [tilespmem:s20+$0x5E0];
	v28 =	vpop (erf);
	(erf) = vpow2.f32 v18  }
0x325: {  	v34 =	vld [tilespmem:s20+$0x5B0];
	v13 =	vmul.f32 $1.442695020e+00, v32;
	(erf) = vpow2.f32 v25;
	v15 =	vpop (erf);
	v32 =	vadd.f32 v19, v35  }
0x326: {  	v35 =	vmul.f32 $1.442695020e+00, v29;
	v25 =	vld [tilespmem:s20+$0x9A0];
	v29 =	vadd.f32 v15, v37;
	v37 =	vpop (erf);
	(erf) = vpow2.f32 v38  }
0x327: {  	v15 =	vld [tilespmem:s20+$0x5A0];
	v43 =	vmul.f32 $1.442695020e+00, v33;
	(erf) = vpow2.f32 v22;
	v22 =	vadd.f32 v30, v14;
	v18 =	vpop (erf)  }
0x328: {  	v14 =	vld [tilespmem:s20+$0x5D0];
	v19 =	vmul.f32 $1.442695020e+00, v39;
	(erf) = vpow2.f32 v23;
	v39 =	vadd.f32 v18, v21;
	v30 =	vpop (erf)  }
0x329: {  	v18 =	vmul.f32 $1.442695020e+00, v26;
	v33 =	vld [tilespmem:s20+$0x5F0];
	(erf) = vpow2.f32 v24;
	v24 =	vadd.f32 v37, v22;
	v26 =	vpop (erf)  }
0x32a: {  	v23 =	vmul.f32 $1.442695020e+00, v40;
	v20 =	vadd.f32 v20, v29;
	v37 =	vld [tilespmem:s20+$0x9D0];
	(erf) = vpow2.f32 v27;
	v27 =	vpop (erf)  }
0x32b: {  	v38 =	vld [tilespmem:s20+$0x580];
	v25 =	vmul.f32 $1.442695020e+00, v25;
	(erf) = vpow2.f32 v31;
	v31 =	vadd.f32 v28, v39;
	v21 =	vpop (erf)  }
0x32c: {  	v22 =	vmul.f32 $1.442695020e+00, v34;
	v32 =	vadd.f32 v27, v32;
	v39 =	vld [tilespmem:s20+$0x590];
	(erf) = vpow2.f32 v23;
	v27 =	vpop (erf)  }
0x32d: {  	v23 =	vmul.f32 $1.442695020e+00, v41;
	v40 =	vld [tilespmem:s20+$0x5C0];
	(erf) = vpow2.f32 v36;
	v28 =	vadd.f32 v27, v24;
	v41 =	vpop (erf)  }
.Ltmp6:
0x32e: {  	v44 =	vadd.f32 v12, v20;
	v24 =	vmul.f32 $1.442695020e+00, v33;
	v36 =	vld [tilespmem:s20+$0x9B0];
	(erf) = vpow2.f32 v17;
	v12 =	vpop (erf);
	(pc) =	sbr.rel @p0 .LBB2_15-.Ltmp6, $4  }
0x32f: {  	v29 =	vld [tilespmem:s20+$0x980];
	v27 =	vmul.f32 $1.442695020e+00, v37;
	(erf) = vpow2.f32 v42;
	v42 =	vadd.f32 v30, v32;
	v37 =	vpop (erf)  }
0x330: {  	v17 =	vmul.f32 $1.442695020e+00, v38;
	v32 =	vld [tilespmem:s20+$0x9E0];
	v34 =	vpop (erf);
	(erf) = vpow2.f32 v35;
	v38 =	vadd.f32 v26, v31  }
0x331: {  	v26 =	vld [tilespmem:s20+$0x990];
	(erf) = vpow2.f32 v16;
	v16 =	vmul.f32 $1.442695020e+00, v39;
	v20 =	vpop (erf);
	v35 =	vadd.f32 v41, v42  }
0x332: {  	v37 =	vadd.f32 v37, v44;
	v31 =	vmul.f32 $1.442695020e+00, v40;
	v33 =	vld [tilespmem:s20+$0x9C0];
	v30 =	vpop (erf);
	(erf) = vpow2.f32 v43  }
0x333: {  	v39 =	vpop (erf);
	(erf) = vpow2.f32 v19  }
0x334: {  	v19 =	vpop (erf);
	(erf) = vpow2.f32 v18  }
0x335: {  	(erf) = vpow2.f32 v25  }
0x336: {  	v18 =	vpop (erf);
	(erf) = vpow2.f32 v13  }
0x337: {  	v25 =	vpop (erf);
	(erf) = vpow2.f32 v22  }
0x338: {  	v13 =	vpop (erf);
	(erf) = vpow2.f32 v23  }
0x339: {  	v15 =	vmul.f32 $1.442695020e+00, v15;
	v22 =	vpop (erf);
	(erf) = vpow2.f32 v24  }
0x33a: {  	v23 =	vpop (erf);
	(erf) = vpow2.f32 v27;
	v27 =	vmul.f32 $1.442695020e+00, v36  }
0x33b: {  	v24 =	vpop (erf)  }
0x33c: {  	v14 =	vmul.f32 $1.442695020e+00, v14;
	(erf) = vpow2.f32 v31;
	v31 =	vpop (erf)  }
0x33d: {  	(erf) = vpow2.f32 v15;
	v15 =	vpop (erf)  }
0x33e: {  	v47 =	vld [tilespmem:s20+$0x9F0];
	v28 =	vadd.f32 v34, v28;
	(erf) = vpow2.f32 v27;
	v27 =	vpop (erf)  }
0x33f: {  	v21 =	vadd.f32 v21, v38;
	v29 =	vmul.f32 $1.442695020e+00, v29;
	(erf) = vpow2.f32 v17;
	v17 =	vpop (erf)  }
0x340: {  	v11 =	vadd.f32 v11, v35;
	v28 =	vadd.f32 v30, v28;
	(erf) = vpow2.f32 v14;
	v14 =	vpop (erf)  }
0x341: {  	v18 =	vadd.f32 v18, v37;
	v26 =	vmul.f32 $1.442695020e+00, v26;
	(erf) = vpow2.f32 v29;
	v48 =	vpop (erf)  }
0x342: {  	v11 =	vadd.f32 v24, v11;
	v29 =	vmul.f32 $1.442695020e+00, v33;
	(erf) = vpow2.f32 v16;
	v16 =	vpop (erf)  }
0x343: {  	v49 =	vmul.f32 $1.442695020e+00, v47;
	v13 =	vadd.f32 v13, v21;
	v18 =	vadd.f32 v20, v18;
	v21 =	vpop (erf)  }
0x344: {  	v11 =	vadd.f32 v22, v11;
	v22 =	vadd.f32 v25, v28;
	(erf) = vpow2.f32 v29;
	v24 =	vpop (erf)  }
0x345: {  	v13 =	vadd.f32 v19, v13;
	(erf) = vpow2.f32 v49;
	v20 =	vpop (erf)  }
0x346: {  	v32 =	vmul.f32 $1.442695020e+00, v32;
	v15 =	vadd.f32 v15, v22;
	(erf) = vpow2.f32 v26;
	v19 =	vpop (erf)  }
0x347: {  	v12 =	vadd.f32 v12, v18;
	v13 =	vadd.f32 v23, v13;
	v18 =	vpop (erf)  }
0x348: {  	v11 =	vadd.f32 v27, v11;
	v15 =	vadd.f32 v48, v15;
	(erf) = vpow2.f32 v32;
	v23 =	vpop (erf)  }
0x349: {  	v13 =	vadd.f32 v31, v13;
	v12 =	vadd.f32 v14, v12;
	v14 =	vpop (erf)  }
0x34a: {  	v11 =	vadd.f32 v39, v11;
	v15 =	vadd.f32 v21, v15;
	v22 =	vpop (erf)  }
0x34b: {  	v12 =	vadd.f32 v19, v12;
	v13 =	vadd.f32 v23, v13;
	v19 =	vpop (erf)  }
0x34c: {  	v11 =	vadd.f32 v19, v11  }
0x34d: {  	v12 =	vadd.f32 v16, v12;
	v13 =	vadd.f32 v20, v13;
	v16 =	vpop (erf)  }
0x34e: {  	v19 =	vpop (erf);
	v11 =	vadd.f32 v14, v11  }
0x34f: {  	v13 =	vadd.f32 v22, v13;
	v14 =	vadd.f32 v18, v15;
	v15 =	vpop (erf)  }
0x350: {  	v12 =	vadd.f32 v17, v12;
	v11 =	vadd.f32 v15, v11  }
0x351: {  	v13 =	vadd.f32 v16, v13;
	v17 =	vpop (erf);
	v14 =	vadd.f32 v19, v14  }
0x352: {  	v12 =	vadd.f32 v17, v12;
	v11 =	vadd.f32 v24, v11;
	_ =	sdelay $0x1  }
0x353: {  	v12 =	vadd.f32 v14, v12;
	v11 =	vadd.f32 v11, v13;
	_ =	sdelay $0x1  }
0x354: {  	s16 =	sor.u32 $0x300, s16;
	v11 =	vadd.f32 v12, v11  }
0x355: {  	s16 =	sand.u32 $0x3FFFFF80, s16  }
0x356: {  	[tilespmem:s16+$0x10280] =	vst v11  }
0x357: {  	v11 =	vld [tilespmem:s11+$0x106];
	_ =	sdelay $0x4  }
0x358: {  	(v2sf) =	vpush v11, $0x0;
	_ =	sdelay $0xe  }
0x359: {  	s16 =	spop (v2sf)  }
0x35a: {  	s21 =	sshra.s32 s16, $0x1F  }
0x35b: {  	s20 =	sshrl.u32 s21, $0x1C  }
0x35c: {  	s20 =	sadd.s32 s20, s16  }
0x35d: {  	s21 =	sand.u32 $0xFFFFFFF0, s20  }
0x35e: {  	p0 =	slt.s32 s16, $0x1;
	p1 =	sne.s32 s16, s21  }
0x35f: {  	p0 =	por !p0, !p1  }
0x360: {  	s21 =	simm.s32 $0x1;
	p0 =	por !p0, !p0  }
0x361: {  	s20 =	sshra.s32 s20, $0x4;
	s21 =	simm.s32 @!p0 $0x0  }
0x362: {  	s20 =	ssub.s32 s20, s21  }
0x363: {  	s21 =	sshll.u32 s20, $0x4;
	s20 =	sshll.u32 s20, $0x7  }
0x364: {  	s21 =	sand.u32 $0x70, s21;
	s20 =	sand.u32 $0xFFFFFC00, s20  }
0x365: {  	s20 =	sor.u32 s21, s20  }
0x366: {  	s21 =	simm.s32 $0x800;
	v11 =	vld [tilespmem:s20+$0x580]  }
0x367: {  	v28 =	vld [tilespmem:s21+$0x660]  }
0x368: {  	v29 =	vld [tilespmem:s21+$0x630]  }
0x369: {  	s20 =	simm.s32 $0x0;
	v30 =	vld [tilespmem:s21+$0x620]  }
0x36a: {  	v12 =	vld [tilespmem:s20+$0x660]  }
0x36b: {  	v13 =	vld [tilespmem:s20+$0x630]  }
0x36c: {  	v14 =	vld [tilespmem:s20+$0xA20]  }
0x36d: {  	v16 =	vld [tilespmem:s20+$0x650]  }
0x36e: {  	v17 =	vld [tilespmem:s20+$0x670]  }
0x36f: {  	v18 =	vld [tilespmem:s20+$0xA50]  }
0x370: {  	v19 =	vld [tilespmem:s20+$0x600]  }
0x371: {  	v20 =	vld [tilespmem:s20+$0x610]  }
0x372: {  	v21 =	vld [tilespmem:s20+$0x640]  }
0x373: {  	v22 =	vld [tilespmem:s20+$0xA30];
	v28 =	vmul.f32 $1.442695020e+00, v28;
	v30 =	vmul.f32 $1.442695020e+00, v30  }
0x374: {  	v24 =	vld [tilespmem:s20+$0xA60];
	v14 =	vmul.f32 $1.442695020e+00, v14;
	v13 =	vmul.f32 $1.442695020e+00, v13  }
0x375: {  	v23 =	vld [tilespmem:s20+$0xA00];
	v12 =	vmul.f32 $1.442695020e+00, v12;
	v17 =	vmul.f32 $1.442695020e+00, v17  }
0x376: {  	v26 =	vld [tilespmem:s20+$0xA40];
	v18 =	vmul.f32 $1.442695020e+00, v18;
	v19 =	vmul.f32 $1.442695020e+00, v19  }
0x377: {  	v27 =	vld [tilespmem:s20+$0xA70];
	v20 =	vmul.f32 $1.442695020e+00, v20;
	v21 =	vmul.f32 $1.442695020e+00, v21  }
0x378: {  	v15 =	vld [tilespmem:s20+$0x620];
	v22 =	vmul.f32 $1.442695020e+00, v22;
	v16 =	vmul.f32 $1.442695020e+00, v16  }
0x379: {  	v25 =	vld [tilespmem:s20+$0xA10];
	s20 =	simm.s32 $0x1000;
	v24 =	vmul.f32 $1.442695020e+00, v24;
	(erf) = vpow2.f32 v14  }
0x37a: {  	v45 =	vld [tilespmem:s20+$0x640];
	v23 =	vmul.f32 $1.442695020e+00, v23;
	(erf) = vpow2.f32 v13  }
0x37b: {  	v26 =	vmul.f32 $1.442695020e+00, v26;
	v14 =	vld [tilespmem:s21+$0xA20];
	(erf) = vpow2.f32 v12  }
0x37c: {  	v27 =	vmul.f32 $1.442695020e+00, v27;
	v12 =	vld [tilespmem:s21+$0x670];
	(erf) = vpow2.f32 v17  }
0x37d: {  	v55 =	vld [tilespmem:s20+$0x660];
	v15 =	vmul.f32 $1.442695020e+00, v15;
	(erf) = vpow2.f32 v18  }
0x37e: {  	v25 =	vmul.f32 $1.442695020e+00, v25;
	v13 =	vld [tilespmem:s21+$0x650];
	(erf) = vpow2.f32 v21  }
0x37f: {  	v32 =	vmul.f32 $1.442695020e+00, v45;
	v17 =	vld [tilespmem:s21+$0xA50];
	(erf) = vpow2.f32 v15  }
0x380: {  	v31 =	vmul.f32 $1.442695020e+00, v14;
	v15 =	vld [tilespmem:s21+$0x640];
	(erf) = vpow2.f32 v22  }
0x381: {  	v22 =	vmul.f32 $1.442695020e+00, v12;
	v12 =	vld [tilespmem:s21+$0xA30];
	(erf) = vpow2.f32 v19  }
0x382: {  	v14 =	vld [tilespmem:s21+$0x610];
	v21 =	vmul.f32 $1.442695020e+00, v29;
	v50 =	vpop (erf);
	(erf) = vpow2.f32 v16  }
0x383: {  	v56 =	vmul.f32 $1.442695020e+00, v13;
	v16 =	vld [tilespmem:s21+$0xA60];
	v29 =	vpop (erf);
	(erf) = vpow2.f32 v23  }
0x384: {  	v18 =	vld [tilespmem:s21+$0x600];
	v17 =	vmul.f32 $1.442695020e+00, v17;
	(erf) = vpow2.f32 v20;
	v52 =	vpop (erf)  }
0x385: {  	v19 =	vld [tilespmem:s21+$0xA00];
	v53 =	vmul.f32 $1.442695020e+00, v15;
	v20 =	vpop (erf);
	(erf) = vpow2.f32 v26  }
0x386: {  	v15 =	vld [tilespmem:s21+$0xA40];
	v54 =	vmul.f32 $1.442695020e+00, v12;
	v12 =	vpop (erf);
	(erf) = vpow2.f32 v27  }
0x387: {  	v51 =	vmul.f32 $1.442695020e+00, v14;
	v26 =	vld [tilespmem:s21+$0xA70];
	v13 =	vpop (erf);
	(erf) = vpow2.f32 v25  }
0x388: {  	v23 =	vld [tilespmem:s21+$0xA10];
	v27 =	vimm.f32 $0.0e+00;
	v14 =	vmul.f32 $1.442695020e+00, v16;
	(erf) = vpow2.f32 v31;
	v16 =	vpop (erf)  }
0x389: {  	v18 =	vmul.f32 $1.442695020e+00, v18;
	v25 =	vadd.f32 v29, v27;
	v29 =	vld [tilespmem:s20+$0x630];
	v41 =	vpop (erf);
	(erf) = vpow2.f32 v24  }
0x38a: {  	v57 =	vmul.f32 $1.442695020e+00, v19;
	v31 =	vld [tilespmem:s20+$0xA20];
	v40 =	vadd.f32 v16, v27;
	(erf) = vpow2.f32 v21;
	v19 =	vpop (erf)  }
0x38b: {  	v60 =	vld [tilespmem:s20+$0x600];
	v42 =	vmul.f32 $1.442695020e+00, v15;
	v21 =	vadd.f32 v20, v25;
	(erf) = vpow2.f32 v28;
	v43 =	vpop (erf)  }
0x38c: {  	v20 =	vmul.f32 $1.442695020e+00, v26;
	v25 =	vld [tilespmem:s20+$0x670];
	v24 =	vadd.f32 v19, v27;
	(erf) = vpow2.f32 v22;
	v58 =	vpop (erf)  }
0x38d: {  	v44 =	vld [tilespmem:s20+$0x610];
	v19 =	vmul.f32 $1.442695020e+00, v23;
	v21 =	vadd.f32 v41, v21;
	(erf) = vpow2.f32 v17;
	v59 =	vpop (erf)  }
0x38e: {  	v28 =	vld [tilespmem:s20+$0xA50];
	v23 =	vmul.f32 $1.442695020e+00, v29;
	v17 =	vadd.f32 v52, v40;
	(erf) = vpow2.f32 v53;
	v22 =	vpop (erf)  }
0x38f: {  	v37 =	vld [tilespmem:s20+$0xA30];
	v26 =	vmul.f32 $1.442695020e+00, v31;
	v31 =	vadd.f32 v13, v24;
	(erf) = vpow2.f32 v30;
	v13 =	vpop (erf)  }
0x390: {  	v33 =	vld [tilespmem:s20+$0xA60];
	v24 =	vmul.f32 $1.442695020e+00, v55;
	v27 =	vadd.f32 v59, v27;
	(erf) = vpow2.f32 v54;
	v61 =	vpop (erf)  }
0x391: {  	v34 =	vld [tilespmem:s20+$0xA40];
	v25 =	vmul.f32 $1.442695020e+00, v25;
	v29 =	vadd.f32 v13, v21;
	(erf) = vpow2.f32 v18;
	v13 =	vpop (erf)  }
0x392: {  	v16 =	vld [tilespmem:s20+$0x620];
	v46 =	vadd.f32 v50, v17;
	v17 =	vmul.f32 $1.442695020e+00, v44;
	(erf) = vpow2.f32 v56;
	v63 =	vpop (erf)  }
0x393: {  	v15 =	vld [tilespmem:s20+$0x650];
	v28 =	vmul.f32 $1.442695020e+00, v28;
	v62 =	vadd.f32 v43, v27;
	v35 =	vpop (erf);
	(erf) = vpow2.f32 v57  }
0x394: {  	v30 =	vld [tilespmem:s20+$0xA00];
	v39 =	vadd.f32 v58, v31;
	v18 =	vmul.f32 $1.442695020e+00, v60;
	(erf) = vpow2.f32 v51;
	v21 =	vpop (erf)  }
0x395: {  	s21 =	simm.s32 $0x6000;
	v27 =	vld [tilespmem:s20+$0xA10];
	v36 =	vadd.f32 v61, v62;
	v38 =	vadd.f32 v63, v46;
	v31 =	vpop (erf);
	(erf) = vpow2.f32 v42  }
.LBB2_17:
0x396: {  	v37 =	vmul.f32 $1.442695020e+00, v37;
	(erf) = vpow2.f32 v20;
	v22 =	vadd.f32 v22, v39  }
0x397: {  	p0 =	sne.s32 s21, $0x3E000;
	v40 =	vld [tilespmem:s20+$0xA70];
	s20 =	sshra.s32 s21, $0x2;
	s21 =	sadd.s32 $0x2000, s21;
	v20 =	vmov v12;
	v12 =	vpop (erf);
	v39 =	vmov v14;
	v41 =	vmov v16  }
0x398: {  	v43 =	vmul.f32 $1.442695020e+00, v15;
	v15 =	vadd.f32 v35, v29;
	v42 =	vld [tilespmem:s20+$0x660];
	v29 =	vpop (erf);
	(erf) = vpow2.f32 v19  }
0x399: {  	v35 =	vld [tilespmem:s20+$0x630];
	v14 =	vmul.f32 $1.442695020e+00, v33;
	(erf) = vpow2.f32 v26;
	v16 =	vpop (erf);
	v33 =	vadd.f32 v20, v36  }
0x39a: {  	v36 =	vmul.f32 $1.442695020e+00, v30;
	v26 =	vld [tilespmem:s20+$0xA20];
	v30 =	vadd.f32 v16, v38;
	v38 =	vpop (erf);
	(erf) = vpow2.f32 v39  }
0x39b: {  	v16 =	vld [tilespmem:s20+$0x620];
	v44 =	vmul.f32 $1.442695020e+00, v34;
	(erf) = vpow2.f32 v23;
	v23 =	vadd.f32 v31, v15;
	v19 =	vpop (erf)  }
0x39c: {  	v15 =	vld [tilespmem:s20+$0x650];
	v20 =	vmul.f32 $1.442695020e+00, v40;
	(erf) = vpow2.f32 v24;
	v40 =	vadd.f32 v19, v22;
	v31 =	vpop (erf)  }
0x39d: {  	v19 =	vmul.f32 $1.442695020e+00, v27;
	v34 =	vld [tilespmem:s20+$0x670];
	(erf) = vpow2.f32 v25;
	v25 =	vadd.f32 v38, v23;
	v27 =	vpop (erf)  }
0x39e: {  	v24 =	vmul.f32 $1.442695020e+00, v41;
	v21 =	vadd.f32 v21, v30;
	v38 =	vld [tilespmem:s20+$0xA50];
	(erf) = vpow2.f32 v28;
	v28 =	vpop (erf)  }
0x39f: {  	v39 =	vld [tilespmem:s20+$0x600];
	v26 =	vmul.f32 $1.442695020e+00, v26;
	(erf) = vpow2.f32 v32;
	v32 =	vadd.f32 v29, v40;
	v22 =	vpop (erf)  }
0x3a0: {  	v23 =	vmul.f32 $1.442695020e+00, v35;
	v33 =	vadd.f32 v28, v33;
	v40 =	vld [tilespmem:s20+$0x610];
	(erf) = vpow2.f32 v24;
	v28 =	vpop (erf)  }
0x3a1: {  	v24 =	vmul.f32 $1.442695020e+00, v42;
	v41 =	vld [tilespmem:s20+$0x640];
	(erf) = vpow2.f32 v37;
	v29 =	vadd.f32 v28, v25;
	v42 =	vpop (erf)  }
.Ltmp7:
0x3a2: {  	v45 =	vadd.f32 v13, v21;
	v25 =	vmul.f32 $1.442695020e+00, v34;
	v37 =	vld [tilespmem:s20+$0xA30];
	(erf) = vpow2.f32 v18;
	v13 =	vpop (erf);
	(pc) =	sbr.rel @p0 .LBB2_17-.Ltmp7, $4  }
0x3a3: {  	v30 =	vld [tilespmem:s20+$0xA00];
	v28 =	vmul.f32 $1.442695020e+00, v38;
	(erf) = vpow2.f32 v43;
	v43 =	vadd.f32 v31, v33;
	v38 =	vpop (erf)  }
0x3a4: {  	v18 =	vmul.f32 $1.442695020e+00, v39;
	v33 =	vld [tilespmem:s20+$0xA60];
	v35 =	vpop (erf);
	(erf) = vpow2.f32 v36;
	v39 =	vadd.f32 v27, v32  }
0x3a5: {  	v27 =	vld [tilespmem:s20+$0xA10];
	(erf) = vpow2.f32 v17;
	v17 =	vmul.f32 $1.442695020e+00, v40;
	v21 =	vpop (erf);
	v36 =	vadd.f32 v42, v43  }
0x3a6: {  	v38 =	vadd.f32 v38, v45;
	v32 =	vmul.f32 $1.442695020e+00, v41;
	v34 =	vld [tilespmem:s20+$0xA40];
	v31 =	vpop (erf);
	(erf) = vpow2.f32 v44  }
0x3a7: {  	v40 =	vpop (erf);
	(erf) = vpow2.f32 v20  }
0x3a8: {  	v52 =	vpop (erf);
	(erf) = vpow2.f32 v19  }
0x3a9: {  	(erf) = vpow2.f32 v26;
	v53 =	vpop (erf)  }
0x3aa: {  	v54 =	vpop (erf);
	(erf) = vpow2.f32 v14  }
0x3ab: {  	(erf) = vpow2.f32 v23;
	v55 =	vpop (erf)  }
0x3ac: {  	(erf) = vpow2.f32 v24;
	v56 =	vpop (erf)  }
0x3ad: {  	(erf) = vpow2.f32 v25;
	v57 =	vpop (erf)  }
0x3ae: {  	v16 =	vmul.f32 $1.442695020e+00, v16;
	(erf) = vpow2.f32 v28;
	v58 =	vpop (erf)  }
0x3af: {  	v59 =	vmul.f32 $1.442695020e+00, v37;
	(erf) = vpow2.f32 v32;
	v60 =	vpop (erf)  }
0x3b0: {  	(erf) = vpow2.f32 v16;
	v61 =	vpop (erf)  }
0x3b1: {  	v62 =	vld [tilespmem:s20+$0xA70];
	v15 =	vmul.f32 $1.442695020e+00, v15;
	(erf) = vpow2.f32 v59;
	v63 =	vpop (erf)  }
0x3b2: {  	v30 =	vmul.f32 $1.442695020e+00, v30;
	(erf) = vpow2.f32 v18;
	v41 =	vpop (erf)  }
0x3b3: {  	v22 =	vadd.f32 v22, v39;
	(erf) = vpow2.f32 v15;
	v42 =	vpop (erf)  }
0x3b4: {  	v29 =	vadd.f32 v35, v29;
	v33 =	vmul.f32 $1.442695020e+00, v33;
	v43 =	vpop (erf);
	(erf) = vpow2.f32 v30  }
0x3b5: {  	v12 =	vadd.f32 v12, v36;
	v44 =	vmul.f32 $1.442695020e+00, v34;
	(erf) = vpow2.f32 v17;
	v45 =	vpop (erf)  }
0x3b6: {  	v19 =	vadd.f32 v53, v38;
	v46 =	vmul.f32 $1.442695020e+00, v62;
	v14 =	vadd.f32 v55, v22;
	v47 =	vpop (erf)  }
0x3b7: {  	v27 =	vmul.f32 $1.442695020e+00, v27;
	v12 =	vadd.f32 v58, v12;
	(erf) = vpow2.f32 v44;
	v48 =	vpop (erf)  }
0x3b8: {  	v29 =	vadd.f32 v31, v29;
	v14 =	vadd.f32 v52, v14;
	(erf) = vpow2.f32 v46;
	v49 =	vpop (erf)  }
0x3b9: {  	v19 =	vadd.f32 v21, v19;
	v12 =	vadd.f32 v56, v12;
	(erf) = vpow2.f32 v27;
	v50 =	vpop (erf)  }
0x3ba: {  	v51 =	vadd.f32 v54, v29;
	v14 =	vadd.f32 v57, v14;
	v52 =	vpop (erf)  }
0x3bb: {  	v13 =	vadd.f32 v13, v19;
	v12 =	vadd.f32 v63, v12;
	(erf) = vpow2.f32 v33;
	v53 =	vpop (erf)  }
0x3bc: {  	v16 =	vadd.f32 v61, v51;
	v14 =	vadd.f32 v60, v14;
	v54 =	vpop (erf)  }
0x3bd: {  	v13 =	vadd.f32 v42, v13;
	v12 =	vadd.f32 v40, v12;
	v55 =	vpop (erf)  }
0x3be: {  	v16 =	vadd.f32 v43, v16;
	v14 =	vadd.f32 v53, v14;
	v56 =	vpop (erf)  }
0x3bf: {  	v13 =	vadd.f32 v50, v13;
	v12 =	vadd.f32 v56, v12  }
0x3c0: {  	v16 =	vadd.f32 v47, v16;
	v14 =	vadd.f32 v49, v14;
	v57 =	vpop (erf)  }
0x3c1: {  	v13 =	vadd.f32 v45, v13;
	v58 =	vpop (erf);
	v12 =	vadd.f32 v54, v12  }
0x3c2: {  	v59 =	vadd.f32 v52, v16;
	v14 =	vadd.f32 v55, v14;
	v60 =	vpop (erf)  }
0x3c3: {  	v13 =	vadd.f32 v41, v13;
	v12 =	vadd.f32 v60, v12  }
0x3c4: {  	v15 =	vadd.f32 v58, v59;
	v14 =	vadd.f32 v57, v14;
	v61 =	vpop (erf)  }
0x3c5: {  	v13 =	vadd.f32 v61, v13;
	v12 =	vadd.f32 v48, v12;
	_ =	sdelay $0x1  }
0x3c6: {  	v13 =	vadd.f32 v15, v13;
	v12 =	vadd.f32 v12, v14;
	_ =	sdelay $0x1  }
0x3c7: {  	v12 =	vadd.f32 v13, v12;
	_ =	sdelay $0x1  }
0x3c8: {  	[tilespmem:s13+$0x10600] =	vst v12  }
0x3c9: {  	v12 =	vld [tilespmem:s11+$0x107];
	_ =	sdelay $0x4  }
0x3ca: {  	(v2sf) =	vpush v12, $0x0;
	_ =	sdelay $0xe  }
0x3cb: {  	s11 =	spop (v2sf)  }
0x3cc: {  	s21 =	sshra.s32 s11, $0x1F  }
0x3cd: {  	s12 =	sand.u32 $0xF, s12;
	s13 =	sshrl.u32 s21, $0x1C  }
0x3ce: {  	v62 =	vmov s12;
	s12 =	sadd.s32 s13, s11  }
0x3cf: {  	s20 =	sand.u32 $0xF, s14;
	vm1 =	veq.s32 v62, v0;
	s21 =	sand.u32 $0xFFFFFFF0, s12  }
0x3d0: {  	v5 =	vnsel vm1, $0x0, v5;
	v63 =	vmov s20;
	p0 =	slt.s32 s11, $0x1;
	p1 =	sne.s32 s11, s21  }
0x3d1: {  	v4 =	vadd.f32 v5, v4;
	s20 =	sand.u32 $0xF, s15;
	vm1 =	veq.s32 v63, v0;
	p0 =	por !p0, !p1  }
0x3d2: {  	v5 =	vnsel vm1, $0x0, v6;
	v6 =	vmov s20;
	s13 =	simm.s32 $0x1;
	p0 =	por !p0, !p0  }
0x3d3: {  	v4 =	vadd.f32 v5, v4;
	vm1 =	veq.s32 v6, v0;
	s12 =	sshra.s32 s12, $0x4;
	s21 =	sand.u32 $0xF, s17;
	s13 =	simm.s32 @!p0 $0x0  }
0x3d4: {  	v5 =	vnsel vm1, $0x0, v7;
	v6 =	vmov s21;
	s12 =	ssub.s32 s12, s13  }
0x3d5: {  	s14 =	sand.u32 $0xF, s18;
	v4 =	vadd.f32 v5, v4;
	vm1 =	veq.s32 v6, v0;
	s15 =	sshll.u32 s12, $0x4  }
0x3d6: {  	v6 =	vmov s14;
	v5 =	vnsel vm1, $0x0, v8;
	s12 =	sshll.u32 s12, $0x7;
	s17 =	sand.u32 $0x70, s15  }
0x3d7: {  	s18 =	sand.u32 $0xF, s19;
	vm1 =	veq.s32 v6, v0;
	v4 =	vadd.f32 v5, v4;
	s12 =	sor.u32 s12, s17  }
0x3d8: {  	v6 =	vmov s18;
	v5 =	vnsel vm1, $0x0, v9;
	s12 =	sor.u32 $0x380, s12  }
0x3d9: {  	s19 =	sand.u32 $0xF, s16;
	s20 =	sshll.u32 s10, $0xD;
	s10 =	sadd.s32 $0x1, s10;
	vm1 =	veq.s32 v6, v0;
	v4 =	vadd.f32 v5, v4;
	v5 =	vld [tilespmem:s12+$0x280]  }
0x3da: {  	v7 =	vmov s19;
	s11 =	sand.u32 $0xF, s11;
	s21 =	rddreg [dreg:$0x15];
	p0 =	sne.s32 s10, $0x20;
	v6 =	vnsel vm1, $0x0, v10  }
.Ltmp8:
0x3db: {  	vm1 =	veq.s32 v7, v0;
	v7 =	vmov s11;
	s11 =	simm.s32 $0x0;
	v4 =	vadd.f32 v6, v4;
	s12 =	sadd.s32 s20, s21;
	(pc) =	sbr.rel @p0 .LBB2_2-.Ltmp8, $4  }
0x3dc: {  	v6 =	vnsel vm1, $0x0, v11;
	[hbm4b:s12+s11] =	stream.linear.scatter [tilespmem:s8], [sflag:$0x2], $0x10000, $0x38;
	[tilespmem:$0x18300] =	vst v63  }
0x3dd: {  	vm1 =	veq.s32 v7, v0;
	v4 =	vadd.f32 v6, v4;
	_ =	swait.ge [sflag:s7], $0x10000  }
0x3de: {  	[sflag:s7] =	ssyncset.done $0x0;
	v5 =	vnsel vm1, $0x0, v5  }
0x3df: {  	[sflag:s7] =	ssyncadd.s32 $0xFFFF0000;
	v4 =	vadd.f32 v5, v4  }
0x3e0: {  	_ = 	snop  }
0x3e1: {  	s10 =	rddreg [dreg:$0x16];
	s12 =	simm.s32 $0x10280;
	[tilespmem:$0x18280] =	vst v4  }
0x3e2: {  	[hbm4b:s10+s11] =	stream.linear.scatter [tilespmem:s12], [sflag:$0x2], $0x8000, $0x38;
	[tilespmem:$0x18300] =	vst v63  }
0x3e3: {  	_ =	swait.ge [sflag:s7], $0x8000  }
0x3e4: {  	[sflag:s7] =	ssyncset.done $0x0  }
0x3e5: {  	s19 =	simm.s32 $0x18280;
	s18 =	rddreg [dreg:$0x17];
	[sflag:s7] =	ssyncadd.s32 $0xFFFF8000  }
0x3e6: {  	[hbm4b:s18+s11] =	stream.linear.scatter [tilespmem:s19], [sflag:$0x2], $0x80, $0x38;
	[tilespmem:$0x18300] =	vst v63  }
0x3e7: {  	_ =	swait.ge [sflag:s7], $0x80  }
0x3e8: {  	s20 =	rddreg [dreg:$0x19]  }
0x3e9: {  	s21 =	rddreg [dreg:$0x18];
	s12 =	sadd.s32 $0x1, s20  }
0x3ea: {  	p0 =	sne.s32 s12, s21  }
.Ltmp9:
0x3eb: {  	_ = 	snop;
	(pc) =	sbr.rel @p0 .LBB2_1-.Ltmp9, $3  }
0x3ec: {  	_ =	sdelay $0x1  }
0x3ed: {  	[sflag:s7] =	ssyncset.done $0x0  }
0x3ee: {  	[sflag:s7] =	ssyncadd.s32 $0xFFFFFF80  }
0x3ef: {  	_ =	sfence.sel $0x180000  }
0x3f0: {  	[bflag:$0x0] =	sbarrier.arrive $0xFFFF  }
0x3f1: {  	_ =	strace $0x90000047  }
0x3f2: {  	s0 =	stileid.u32;
	[bflag:$0x2] =	sbarrier.arrive $0xFFFF  }
0x3f3: {  	p0 =	sne.s32 s0, $0x0;
	s0 =	rddreg [dreg:$0x3]  }
0x3f4: {  	s0 =	sadd.s32 @!p0 $0x100000, s0  }
0x3f5: {  	[sflag:s0] =	ssyncadd.tile.s32 @!p0 $0x1;
	_ =	shalt  }
.Lfunc_end2:
_tile_overlayer_lowered:
.L_overlay_start_2:
0x3f6: {  	(tag) =	ssettag $0x2  }
0x3f7: {  	s0 =	rddreg [dreg:$0x0];
	s2 =	stileid.u32  }
0x3f8: {  	s1 =	rddreg [dreg:$0x1];
	p0 =	sne.s32 s2, $0x0  }
0x3f9: {  	s3 =	rddreg [dreg:$0x2];
	[bflag:$0x3] =	sbarrier.arrive $0xFFFF;
	s2 =	simm.s32 @!p0 $0x1C02  }
0x3fa: {  	[timem:s3], [sflag:s2] =	dma.local @!p0 [hbm:s0], s1  }
0x3fb: {  	s0 =	simm.s32 @!p0 $0x2  }
0x3fc: {  	_ =	swait.ge @!p0 [sflag:s0], s1  }
0x3fd: {  	s1 =	ssub.s32 @!p0 $0x0, s1;
	[sflag:s0] =	ssyncset.done @!p0 $0x0  }
0x3fe: {  	[sflag:s0] =	ssyncadd.s32 @!p0 s1  }
0x3ff: {  	[bflag:$0x3] =	sbarrier.arrive $0xFFFF  }
0x400: {  	_ =	shalt  }

</sc_bundles>
